<compile_context>
chip_gen: v7x
topology: tpu7x:2x2x1
jax: 0.10.2.dev20260603
libtpu: 0.0.44.dev20260713+nightly
codegen_flags: <defaults>
</compile_context>

<pallas_src>
import functools

import jax
import jax.numpy as jnp
from jax import lax
from jax.experimental import pallas as pl
from jax.experimental.pallas import tpu as pltpu
from jax.experimental.pallas import tpu_sc as plsc

N = 10000
D = 128
E = 320000
NC, NS = 2, 16
NW = NC * NS
K = 80
NCHUNK = 128
EPW = NCHUNK * K
EP = NW * EPW
NP = 10112
SINK = NP - 1
ROWS_PT = NP // NS
DEG_N = 10240
DEG_PT = DEG_N // NS

_MESH = dict(core_axis_name="c", subcore_axis_name="s")


@functools.partial(
    pl.kernel,
    out_type=jax.ShapeDtypeStruct((NC, DEG_N), jnp.float32),
    mesh=plsc.VectorSubcoreMesh(**_MESH),
    scratch_types=[
        pltpu.VMEM((8, K), jnp.int32),
        pltpu.VMEM((2, K), jnp.float32),
        pltpu.VMEM_SHARED((DEG_N,), jnp.float32),
    ],
)
def _deg_kernel(dst_hbm, out_hbm, dst_v, ones_v, deg_sh):
    c = lax.axis_index("c")
    s = lax.axis_index("s")
    w = c * NS + s

    for i in range(K // 16):
        ones_v[0, pl.ds(i * 16, 16)] = jnp.ones((16,), jnp.float32)
        ones_v[1, pl.ds(i * 16, 16)] = jnp.zeros((16,), jnp.float32)

    for r in range(DEG_PT // K):
        pltpu.sync_copy(ones_v.at[1],
                        deg_sh.at[pl.ds(s * DEG_PT + r * K, K)])
    plsc.subcore_barrier()

    def _slab(j, _):
        pltpu.sync_copy(dst_hbm.at[w, pl.ds(j * 8, 8)], dst_v)
        for r in range(8):
            pltpu.sync_copy(ones_v.at[0], deg_sh.at[dst_v.at[r]], add=True)
        return 0

    lax.fori_loop(0, NCHUNK // 8, _slab, 0)
    plsc.subcore_barrier()
    pltpu.sync_copy(
        deg_sh.at[pl.ds(s * DEG_PT, DEG_PT)],
        out_hbm.at[c, pl.ds(s * DEG_PT, DEG_PT)],
    )


@functools.partial(
    pl.kernel,
    out_type=jax.ShapeDtypeStruct((NC, NP, D), jnp.float32),
    mesh=plsc.VectorSubcoreMesh(**_MESH),
    scratch_types=[
        pltpu.VMEM((EPW,), jnp.int32),
        pltpu.VMEM((NCHUNK, K), jnp.int32),
        pltpu.VMEM((K, D), jnp.float32),
        pltpu.VMEM((K, D), jnp.float32),
        pltpu.VMEM_SHARED((NP, D), jnp.float32),
        pltpu.SemaphoreType.DMA,
        pltpu.SemaphoreType.DMA,
        pltpu.SemaphoreType.DMA,
        pltpu.SemaphoreType.DMA,
    ],
)
def _agg_kernel(g_hbm, src_hbm, dst_hbm, out_hbm,
                src_all, dst_all, rows0, rows1, agg_sh,
                sg0, sg1, ss0, ss1):
    c = lax.axis_index("c")
    s = lax.axis_index("s")
    w = c * NS + s

    pltpu.sync_copy(src_hbm.at[w], src_all)
    pltpu.sync_copy(dst_hbm.at[w], dst_all)

    H = K // 2

    def gather_start(j, rows, sem):
        pltpu.async_copy(g_hbm.at[src_all.at[pl.ds(j * K, H)]],
                         rows.at[pl.ds(0, H)], sem)
        pltpu.async_copy(g_hbm.at[src_all.at[pl.ds(j * K + H, H)]],
                         rows.at[pl.ds(H, H)], sem)

    def gather_wait(j, rows, sem):
        pltpu.make_async_copy(
            g_hbm.at[src_all.at[pl.ds(j * K, K)]], rows, sem).wait()

    def scatter_start(j, rows, sem):
        pltpu.async_copy(rows, agg_sh.at[dst_all.at[j]], sem, add=True)

    def scatter_wait(j, rows, sem):
        pltpu.make_async_copy(rows, agg_sh.at[dst_all.at[j]], sem).wait()

    def _z(i, _):
        rows0[i // 8, pl.ds((i % 8) * 16, 16)] = jnp.zeros((16,), jnp.float32)
        return 0

    lax.fori_loop(0, K * 8, _z, 0)
    base = s * ROWS_PT
    for r in range(ROWS_PT // K):
        pltpu.sync_copy(rows0, agg_sh.at[pl.ds(base + r * K, K)])
    rem = ROWS_PT % K
    pltpu.sync_copy(rows0.at[pl.ds(0, rem)],
                    agg_sh.at[pl.ds(base + ROWS_PT - rem, rem)])
    gather_start(0, rows0, sg0)
    gather_start(1, rows1, sg1)
    plsc.subcore_barrier()

    def _step(t, _):
        a = 2 * t
        b = a + 1
        gather_wait(a, rows0, sg0)
        scatter_start(a, rows0, ss0)
        gather_wait(b, rows1, sg1)
        scatter_start(b, rows1, ss1)
        scatter_wait(a, rows0, ss0)
        gather_start(a + 2, rows0, sg0)
        scatter_wait(b, rows1, ss1)
        gather_start(b + 2, rows1, sg1)
        return 0

    lax.fori_loop(0, NCHUNK // 2 - 1, _step, 0)

    gather_wait(NCHUNK - 2, rows0, sg0)
    scatter_start(NCHUNK - 2, rows0, ss0)
    gather_wait(NCHUNK - 1, rows1, sg1)
    scatter_start(NCHUNK - 1, rows1, ss1)
    scatter_wait(NCHUNK - 2, rows0, ss0)
    scatter_wait(NCHUNK - 1, rows1, ss1)

    plsc.subcore_barrier()
    pltpu.sync_copy(
        agg_sh.at[pl.ds(s * ROWS_PT, ROWS_PT)],
        out_hbm.at[c, pl.ds(s * ROWS_PT, ROWS_PT)],
    )


_R = 632
_RF = 1000


def _dinv(degA_ref, degB_ref):
    return lax.rsqrt(degA_ref[...] + degB_ref[...] + 1.0)


def _mm_body(x_ref, w_ref, o_ref):
    o_ref[...] = jnp.dot(x_ref[...], w_ref[...],
                         preferred_element_type=jnp.float32)


def _scale_body(h_ref, degA_ref, degB_ref, o_ref):
    o_ref[...] = h_ref[...] * _dinv(degA_ref, degB_ref)


def _layer2_body(g1_ref, aggA_ref, aggB_ref, degA_ref, degB_ref,
                 w2_ref, b1_ref, o_ref):
    dinv = _dinv(degA_ref, degB_ref)
    h = dinv * (aggA_ref[...] + aggB_ref[...] + g1_ref[...]) + b1_ref[...]
    h = jnp.maximum(h, 0.0)
    o_ref[...] = jnp.dot(h, w2_ref[...],
                         preferred_element_type=jnp.float32) * dinv


def _final_body(g2_ref, aggA_ref, aggB_ref, degA_ref, degB_ref,
                b2_ref, o_ref):
    dinv = _dinv(degA_ref, degB_ref)
    o_ref[...] = dinv * (aggA_ref[...] + aggB_ref[...] + g2_ref[...]) + b2_ref[...]


def _row_spec(r, width=D):
    return pl.BlockSpec((r, width), lambda i: (i, 0))


def _full_spec(shape):
    return pl.BlockSpec(shape, lambda i: (0, 0))


def _mm(xp, W):
    return pl.pallas_call(
        _mm_body,
        grid=(NP // _R,),
        in_specs=[_row_spec(_R), _full_spec((D, D))],
        out_specs=_row_spec(_R),
        out_shape=jax.ShapeDtypeStruct((NP, D), jnp.float32),
    )(xp, W)


def _scale(h, degA, degB):
    return pl.pallas_call(
        _scale_body,
        grid=(NP // _R,),
        in_specs=[_row_spec(_R), _row_spec(_R, 1), _row_spec(_R, 1)],
        out_specs=_row_spec(_R),
        out_shape=jax.ShapeDtypeStruct((NP, D), jnp.float32),
    )(h, degA, degB)


def _layer2(g1, aggA, aggB, degA, degB, W2, b1):
    return pl.pallas_call(
        _layer2_body,
        grid=(NP // _R,),
        in_specs=[_row_spec(_R), _row_spec(_R), _row_spec(_R),
                  _row_spec(_R, 1), _row_spec(_R, 1),
                  _full_spec((D, D)), _full_spec((1, D))],
        out_specs=_row_spec(_R),
        out_shape=jax.ShapeDtypeStruct((NP, D), jnp.float32),
    )(g1, aggA, aggB, degA, degB, W2, b1)


def _final(g2, aggA, aggB, degA, degB, b2):
    return pl.pallas_call(
        _final_body,
        grid=(N // _RF,),
        in_specs=[_row_spec(_RF), _row_spec(_RF), _row_spec(_RF),
                  _row_spec(_RF, 1), _row_spec(_RF, 1), _full_spec((1, D))],
        out_specs=_row_spec(_RF),
        out_shape=jax.ShapeDtypeStruct((N, D), jnp.float32),
    )(g2, aggA, aggB, degA, degB, b2)


def kernel(x, edge_index, W1, b1, W2, b2):
    src = edge_index[0].astype(jnp.int32)
    dst = edge_index[1].astype(jnp.int32)
    pad_idx = N + (jnp.arange(EP - E, dtype=jnp.int32) % (NP - N))
    src3 = jnp.concatenate([src, pad_idx]).reshape(NW, EPW)
    dst3 = jnp.concatenate([dst, pad_idx]).reshape(NW, NCHUNK, K)
    xp = jnp.pad(x, ((0, NP - N), (0, 0)))
    b1r = b1.reshape(1, D)
    b2r = b2.reshape(1, D)

    deg_parts = _deg_kernel(dst3)
    h1 = _mm(xp, W1)
    degA = deg_parts[0, :NP].reshape(NP, 1)
    degB = deg_parts[1, :NP].reshape(NP, 1)

    g1 = _scale(h1, degA, degB)
    agg1 = _agg_kernel(g1, src3, dst3)
    g2 = _layer2(g1, agg1[0], agg1[1], degA, degB, W2, b1r)
    agg2 = _agg_kernel(g2, src3, dst3)
    return _final(g2, agg2[0, :N], agg2[1, :N], degA[:N], degB[:N], b2r)

# --- scband reference (transcript-rebuilt; emitter-appended) ---
"""Pipeline reference for scband-gnnstack-28647431864952 (READ-ONLY COPY).

The authoritative reference and input builder live on the scoring server;
editing this copy changes nothing except your own understanding.
"""

import jax, jax.numpy as jnp
import numpy as np

N_NODES = 10000
D_IN = 128
D_HID = 128
D_OUT = 128
N_EDGES = 320000


def setup_inputs(seed: int = 0) -> dict:
    key = jax.random.key(seed)
    k_x, k_e, k_w1, k_w2 = jax.random.split(key, 4)
    x = jax.random.normal(k_x, (N_NODES, D_IN), dtype=jnp.float32)
    edge_index = jax.random.randint(k_e, (2, N_EDGES), 0, N_NODES, dtype=jnp.int64)
    # Glorot-style init for GCN weights
    W1 = jax.random.normal(k_w1, (D_IN, D_HID), dtype=jnp.float32) * (1.0 / np.sqrt(D_IN))
    b1 = jnp.zeros((D_HID,), dtype=jnp.float32)
    W2 = jax.random.normal(k_w2, (D_HID, D_OUT), dtype=jnp.float32) * (1.0 / np.sqrt(D_HID))
    b2 = jnp.zeros((D_OUT,), dtype=jnp.float32)
    return {"x": x, "edge_index": edge_index, "W1": W1, "b1": b1, "W2": W2, "b2": b2}


def _gcn_layer(x, edge_index, W, b, n_nodes):
    # GCNConv: add self-loops, symmetric normalization D^-1/2 A D^-1/2,
    # linear transform, scatter-add aggregation, bias.
    loop = jnp.arange(n_nodes, dtype=edge_index.dtype)
    src = jnp.concatenate([edge_index[0], loop])
    dst = jnp.concatenate([edge_index[1], loop])
    h = x @ W
    deg = jnp.zeros((n_nodes,), dtype=h.dtype).at[dst].add(1.0)
    dinv = jnp.where(deg > 0, deg ** -0.5, 0.0)
    norm = dinv[src] * dinv[dst]
    msgs = h[src] * norm[:, None]
    out = jnp.zeros((n_nodes, h.shape[1]), dtype=h.dtype).at[dst].add(msgs)
    return out + b


def reference(x, edge_index, W1, b1, W2, b2):
    n = x.shape[0]
    h = _gcn_layer(x, edge_index, W1, b1, n)
    h = jax.nn.relu(h)
    out = _gcn_layer(h, edge_index, W2, b2, n)
    return out

if __name__ == "__main__":
    import jax
    _d = setup_inputs()
    print(jax.jit(kernel)(*tuple(_d.values())))

</pallas_src>

<mosaic_0001>
#map = affine_map<(d0, d1) -> (0, 0)>
#map1 = affine_map<(d0, d1) -> (0, 0, 0)>
module attributes {stable_mosaic.version = 14 : i64} {
  func.func @_agg_kernel(%arg0: i32, %arg1: i32, %arg2: memref<10112x128xf32, #tpu.memory_space<hbm>>, %arg3: memref<32x10240xi32, #tpu.memory_space<hbm>>, %arg4: memref<32x128x80xi32, #tpu.memory_space<hbm>>, %arg5: memref<2x10112x128xf32, #tpu.memory_space<hbm>>, %arg6: memref<10240xi32, #tpu.memory_space<vmem>>, %arg7: memref<128x80xi32, #tpu.memory_space<vmem>>, %arg8: memref<80x128xf32, #tpu.memory_space<vmem>>, %arg9: memref<80x128xf32, #tpu.memory_space<vmem>>, %arg10: memref<10112x128xf32, #tpu.memory_space<vmem_shared>>, %arg11: memref<!tpu.dma_semaphore, #tpu.memory_space<semaphore_mem>>, %arg12: memref<!tpu.dma_semaphore, #tpu.memory_space<semaphore_mem>>, %arg13: memref<!tpu.dma_semaphore, #tpu.memory_space<semaphore_mem>>, %arg14: memref<!tpu.dma_semaphore, #tpu.memory_space<semaphore_mem>>) attributes {dimension_semantics = [#tpu.dimension_semantics<core_parallel>, #tpu.dimension_semantics<subcore_parallel>], iteration_bounds = array<i64: 2, 16>, scalar_prefetch = 0 : i64, scratch_operands = 9 : i64, tpu.core_type = #tpu.core_type<sc_vector_subcore>, window_params = [{transform_indices = #map}, {transform_indices = #map}, {transform_indices = #map1}, {transform_indices = #map1}]} {
    %mul3A = arith.constant 16 : i32
    %mul3A_0 = arith.muli %arg0, %mul3A : i32
    %add3A = arith.addi %mul3A_0, %arg1 : i32
    "tpu.region"() ({
      %run_scoped3A = tpu.sem_alloc : memref<!tpu.dma_semaphore, #tpu.memory_space<semaphore_mem>>
      %dma_start3A_106 = arith.constant 0 : i32
      %dma_start3A_107 = tpu.memref_slice %arg3[%add3A, %dma_start3A_106] : memref<32x10240xi32, #tpu.memory_space<hbm>> -> memref<1x10240xi32, #tpu.memory_space<hbm>>
      %dma_start3A_108 = tpu.memref_squeeze %dma_start3A_107 : memref<1x10240xi32, #tpu.memory_space<hbm>> -> memref<10240xi32, #tpu.memory_space<hbm>>
      %dma_start3A_109 = arith.constant 0 : i32
      %dma_start3A_110 = tpu.memref_slice %arg3[%add3A, %dma_start3A_109] : memref<32x10240xi32, #tpu.memory_space<hbm>> -> memref<1x10240xi32, #tpu.memory_space<hbm>>
      %dma_start3A_111 = tpu.memref_squeeze %dma_start3A_110 : memref<1x10240xi32, #tpu.memory_space<hbm>> -> memref<10240xi32, #tpu.memory_space<hbm>>
      tpu.enqueue_dma source(%dma_start3A_111 : memref<10240xi32, #tpu.memory_space<hbm>>) target(%arg6 : memref<10240xi32, #tpu.memory_space<vmem>>) target_semaphore(%run_scoped3A : memref<!tpu.dma_semaphore, #tpu.memory_space<semaphore_mem>>)
      %dma_wait3A_112 = arith.constant 0 : i32
      %dma_wait3A_113 = tpu.memref_slice %arg3[%add3A, %dma_wait3A_112] : memref<32x10240xi32, #tpu.memory_space<hbm>> -> memref<1x10240xi32, #tpu.memory_space<hbm>>
      %dma_wait3A_114 = tpu.memref_squeeze %dma_wait3A_113 : memref<1x10240xi32, #tpu.memory_space<hbm>> -> memref<10240xi32, #tpu.memory_space<hbm>>
      %dma_wait3A_115 = arith.constant 0 : i32
      %dma_wait3A_116 = tpu.memref_slice %arg3[%add3A, %dma_wait3A_115] : memref<32x10240xi32, #tpu.memory_space<hbm>> -> memref<1x10240xi32, #tpu.memory_space<hbm>>
      %dma_wait3A_117 = tpu.memref_squeeze %dma_wait3A_116 : memref<1x10240xi32, #tpu.memory_space<hbm>> -> memref<10240xi32, #tpu.memory_space<hbm>>
      tpu.wait_dma2 semaphore(%run_scoped3A : memref<!tpu.dma_semaphore, #tpu.memory_space<semaphore_mem>>) src(%dma_wait3A_117 : memref<10240xi32, #tpu.memory_space<hbm>>) dst(%arg6 : memref<10240xi32, #tpu.memory_space<vmem>>)
      tpu.yield
    }) : () -> ()
    "tpu.region"() ({
      %run_scoped3A = tpu.sem_alloc : memref<!tpu.dma_semaphore, #tpu.memory_space<semaphore_mem>>
      %dma_start3A_106 = arith.constant 0 : i32
      %dma_start3A_107 = arith.constant 0 : i32
      %dma_start3A_108 = tpu.memref_slice %arg4[%add3A, %dma_start3A_106, %dma_start3A_107] : memref<32x128x80xi32, #tpu.memory_space<hbm>> -> memref<1x128x80xi32, #tpu.memory_space<hbm>>
      %dma_start3A_109 = tpu.memref_squeeze %dma_start3A_108 : memref<1x128x80xi32, #tpu.memory_space<hbm>> -> memref<128x80xi32, #tpu.memory_space<hbm>>
      %dma_start3A_110 = arith.constant 0 : i32
      %dma_start3A_111 = arith.constant 0 : i32
      %dma_start3A_112 = tpu.memref_slice %arg4[%add3A, %dma_start3A_110, %dma_start3A_111] : memref<32x128x80xi32, #tpu.memory_space<hbm>> -> memref<1x128x80xi32, #tpu.memory_space<hbm>>
      %dma_start3A_113 = tpu.memref_squeeze %dma_start3A_112 : memref<1x128x80xi32, #tpu.memory_space<hbm>> -> memref<128x80xi32, #tpu.memory_space<hbm>>
      tpu.enqueue_dma source(%dma_start3A_113 : memref<128x80xi32, #tpu.memory_space<hbm>>) target(%arg7 : memref<128x80xi32, #tpu.memory_space<vmem>>) target_semaphore(%run_scoped3A : memref<!tpu.dma_semaphore, #tpu.memory_space<semaphore_mem>>)
      %dma_wait3A_114 = arith.constant 0 : i32
      %dma_wait3A_115 = arith.constant 0 : i32
      %dma_wait3A_116 = tpu.memref_slice %arg4[%add3A, %dma_wait3A_114, %dma_wait3A_115] : memref<32x128x80xi32, #tpu.memory_space<hbm>> -> memref<1x128x80xi32, #tpu.memory_space<hbm>>
      %dma_wait3A_117 = tpu.memref_squeeze %dma_wait3A_116 : memref<1x128x80xi32, #tpu.memory_space<hbm>> -> memref<128x80xi32, #tpu.memory_space<hbm>>
      %dma_wait3A_118 = arith.constant 0 : i32
      %dma_wait3A_119 = arith.constant 0 : i32
      %dma_wait3A_120 = tpu.memref_slice %arg4[%add3A, %dma_wait3A_118, %dma_wait3A_119] : memref<32x128x80xi32, #tpu.memory_space<hbm>> -> memref<1x128x80xi32, #tpu.memory_space<hbm>>
      %dma_wait3A_121 = tpu.memref_squeeze %dma_wait3A_120 : memref<1x128x80xi32, #tpu.memory_space<hbm>> -> memref<128x80xi32, #tpu.memory_space<hbm>>
      tpu.wait_dma2 semaphore(%run_scoped3A : memref<!tpu.dma_semaphore, #tpu.memory_space<semaphore_mem>>) src(%dma_wait3A_121 : memref<128x80xi32, #tpu.memory_space<hbm>>) dst(%arg7 : memref<128x80xi32, #tpu.memory_space<vmem>>)
      tpu.yield
    }) : () -> ()
    %scan3A = arith.constant 0 : i32
    %scan3A_1 = arith.constant 0 : i32
    %scan3A_2 = arith.constant 640 : i32
    %scan3A_3 = arith.addi %scan3A_1, %scan3A_2 : i32
    %scan3A_4 = arith.constant 1 : i32
    %scan3A_5 = scf.for %scan3A_106 = %scan3A_1 to %scan3A_3 step %scan3A_4 iter_args(%scan3A_107 = %scan3A) -> (i32)  : i32 {
      %broadcast_in_dim3A = arith.constant 0.000000e+00 : f32
      %broadcast_in_dim3A_108 = vector.broadcast %broadcast_in_dim3A : f32 to vector<16xf32>
      %jit3A = arith.constant 8 : i32
      %div3A = arith.divsi %scan3A_106, %jit3A : i32
      %sign3A = arith.constant 0 : i32
      %sign3A_109 = arith.cmpi sgt, %scan3A_106, %sign3A : i32
      %sign3A_110 = arith.extui %sign3A_109 : i1 to i32
      %sign3A_111 = arith.constant 0 : i32
      %sign3A_112 = arith.cmpi slt, %scan3A_106, %sign3A_111 : i32
      %sign3A_113 = arith.extui %sign3A_112 : i1 to i32
      %sign3A_114 = arith.subi %sign3A_110, %sign3A_113 : i32
      %sign3A_115 = arith.constant 0 : i32
      %sign3A_116 = arith.cmpi sgt, %jit3A, %sign3A_115 : i32
      %sign3A_117 = arith.extui %sign3A_116 : i1 to i32
      %sign3A_118 = arith.constant 0 : i32
      %sign3A_119 = arith.cmpi slt, %jit3A, %sign3A_118 : i32
      %sign3A_120 = arith.extui %sign3A_119 : i1 to i32
      %sign3A_121 = arith.subi %sign3A_117, %sign3A_120 : i32
      %ne3A = arith.cmpi ne, %sign3A_114, %sign3A_121 : i32
      %rem3A = arith.remsi %scan3A_106, %jit3A : i32
      %ne3A_122 = arith.constant 0 : i32
      %ne3A_123 = arith.cmpi ne, %rem3A, %ne3A_122 : i32
      %and3A = arith.andi %ne3A, %ne3A_123 : i1
      %sub3A_124 = arith.constant 1 : i32
      %sub3A_125 = arith.subi %div3A, %sub3A_124 : i32
      %select_n3A = arith.select %and3A, %sub3A_125, %div3A : i32
      %jit3A_126 = arith.constant 8 : i32
      %eq3A = arith.constant 0 : i32
      %eq3A_127 = arith.cmpi eq, %jit3A_126, %eq3A : i32
      %jit3A_128 = arith.constant 1 : i32
      %select_n3A_129 = arith.select %eq3A_127, %jit3A_128, %jit3A_126 : i32
      %rem3A_130 = arith.remsi %scan3A_106, %select_n3A_129 : i32
      %ne3A_131 = arith.constant 0 : i32
      %ne3A_132 = arith.cmpi ne, %rem3A_130, %ne3A_131 : i32
      %lt3A = arith.constant 0 : i32
      %lt3A_133 = arith.cmpi slt, %rem3A_130, %lt3A : i32
      %lt3A_134 = arith.constant 0 : i32
      %lt3A_135 = arith.cmpi slt, %select_n3A_129, %lt3A_134 : i32
      %ne3A_136 = arith.xori %lt3A_133, %lt3A_135 : i1
      %and3A_137 = arith.andi %ne3A_136, %ne3A_132 : i1
      %add3A_138 = arith.addi %rem3A_130, %select_n3A_129 : i32
      %select_n3A_139 = arith.select %and3A_137, %add3A_138, %rem3A_130 : i32
      %mul3A_140 = arith.constant 16 : i32
      %mul3A_141 = arith.muli %select_n3A_139, %mul3A_140 : i32
      %swap3A = arith.index_cast %select_n3A : i32 to index
      %swap3A_142 = arith.index_cast %mul3A_141 : i32 to index
      %swap3A_143 = tpu.vector_load %arg8[%swap3A, %swap3A_142] {strides = array<i32>} : memref<80x128xf32, #tpu.memory_space<vmem>>, vector<1x16xf32>,
      %swap3A_144 = vector.shape_cast %swap3A_143 : vector<1x16xf32> to vector<16xf32>
      %swap3A_145 = vector.shape_cast %broadcast_in_dim3A_108 : vector<16xf32> to vector<1x16xf32>
      tpu.vector_store %arg8[%swap3A, %swap3A_142], %swap3A_145 {strides = array<i32>} : memref<80x128xf32, #tpu.memory_space<vmem>>, vector<1x16xf32>,
      %scan3A_146 = arith.constant 0 : i32
      scf.yield %scan3A_146 : i32
    }
    %scan3A_6 = arith.constant 640 : i32
    %mul3A_7 = arith.constant 632 : i32
    %mul3A_8 = arith.muli %arg1, %mul3A_7 : i32
    %add3A_9 = arith.constant 0 : i32
    %add3A_10 = arith.addi %mul3A_8, %add3A_9 : i32
    "tpu.region"() ({
      %run_scoped3A = tpu.sem_alloc : memref<!tpu.dma_semaphore, #tpu.memory_space<semaphore_mem>>
      %dma_start3A_106 = arith.constant 0 : i32
      %dma_start3A_107 = tpu.memref_slice %arg10[%add3A_10, %dma_start3A_106] : memref<10112x128xf32, #tpu.memory_space<vmem_shared>> -> memref<80x128xf32, #tpu.memory_space<vmem_shared>>
      %dma_start3A_108 = arith.constant 0 : i32
      %dma_start3A_109 = tpu.memref_slice %arg10[%add3A_10, %dma_start3A_108] : memref<10112x128xf32, #tpu.memory_space<vmem_shared>> -> memref<80x128xf32, #tpu.memory_space<vmem_shared>>
      tpu.enqueue_dma source(%arg8 : memref<80x128xf32, #tpu.memory_space<vmem>>) target(%dma_start3A_109 : memref<80x128xf32, #tpu.memory_space<vmem_shared>>) target_semaphore(%run_scoped3A : memref<!tpu.dma_semaphore, #tpu.memory_space<semaphore_mem>>)
      %dma_wait3A_110 = arith.constant 0 : i32
      %dma_wait3A_111 = tpu.memref_slice %arg10[%add3A_10, %dma_wait3A_110] : memref<10112x128xf32, #tpu.memory_space<vmem_shared>> -> memref<80x128xf32, #tpu.memory_space<vmem_shared>>
      %dma_wait3A_112 = arith.constant 0 : i32
      %dma_wait3A_113 = tpu.memref_slice %arg10[%add3A_10, %dma_wait3A_112] : memref<10112x128xf32, #tpu.memory_space<vmem_shared>> -> memref<80x128xf32, #tpu.memory_space<vmem_shared>>
      tpu.wait_dma2 semaphore(%run_scoped3A : memref<!tpu.dma_semaphore, #tpu.memory_space<semaphore_mem>>) src(%arg8 : memref<80x128xf32, #tpu.memory_space<vmem>>) dst(%dma_wait3A_113 : memref<80x128xf32, #tpu.memory_space<vmem_shared>>)
      tpu.yield
    }) : () -> ()
    %add3A_11 = arith.constant 80 : i32
    %add3A_12 = arith.addi %mul3A_8, %add3A_11 : i32
    "tpu.region"() ({
      %run_scoped3A = tpu.sem_alloc : memref<!tpu.dma_semaphore, #tpu.memory_space<semaphore_mem>>
      %dma_start3A_106 = arith.constant 0 : i32
      %dma_start3A_107 = tpu.memref_slice %arg10[%add3A_12, %dma_start3A_106] : memref<10112x128xf32, #tpu.memory_space<vmem_shared>> -> memref<80x128xf32, #tpu.memory_space<vmem_shared>>
      %dma_start3A_108 = arith.constant 0 : i32
      %dma_start3A_109 = tpu.memref_slice %arg10[%add3A_12, %dma_start3A_108] : memref<10112x128xf32, #tpu.memory_space<vmem_shared>> -> memref<80x128xf32, #tpu.memory_space<vmem_shared>>
      tpu.enqueue_dma source(%arg8 : memref<80x128xf32, #tpu.memory_space<vmem>>) target(%dma_start3A_109 : memref<80x128xf32, #tpu.memory_space<vmem_shared>>) target_semaphore(%run_scoped3A : memref<!tpu.dma_semaphore, #tpu.memory_space<semaphore_mem>>)
      %dma_wait3A_110 = arith.constant 0 : i32
      %dma_wait3A_111 = tpu.memref_slice %arg10[%add3A_12, %dma_wait3A_110] : memref<10112x128xf32, #tpu.memory_space<vmem_shared>> -> memref<80x128xf32, #tpu.memory_space<vmem_shared>>
      %dma_wait3A_112 = arith.constant 0 : i32
      %dma_wait3A_113 = tpu.memref_slice %arg10[%add3A_12, %dma_wait3A_112] : memref<10112x128xf32, #tpu.memory_space<vmem_shared>> -> memref<80x128xf32, #tpu.memory_space<vmem_shared>>
      tpu.wait_dma2 semaphore(%run_scoped3A : memref<!tpu.dma_semaphore, #tpu.memory_space<semaphore_mem>>) src(%arg8 : memref<80x128xf32, #tpu.memory_space<vmem>>) dst(%dma_wait3A_113 : memref<80x128xf32, #tpu.memory_space<vmem_shared>>)
      tpu.yield
    }) : () -> ()
    %add3A_13 = arith.constant 160 : i32
    %add3A_14 = arith.addi %mul3A_8, %add3A_13 : i32
    "tpu.region"() ({
      %run_scoped3A = tpu.sem_alloc : memref<!tpu.dma_semaphore, #tpu.memory_space<semaphore_mem>>
      %dma_start3A_106 = arith.constant 0 : i32
      %dma_start3A_107 = tpu.memref_slice %arg10[%add3A_14, %dma_start3A_106] : memref<10112x128xf32, #tpu.memory_space<vmem_shared>> -> memref<80x128xf32, #tpu.memory_space<vmem_shared>>
      %dma_start3A_108 = arith.constant 0 : i32
      %dma_start3A_109 = tpu.memref_slice %arg10[%add3A_14, %dma_start3A_108] : memref<10112x128xf32, #tpu.memory_space<vmem_shared>> -> memref<80x128xf32, #tpu.memory_space<vmem_shared>>
      tpu.enqueue_dma source(%arg8 : memref<80x128xf32, #tpu.memory_space<vmem>>) target(%dma_start3A_109 : memref<80x128xf32, #tpu.memory_space<vmem_shared>>) target_semaphore(%run_scoped3A : memref<!tpu.dma_semaphore, #tpu.memory_space<semaphore_mem>>)
      %dma_wait3A_110 = arith.constant 0 : i32
      %dma_wait3A_111 = tpu.memref_slice %arg10[%add3A_14, %dma_wait3A_110] : memref<10112x128xf32, #tpu.memory_space<vmem_shared>> -> memref<80x128xf32, #tpu.memory_space<vmem_shared>>
      %dma_wait3A_112 = arith.constant 0 : i32
      %dma_wait3A_113 = tpu.memref_slice %arg10[%add3A_14, %dma_wait3A_112] : memref<10112x128xf32, #tpu.memory_space<vmem_shared>> -> memref<80x128xf32, #tpu.memory_space<vmem_shared>>
      tpu.wait_dma2 semaphore(%run_scoped3A : memref<!tpu.dma_semaphore, #tpu.memory_space<semaphore_mem>>) src(%arg8 : memref<80x128xf32, #tpu.memory_space<vmem>>) dst(%dma_wait3A_113 : memref<80x128xf32, #tpu.memory_space<vmem_shared>>)
      tpu.yield
    }) : () -> ()
    %add3A_15 = arith.constant 240 : i32
    %add3A_16 = arith.addi %mul3A_8, %add3A_15 : i32
    "tpu.region"() ({
      %run_scoped3A = tpu.sem_alloc : memref<!tpu.dma_semaphore, #tpu.memory_space<semaphore_mem>>
      %dma_start3A_106 = arith.constant 0 : i32
      %dma_start3A_107 = tpu.memref_slice %arg10[%add3A_16, %dma_start3A_106] : memref<10112x128xf32, #tpu.memory_space<vmem_shared>> -> memref<80x128xf32, #tpu.memory_space<vmem_shared>>
      %dma_start3A_108 = arith.constant 0 : i32
      %dma_start3A_109 = tpu.memref_slice %arg10[%add3A_16, %dma_start3A_108] : memref<10112x128xf32, #tpu.memory_space<vmem_shared>> -> memref<80x128xf32, #tpu.memory_space<vmem_shared>>
      tpu.enqueue_dma source(%arg8 : memref<80x128xf32, #tpu.memory_space<vmem>>) target(%dma_start3A_109 : memref<80x128xf32, #tpu.memory_space<vmem_shared>>) target_semaphore(%run_scoped3A : memref<!tpu.dma_semaphore, #tpu.memory_space<semaphore_mem>>)
      %dma_wait3A_110 = arith.constant 0 : i32
      %dma_wait3A_111 = tpu.memref_slice %arg10[%add3A_16, %dma_wait3A_110] : memref<10112x128xf32, #tpu.memory_space<vmem_shared>> -> memref<80x128xf32, #tpu.memory_space<vmem_shared>>
      %dma_wait3A_112 = arith.constant 0 : i32
      %dma_wait3A_113 = tpu.memref_slice %arg10[%add3A_16, %dma_wait3A_112] : memref<10112x128xf32, #tpu.memory_space<vmem_shared>> -> memref<80x128xf32, #tpu.memory_space<vmem_shared>>
      tpu.wait_dma2 semaphore(%run_scoped3A : memref<!tpu.dma_semaphore, #tpu.memory_space<semaphore_mem>>) src(%arg8 : memref<80x128xf32, #tpu.memory_space<vmem>>) dst(%dma_wait3A_113 : memref<80x128xf32, #tpu.memory_space<vmem_shared>>)
      tpu.yield
    }) : () -> ()
    %add3A_17 = arith.constant 320 : i32
    %add3A_18 = arith.addi %mul3A_8, %add3A_17 : i32
    "tpu.region"() ({
      %run_scoped3A = tpu.sem_alloc : memref<!tpu.dma_semaphore, #tpu.memory_space<semaphore_mem>>
      %dma_start3A_106 = arith.constant 0 : i32
      %dma_start3A_107 = tpu.memref_slice %arg10[%add3A_18, %dma_start3A_106] : memref<10112x128xf32, #tpu.memory_space<vmem_shared>> -> memref<80x128xf32, #tpu.memory_space<vmem_shared>>
      %dma_start3A_108 = arith.constant 0 : i32
      %dma_start3A_109 = tpu.memref_slice %arg10[%add3A_18, %dma_start3A_108] : memref<10112x128xf32, #tpu.memory_space<vmem_shared>> -> memref<80x128xf32, #tpu.memory_space<vmem_shared>>
      tpu.enqueue_dma source(%arg8 : memref<80x128xf32, #tpu.memory_space<vmem>>) target(%dma_start3A_109 : memref<80x128xf32, #tpu.memory_space<vmem_shared>>) target_semaphore(%run_scoped3A : memref<!tpu.dma_semaphore, #tpu.memory_space<semaphore_mem>>)
      %dma_wait3A_110 = arith.constant 0 : i32
      %dma_wait3A_111 = tpu.memref_slice %arg10[%add3A_18, %dma_wait3A_110] : memref<10112x128xf32, #tpu.memory_space<vmem_shared>> -> memref<80x128xf32, #tpu.memory_space<vmem_shared>>
      %dma_wait3A_112 = arith.constant 0 : i32
      %dma_wait3A_113 = tpu.memref_slice %arg10[%add3A_18, %dma_wait3A_112] : memref<10112x128xf32, #tpu.memory_space<vmem_shared>> -> memref<80x128xf32, #tpu.memory_space<vmem_shared>>
      tpu.wait_dma2 semaphore(%run_scoped3A : memref<!tpu.dma_semaphore, #tpu.memory_space<semaphore_mem>>) src(%arg8 : memref<80x128xf32, #tpu.memory_space<vmem>>) dst(%dma_wait3A_113 : memref<80x128xf32, #tpu.memory_space<vmem_shared>>)
      tpu.yield
    }) : () -> ()
    %add3A_19 = arith.constant 400 : i32
    %add3A_20 = arith.addi %mul3A_8, %add3A_19 : i32
    "tpu.region"() ({
      %run_scoped3A = tpu.sem_alloc : memref<!tpu.dma_semaphore, #tpu.memory_space<semaphore_mem>>
      %dma_start3A_106 = arith.constant 0 : i32
      %dma_start3A_107 = tpu.memref_slice %arg10[%add3A_20, %dma_start3A_106] : memref<10112x128xf32, #tpu.memory_space<vmem_shared>> -> memref<80x128xf32, #tpu.memory_space<vmem_shared>>
      %dma_start3A_108 = arith.constant 0 : i32
      %dma_start3A_109 = tpu.memref_slice %arg10[%add3A_20, %dma_start3A_108] : memref<10112x128xf32, #tpu.memory_space<vmem_shared>> -> memref<80x128xf32, #tpu.memory_space<vmem_shared>>
      tpu.enqueue_dma source(%arg8 : memref<80x128xf32, #tpu.memory_space<vmem>>) target(%dma_start3A_109 : memref<80x128xf32, #tpu.memory_space<vmem_shared>>) target_semaphore(%run_scoped3A : memref<!tpu.dma_semaphore, #tpu.memory_space<semaphore_mem>>)
      %dma_wait3A_110 = arith.constant 0 : i32
      %dma_wait3A_111 = tpu.memref_slice %arg10[%add3A_20, %dma_wait3A_110] : memref<10112x128xf32, #tpu.memory_space<vmem_shared>> -> memref<80x128xf32, #tpu.memory_space<vmem_shared>>
      %dma_wait3A_112 = arith.constant 0 : i32
      %dma_wait3A_113 = tpu.memref_slice %arg10[%add3A_20, %dma_wait3A_112] : memref<10112x128xf32, #tpu.memory_space<vmem_shared>> -> memref<80x128xf32, #tpu.memory_space<vmem_shared>>
      tpu.wait_dma2 semaphore(%run_scoped3A : memref<!tpu.dma_semaphore, #tpu.memory_space<semaphore_mem>>) src(%arg8 : memref<80x128xf32, #tpu.memory_space<vmem>>) dst(%dma_wait3A_113 : memref<80x128xf32, #tpu.memory_space<vmem_shared>>)
      tpu.yield
    }) : () -> ()
    %add3A_21 = arith.constant 480 : i32
    %add3A_22 = arith.addi %mul3A_8, %add3A_21 : i32
    "tpu.region"() ({
      %run_scoped3A = tpu.sem_alloc : memref<!tpu.dma_semaphore, #tpu.memory_space<semaphore_mem>>
      %dma_start3A_106 = arith.constant 0 : i32
      %dma_start3A_107 = tpu.memref_slice %arg10[%add3A_22, %dma_start3A_106] : memref<10112x128xf32, #tpu.memory_space<vmem_shared>> -> memref<80x128xf32, #tpu.memory_space<vmem_shared>>
      %dma_start3A_108 = arith.constant 0 : i32
      %dma_start3A_109 = tpu.memref_slice %arg10[%add3A_22, %dma_start3A_108] : memref<10112x128xf32, #tpu.memory_space<vmem_shared>> -> memref<80x128xf32, #tpu.memory_space<vmem_shared>>
      tpu.enqueue_dma source(%arg8 : memref<80x128xf32, #tpu.memory_space<vmem>>) target(%dma_start3A_109 : memref<80x128xf32, #tpu.memory_space<vmem_shared>>) target_semaphore(%run_scoped3A : memref<!tpu.dma_semaphore, #tpu.memory_space<semaphore_mem>>)
      %dma_wait3A_110 = arith.constant 0 : i32
      %dma_wait3A_111 = tpu.memref_slice %arg10[%add3A_22, %dma_wait3A_110] : memref<10112x128xf32, #tpu.memory_space<vmem_shared>> -> memref<80x128xf32, #tpu.memory_space<vmem_shared>>
      %dma_wait3A_112 = arith.constant 0 : i32
      %dma_wait3A_113 = tpu.memref_slice %arg10[%add3A_22, %dma_wait3A_112] : memref<10112x128xf32, #tpu.memory_space<vmem_shared>> -> memref<80x128xf32, #tpu.memory_space<vmem_shared>>
      tpu.wait_dma2 semaphore(%run_scoped3A : memref<!tpu.dma_semaphore, #tpu.memory_space<semaphore_mem>>) src(%arg8 : memref<80x128xf32, #tpu.memory_space<vmem>>) dst(%dma_wait3A_113 : memref<80x128xf32, #tpu.memory_space<vmem_shared>>)
      tpu.yield
    }) : () -> ()
    %add3A_23 = arith.constant 632 : i32
    %add3A_24 = arith.addi %mul3A_8, %add3A_23 : i32
    %sub3A = arith.constant 72 : i32
    %sub3A_25 = arith.subi %add3A_24, %sub3A : i32
    "tpu.region"() ({
      %run_scoped3A = tpu.sem_alloc : memref<!tpu.dma_semaphore, #tpu.memory_space<semaphore_mem>>
      %dma_start3A_106 = arith.constant 0 : i32
      %dma_start3A_107 = arith.constant 0 : i32
      %dma_start3A_108 = tpu.memref_slice %arg8[%dma_start3A_106, %dma_start3A_107] : memref<80x128xf32, #tpu.memory_space<vmem>> -> memref<72x128xf32, #tpu.memory_space<vmem>>
      %dma_start3A_109 = arith.constant 0 : i32
      %dma_start3A_110 = tpu.memref_slice %arg10[%sub3A_25, %dma_start3A_109] : memref<10112x128xf32, #tpu.memory_space<vmem_shared>> -> memref<72x128xf32, #tpu.memory_space<vmem_shared>>
      %dma_start3A_111 = arith.constant 0 : i32
      %dma_start3A_112 = tpu.memref_slice %arg10[%sub3A_25, %dma_start3A_111] : memref<10112x128xf32, #tpu.memory_space<vmem_shared>> -> memref<72x128xf32, #tpu.memory_space<vmem_shared>>
      %dma_start3A_113 = arith.constant 0 : i32
      %dma_start3A_114 = arith.constant 0 : i32
      %dma_start3A_115 = tpu.memref_slice %arg8[%dma_start3A_113, %dma_start3A_114] : memref<80x128xf32, #tpu.memory_space<vmem>> -> memref<72x128xf32, #tpu.memory_space<vmem>>
      tpu.enqueue_dma source(%dma_start3A_115 : memref<72x128xf32, #tpu.memory_space<vmem>>) target(%dma_start3A_112 : memref<72x128xf32, #tpu.memory_space<vmem_shared>>) target_semaphore(%run_scoped3A : memref<!tpu.dma_semaphore, #tpu.memory_space<semaphore_mem>>)
      %dma_wait3A_116 = arith.constant 0 : i32
      %dma_wait3A_117 = arith.constant 0 : i32
      %dma_wait3A_118 = tpu.memref_slice %arg8[%dma_wait3A_116, %dma_wait3A_117] : memref<80x128xf32, #tpu.memory_space<vmem>> -> memref<72x128xf32, #tpu.memory_space<vmem>>
      %dma_wait3A_119 = arith.constant 0 : i32
      %dma_wait3A_120 = tpu.memref_slice %arg10[%sub3A_25, %dma_wait3A_119] : memref<10112x128xf32, #tpu.memory_space<vmem_shared>> -> memref<72x128xf32, #tpu.memory_space<vmem_shared>>
      %dma_wait3A_121 = arith.constant 0 : i32
      %dma_wait3A_122 = tpu.memref_slice %arg10[%sub3A_25, %dma_wait3A_121] : memref<10112x128xf32, #tpu.memory_space<vmem_shared>> -> memref<72x128xf32, #tpu.memory_space<vmem_shared>>
      %dma_wait3A_123 = arith.constant 0 : i32
      %dma_wait3A_124 = arith.constant 0 : i32
      %dma_wait3A_125 = tpu.memref_slice %arg8[%dma_wait3A_123, %dma_wait3A_124] : memref<80x128xf32, #tpu.memory_space<vmem>> -> memref<72x128xf32, #tpu.memory_space<vmem>>
      tpu.wait_dma2 semaphore(%run_scoped3A : memref<!tpu.dma_semaphore, #tpu.memory_space<semaphore_mem>>) src(%dma_wait3A_125 : memref<72x128xf32, #tpu.memory_space<vmem>>) dst(%dma_wait3A_122 : memref<72x128xf32, #tpu.memory_space<vmem_shared>>)
      tpu.yield
    }) : () -> ()
    %dma_start3A = arith.constant 0 : i32
    %dma_start3A_26 = arith.constant 0 : i32
    %dma_start3A_27 = tpu.memref_slice %arg8[%dma_start3A, %dma_start3A_26] : memref<80x128xf32, #tpu.memory_space<vmem>> -> memref<40x128xf32, #tpu.memory_space<vmem>>
    %dma_start3A_28 = arith.constant 0 : i32
    %dma_start3A_29 = tpu.memref_slice %arg6[%dma_start3A_28] : memref<10240xi32, #tpu.memory_space<vmem>> -> memref<40xi32, #tpu.memory_space<vmem>>
    %dma_start3A_30 = arith.constant 0 : i32
    %dma_start3A_31 = arith.constant 0 : i32
    %dma_start3A_32 = tpu.memref_slice %arg2[%dma_start3A_30, %dma_start3A_31] : memref<10112x128xf32, #tpu.memory_space<hbm>> -> memref<10112x128xf32, #tpu.memory_space<hbm>>
    tpu.enqueue_indirect_dma source(%dma_start3A_32 : memref<10112x128xf32, #tpu.memory_space<hbm>>) target(%dma_start3A_27 : memref<40x128xf32, #tpu.memory_space<vmem>>) offsets(%dma_start3A_29 : memref<40xi32, #tpu.memory_space<vmem>>) semaphore(%arg11 : memref<!tpu.dma_semaphore, #tpu.memory_space<semaphore_mem>>)
    %dma_start3A_33 = arith.constant 40 : i32
    %dma_start3A_34 = arith.constant 0 : i32
    %dma_start3A_35 = tpu.memref_slice %arg8[%dma_start3A_33, %dma_start3A_34] : memref<80x128xf32, #tpu.memory_space<vmem>> -> memref<40x128xf32, #tpu.memory_space<vmem>>
    %dma_start3A_36 = arith.constant 40 : i32
    %dma_start3A_37 = tpu.memref_slice %arg6[%dma_start3A_36] : memref<10240xi32, #tpu.memory_space<vmem>> -> memref<40xi32, #tpu.memory_space<vmem>>
    %dma_start3A_38 = arith.constant 0 : i32
    %dma_start3A_39 = arith.constant 0 : i32
    %dma_start3A_40 = tpu.memref_slice %arg2[%dma_start3A_38, %dma_start3A_39] : memref<10112x128xf32, #tpu.memory_space<hbm>> -> memref<10112x128xf32, #tpu.memory_space<hbm>>
    tpu.enqueue_indirect_dma source(%dma_start3A_40 : memref<10112x128xf32, #tpu.memory_space<hbm>>) target(%dma_start3A_35 : memref<40x128xf32, #tpu.memory_space<vmem>>) offsets(%dma_start3A_37 : memref<40xi32, #tpu.memory_space<vmem>>) semaphore(%arg11 : memref<!tpu.dma_semaphore, #tpu.memory_space<semaphore_mem>>)
    %dma_start3A_41 = arith.constant 0 : i32
    %dma_start3A_42 = arith.constant 0 : i32
    %dma_start3A_43 = tpu.memref_slice %arg9[%dma_start3A_41, %dma_start3A_42] : memref<80x128xf32, #tpu.memory_space<vmem>> -> memref<40x128xf32, #tpu.memory_space<vmem>>
    %dma_start3A_44 = arith.constant 80 : i32
    %dma_start3A_45 = tpu.memref_slice %arg6[%dma_start3A_44] : memref<10240xi32, #tpu.memory_space<vmem>> -> memref<40xi32, #tpu.memory_space<vmem>>
    %dma_start3A_46 = arith.constant 0 : i32
    %dma_start3A_47 = arith.constant 0 : i32
    %dma_start3A_48 = tpu.memref_slice %arg2[%dma_start3A_46, %dma_start3A_47] : memref<10112x128xf32, #tpu.memory_space<hbm>> -> memref<10112x128xf32, #tpu.memory_space<hbm>>
    tpu.enqueue_indirect_dma source(%dma_start3A_48 : memref<10112x128xf32, #tpu.memory_space<hbm>>) target(%dma_start3A_43 : memref<40x128xf32, #tpu.memory_space<vmem>>) offsets(%dma_start3A_45 : memref<40xi32, #tpu.memory_space<vmem>>) semaphore(%arg12 : memref<!tpu.dma_semaphore, #tpu.memory_space<semaphore_mem>>)
    %dma_start3A_49 = arith.constant 40 : i32
    %dma_start3A_50 = arith.constant 0 : i32
    %dma_start3A_51 = tpu.memref_slice %arg9[%dma_start3A_49, %dma_start3A_50] : memref<80x128xf32, #tpu.memory_space<vmem>> -> memref<40x128xf32, #tpu.memory_space<vmem>>
    %dma_start3A_52 = arith.constant 120 : i32
    %dma_start3A_53 = tpu.memref_slice %arg6[%dma_start3A_52] : memref<10240xi32, #tpu.memory_space<vmem>> -> memref<40xi32, #tpu.memory_space<vmem>>
    %dma_start3A_54 = arith.constant 0 : i32
    %dma_start3A_55 = arith.constant 0 : i32
    %dma_start3A_56 = tpu.memref_slice %arg2[%dma_start3A_54, %dma_start3A_55] : memref<10112x128xf32, #tpu.memory_space<hbm>> -> memref<10112x128xf32, #tpu.memory_space<hbm>>
    tpu.enqueue_indirect_dma source(%dma_start3A_56 : memref<10112x128xf32, #tpu.memory_space<hbm>>) target(%dma_start3A_51 : memref<40x128xf32, #tpu.memory_space<vmem>>) offsets(%dma_start3A_53 : memref<40xi32, #tpu.memory_space<vmem>>) semaphore(%arg12 : memref<!tpu.dma_semaphore, #tpu.memory_space<semaphore_mem>>)
    %barrier3A = arith.constant 0 : index
    tpu.barrier barrier_id(%barrier3A)
    %scan3A_57 = arith.constant 0 : i32
    %scan3A_58 = arith.constant 0 : i32
    %scan3A_59 = arith.constant 63 : i32
    %scan3A_60 = arith.addi %scan3A_58, %scan3A_59 : i32
    %scan3A_61 = arith.constant 1 : i32
    %scan3A_62 = scf.for %scan3A_106 = %scan3A_58 to %scan3A_60 step %scan3A_61 iter_args(%scan3A_107 = %scan3A_57) -> (i32)  : i32 {
      %mul3A_108 = arith.constant 2 : i32
      %mul3A_109 = arith.muli %mul3A_108, %scan3A_106 : i32
      %add3A_110 = arith.constant 1 : i32
      %add3A_111 = arith.addi %mul3A_109, %add3A_110 : i32
      %mul3A_112 = arith.constant 80 : i32
      %mul3A_113 = arith.muli %mul3A_109, %mul3A_112 : i32
      %dma_wait3A_114 = tpu.memref_slice %arg6[%mul3A_113] : memref<10240xi32, #tpu.memory_space<vmem>> -> memref<80xi32, #tpu.memory_space<vmem>>
      %dma_wait3A_115 = arith.constant 0 : i32
      %dma_wait3A_116 = arith.constant 0 : i32
      %dma_wait3A_117 = tpu.memref_slice %arg2[%dma_wait3A_115, %dma_wait3A_116] : memref<10112x128xf32, #tpu.memory_space<hbm>> -> memref<10112x128xf32, #tpu.memory_space<hbm>>
      tpu.wait_indirect_dma semaphore(%arg11 : memref<!tpu.dma_semaphore, #tpu.memory_space<semaphore_mem>>) src(%dma_wait3A_117 : memref<10112x128xf32, #tpu.memory_space<hbm>>) dst(%arg8 : memref<80x128xf32, #tpu.memory_space<vmem>>)
      %dma_start3A_118 = arith.constant 0 : i32
      %dma_start3A_119 = tpu.memref_slice %arg7[%mul3A_109, %dma_start3A_118] : memref<128x80xi32, #tpu.memory_space<vmem>> -> memref<1x80xi32, #tpu.memory_space<vmem>>
      %dma_start3A_120 = tpu.memref_squeeze %dma_start3A_119 : memref<1x80xi32, #tpu.memory_space<vmem>> -> memref<80xi32, #tpu.memory_space<vmem>>
      %dma_start3A_121 = arith.constant 0 : i32
      %dma_start3A_122 = arith.constant 0 : i32
      %dma_start3A_123 = tpu.memref_slice %arg10[%dma_start3A_121, %dma_start3A_122] : memref<10112x128xf32, #tpu.memory_space<vmem_shared>> -> memref<10112x128xf32, #tpu.memory_space<vmem_shared>>
      tpu.enqueue_indirect_dma source(%arg8 : memref<80x128xf32, #tpu.memory_space<vmem>>) target(%dma_start3A_123 : memref<10112x128xf32, #tpu.memory_space<vmem_shared>>) offsets(%dma_start3A_120 : memref<80xi32, #tpu.memory_space<vmem>>) semaphore(%arg13 : memref<!tpu.dma_semaphore, #tpu.memory_space<semaphore_mem>>) {add = true}
      %mul3A_124 = arith.constant 80 : i32
      %mul3A_125 = arith.muli %add3A_111, %mul3A_124 : i32
      %dma_wait3A_126 = tpu.memref_slice %arg6[%mul3A_125] : memref<10240xi32, #tpu.memory_space<vmem>> -> memref<80xi32, #tpu.memory_space<vmem>>
      %dma_wait3A_127 = arith.constant 0 : i32
      %dma_wait3A_128 = arith.constant 0 : i32
      %dma_wait3A_129 = tpu.memref_slice %arg2[%dma_wait3A_127, %dma_wait3A_128] : memref<10112x128xf32, #tpu.memory_space<hbm>> -> memref<10112x128xf32, #tpu.memory_space<hbm>>
      tpu.wait_indirect_dma semaphore(%arg12 : memref<!tpu.dma_semaphore, #tpu.memory_space<semaphore_mem>>) src(%dma_wait3A_129 : memref<10112x128xf32, #tpu.memory_space<hbm>>) dst(%arg9 : memref<80x128xf32, #tpu.memory_space<vmem>>)
      %dma_start3A_130 = arith.constant 0 : i32
      %dma_start3A_131 = tpu.memref_slice %arg7[%add3A_111, %dma_start3A_130] : memref<128x80xi32, #tpu.memory_space<vmem>> -> memref<1x80xi32, #tpu.memory_space<vmem>>
      %dma_start3A_132 = tpu.memref_squeeze %dma_start3A_131 : memref<1x80xi32, #tpu.memory_space<vmem>> -> memref<80xi32, #tpu.memory_space<vmem>>
      %dma_start3A_133 = arith.constant 0 : i32
      %dma_start3A_134 = arith.constant 0 : i32
      %dma_start3A_135 = tpu.memref_slice %arg10[%dma_start3A_133, %dma_start3A_134] : memref<10112x128xf32, #tpu.memory_space<vmem_shared>> -> memref<10112x128xf32, #tpu.memory_space<vmem_shared>>
      tpu.enqueue_indirect_dma source(%arg9 : memref<80x128xf32, #tpu.memory_space<vmem>>) target(%dma_start3A_135 : memref<10112x128xf32, #tpu.memory_space<vmem_shared>>) offsets(%dma_start3A_132 : memref<80xi32, #tpu.memory_space<vmem>>) semaphore(%arg14 : memref<!tpu.dma_semaphore, #tpu.memory_space<semaphore_mem>>) {add = true}
      %dma_wait3A_136 = arith.constant 0 : i32
      %dma_wait3A_137 = tpu.memref_slice %arg7[%mul3A_109, %dma_wait3A_136] : memref<128x80xi32, #tpu.memory_space<vmem>> -> memref<1x80xi32, #tpu.memory_space<vmem>>
      %dma_wait3A_138 = tpu.memref_squeeze %dma_wait3A_137 : memref<1x80xi32, #tpu.memory_space<vmem>> -> memref<80xi32, #tpu.memory_space<vmem>>
      %dma_wait3A_139 = arith.constant 0 : i32
      %dma_wait3A_140 = arith.constant 0 : i32
      %dma_wait3A_141 = tpu.memref_slice %arg10[%dma_wait3A_139, %dma_wait3A_140] : memref<10112x128xf32, #tpu.memory_space<vmem_shared>> -> memref<10112x128xf32, #tpu.memory_space<vmem_shared>>
      tpu.wait_indirect_dma semaphore(%arg13 : memref<!tpu.dma_semaphore, #tpu.memory_space<semaphore_mem>>) src(%arg8 : memref<80x128xf32, #tpu.memory_space<vmem>>) dst(%dma_wait3A_141 : memref<10112x128xf32, #tpu.memory_space<vmem_shared>>)
      %add3A_142 = arith.constant 2 : i32
      %add3A_143 = arith.addi %mul3A_109, %add3A_142 : i32
      %mul3A_144 = arith.constant 80 : i32
      %mul3A_145 = arith.muli %add3A_143, %mul3A_144 : i32
      %dma_start3A_146 = arith.constant 0 : i32
      %dma_start3A_147 = arith.constant 0 : i32
      %dma_start3A_148 = tpu.memref_slice %arg8[%dma_start3A_146, %dma_start3A_147] : memref<80x128xf32, #tpu.memory_space<vmem>> -> memref<40x128xf32, #tpu.memory_space<vmem>>
      %dma_start3A_149 = tpu.memref_slice %arg6[%mul3A_145] : memref<10240xi32, #tpu.memory_space<vmem>> -> memref<40xi32, #tpu.memory_space<vmem>>
      %dma_start3A_150 = arith.constant 0 : i32
      %dma_start3A_151 = arith.constant 0 : i32
      %dma_start3A_152 = tpu.memref_slice %arg2[%dma_start3A_150, %dma_start3A_151] : memref<10112x128xf32, #tpu.memory_space<hbm>> -> memref<10112x128xf32, #tpu.memory_space<hbm>>
      tpu.enqueue_indirect_dma source(%dma_start3A_152 : memref<10112x128xf32, #tpu.memory_space<hbm>>) target(%dma_start3A_148 : memref<40x128xf32, #tpu.memory_space<vmem>>) offsets(%dma_start3A_149 : memref<40xi32, #tpu.memory_space<vmem>>) semaphore(%arg11 : memref<!tpu.dma_semaphore, #tpu.memory_space<semaphore_mem>>)
      %mul3A_153 = arith.constant 80 : i32
      %mul3A_154 = arith.muli %add3A_143, %mul3A_153 : i32
      %add3A_155 = arith.constant 40 : i32
      %add3A_156 = arith.addi %mul3A_154, %add3A_155 : i32
      %dma_start3A_157 = arith.constant 40 : i32
      %dma_start3A_158 = arith.constant 0 : i32
      %dma_start3A_159 = tpu.memref_slice %arg8[%dma_start3A_157, %dma_start3A_158] : memref<80x128xf32, #tpu.memory_space<vmem>> -> memref<40x128xf32, #tpu.memory_space<vmem>>
      %dma_start3A_160 = tpu.memref_slice %arg6[%add3A_156] : memref<10240xi32, #tpu.memory_space<vmem>> -> memref<40xi32, #tpu.memory_space<vmem>>
      %dma_start3A_161 = arith.constant 0 : i32
      %dma_start3A_162 = arith.constant 0 : i32
      %dma_start3A_163 = tpu.memref_slice %arg2[%dma_start3A_161, %dma_start3A_162] : memref<10112x128xf32, #tpu.memory_space<hbm>> -> memref<10112x128xf32, #tpu.memory_space<hbm>>
      tpu.enqueue_indirect_dma source(%dma_start3A_163 : memref<10112x128xf32, #tpu.memory_space<hbm>>) target(%dma_start3A_159 : memref<40x128xf32, #tpu.memory_space<vmem>>) offsets(%dma_start3A_160 : memref<40xi32, #tpu.memory_space<vmem>>) semaphore(%arg11 : memref<!tpu.dma_semaphore, #tpu.memory_space<semaphore_mem>>)
      %dma_wait3A_164 = arith.constant 0 : i32
      %dma_wait3A_165 = tpu.memref_slice %arg7[%add3A_111, %dma_wait3A_164] : memref<128x80xi32, #tpu.memory_space<vmem>> -> memref<1x80xi32, #tpu.memory_space<vmem>>
      %dma_wait3A_166 = tpu.memref_squeeze %dma_wait3A_165 : memref<1x80xi32, #tpu.memory_space<vmem>> -> memref<80xi32, #tpu.memory_space<vmem>>
      %dma_wait3A_167 = arith.constant 0 : i32
      %dma_wait3A_168 = arith.constant 0 : i32
      %dma_wait3A_169 = tpu.memref_slice %arg10[%dma_wait3A_167, %dma_wait3A_168] : memref<10112x128xf32, #tpu.memory_space<vmem_shared>> -> memref<10112x128xf32, #tpu.memory_space<vmem_shared>>
      tpu.wait_indirect_dma semaphore(%arg14 : memref<!tpu.dma_semaphore, #tpu.memory_space<semaphore_mem>>) src(%arg9 : memref<80x128xf32, #tpu.memory_space<vmem>>) dst(%dma_wait3A_169 : memref<10112x128xf32, #tpu.memory_space<vmem_shared>>)
      %add3A_170 = arith.constant 2 : i32
      %add3A_171 = arith.addi %add3A_111, %add3A_170 : i32
      %mul3A_172 = arith.constant 80 : i32
      %mul3A_173 = arith.muli %add3A_171, %mul3A_172 : i32
      %dma_start3A_174 = arith.constant 0 : i32
      %dma_start3A_175 = arith.constant 0 : i32
      %dma_start3A_176 = tpu.memref_slice %arg9[%dma_start3A_174, %dma_start3A_175] : memref<80x128xf32, #tpu.memory_space<vmem>> -> memref<40x128xf32, #tpu.memory_space<vmem>>
      %dma_start3A_177 = tpu.memref_slice %arg6[%mul3A_173] : memref<10240xi32, #tpu.memory_space<vmem>> -> memref<40xi32, #tpu.memory_space<vmem>>
      %dma_start3A_178 = arith.constant 0 : i32
      %dma_start3A_179 = arith.constant 0 : i32
      %dma_start3A_180 = tpu.memref_slice %arg2[%dma_start3A_178, %dma_start3A_179] : memref<10112x128xf32, #tpu.memory_space<hbm>> -> memref<10112x128xf32, #tpu.memory_space<hbm>>
      tpu.enqueue_indirect_dma source(%dma_start3A_180 : memref<10112x128xf32, #tpu.memory_space<hbm>>) target(%dma_start3A_176 : memref<40x128xf32, #tpu.memory_space<vmem>>) offsets(%dma_start3A_177 : memref<40xi32, #tpu.memory_space<vmem>>) semaphore(%arg12 : memref<!tpu.dma_semaphore, #tpu.memory_space<semaphore_mem>>)
      %mul3A_181 = arith.constant 80 : i32
      %mul3A_182 = arith.muli %add3A_171, %mul3A_181 : i32
      %add3A_183 = arith.constant 40 : i32
      %add3A_184 = arith.addi %mul3A_182, %add3A_183 : i32
      %dma_start3A_185 = arith.constant 40 : i32
      %dma_start3A_186 = arith.constant 0 : i32
      %dma_start3A_187 = tpu.memref_slice %arg9[%dma_start3A_185, %dma_start3A_186] : memref<80x128xf32, #tpu.memory_space<vmem>> -> memref<40x128xf32, #tpu.memory_space<vmem>>
      %dma_start3A_188 = tpu.memref_slice %arg6[%add3A_184] : memref<10240xi32, #tpu.memory_space<vmem>> -> memref<40xi32, #tpu.memory_space<vmem>>
      %dma_start3A_189 = arith.constant 0 : i32
      %dma_start3A_190 = arith.constant 0 : i32
      %dma_start3A_191 = tpu.memref_slice %arg2[%dma_start3A_189, %dma_start3A_190] : memref<10112x128xf32, #tpu.memory_space<hbm>> -> memref<10112x128xf32, #tpu.memory_space<hbm>>
      tpu.enqueue_indirect_dma source(%dma_start3A_191 : memref<10112x128xf32, #tpu.memory_space<hbm>>) target(%dma_start3A_187 : memref<40x128xf32, #tpu.memory_space<vmem>>) offsets(%dma_start3A_188 : memref<40xi32, #tpu.memory_space<vmem>>) semaphore(%arg12 : memref<!tpu.dma_semaphore, #tpu.memory_space<semaphore_mem>>)
      %scan3A_192 = arith.constant 0 : i32
      scf.yield %scan3A_192 : i32
    }
    %scan3A_63 = arith.constant 63 : i32
    %dma_wait3A = arith.constant 10080 : i32
    %dma_wait3A_64 = tpu.memref_slice %arg6[%dma_wait3A] : memref<10240xi32, #tpu.memory_space<vmem>> -> memref<80xi32, #tpu.memory_space<vmem>>
    %dma_wait3A_65 = arith.constant 0 : i32
    %dma_wait3A_66 = arith.constant 0 : i32
    %dma_wait3A_67 = tpu.memref_slice %arg2[%dma_wait3A_65, %dma_wait3A_66] : memref<10112x128xf32, #tpu.memory_space<hbm>> -> memref<10112x128xf32, #tpu.memory_space<hbm>>
    tpu.wait_indirect_dma semaphore(%arg11 : memref<!tpu.dma_semaphore, #tpu.memory_space<semaphore_mem>>) src(%dma_wait3A_67 : memref<10112x128xf32, #tpu.memory_space<hbm>>) dst(%arg8 : memref<80x128xf32, #tpu.memory_space<vmem>>)
    %dma_start3A_68 = arith.constant 126 : i32
    %dma_start3A_69 = arith.constant 0 : i32
    %dma_start3A_70 = tpu.memref_slice %arg7[%dma_start3A_68, %dma_start3A_69] : memref<128x80xi32, #tpu.memory_space<vmem>> -> memref<1x80xi32, #tpu.memory_space<vmem>>
    %dma_start3A_71 = tpu.memref_squeeze %dma_start3A_70 : memref<1x80xi32, #tpu.memory_space<vmem>> -> memref<80xi32, #tpu.memory_space<vmem>>
    %dma_start3A_72 = arith.constant 0 : i32
    %dma_start3A_73 = arith.constant 0 : i32
    %dma_start3A_74 = tpu.memref_slice %arg10[%dma_start3A_72, %dma_start3A_73] : memref<10112x128xf32, #tpu.memory_space<vmem_shared>> -> memref<10112x128xf32, #tpu.memory_space<vmem_shared>>
    tpu.enqueue_indirect_dma source(%arg8 : memref<80x128xf32, #tpu.memory_space<vmem>>) target(%dma_start3A_74 : memref<10112x128xf32, #tpu.memory_space<vmem_shared>>) offsets(%dma_start3A_71 : memref<80xi32, #tpu.memory_space<vmem>>) semaphore(%arg13 : memref<!tpu.dma_semaphore, #tpu.memory_space<semaphore_mem>>) {add = true}
    %dma_wait3A_75 = arith.constant 10160 : i32
    %dma_wait3A_76 = tpu.memref_slice %arg6[%dma_wait3A_75] : memref<10240xi32, #tpu.memory_space<vmem>> -> memref<80xi32, #tpu.memory_space<vmem>>
    %dma_wait3A_77 = arith.constant 0 : i32
    %dma_wait3A_78 = arith.constant 0 : i32
    %dma_wait3A_79 = tpu.memref_slice %arg2[%dma_wait3A_77, %dma_wait3A_78] : memref<10112x128xf32, #tpu.memory_space<hbm>> -> memref<10112x128xf32, #tpu.memory_space<hbm>>
    tpu.wait_indirect_dma semaphore(%arg12 : memref<!tpu.dma_semaphore, #tpu.memory_space<semaphore_mem>>) src(%dma_wait3A_79 : memref<10112x128xf32, #tpu.memory_space<hbm>>) dst(%arg9 : memref<80x128xf32, #tpu.memory_space<vmem>>)
    %dma_start3A_80 = arith.constant 127 : i32
    %dma_start3A_81 = arith.constant 0 : i32
    %dma_start3A_82 = tpu.memref_slice %arg7[%dma_start3A_80, %dma_start3A_81] : memref<128x80xi32, #tpu.memory_space<vmem>> -> memref<1x80xi32, #tpu.memory_space<vmem>>
    %dma_start3A_83 = tpu.memref_squeeze %dma_start3A_82 : memref<1x80xi32, #tpu.memory_space<vmem>> -> memref<80xi32, #tpu.memory_space<vmem>>
    %dma_start3A_84 = arith.constant 0 : i32
    %dma_start3A_85 = arith.constant 0 : i32
    %dma_start3A_86 = tpu.memref_slice %arg10[%dma_start3A_84, %dma_start3A_85] : memref<10112x128xf32, #tpu.memory_space<vmem_shared>> -> memref<10112x128xf32, #tpu.memory_space<vmem_shared>>
    tpu.enqueue_indirect_dma source(%arg9 : memref<80x128xf32, #tpu.memory_space<vmem>>) target(%dma_start3A_86 : memref<10112x128xf32, #tpu.memory_space<vmem_shared>>) offsets(%dma_start3A_83 : memref<80xi32, #tpu.memory_space<vmem>>) semaphore(%arg14 : memref<!tpu.dma_semaphore, #tpu.memory_space<semaphore_mem>>) {add = true}
    %dma_wait3A_87 = arith.constant 126 : i32
    %dma_wait3A_88 = arith.constant 0 : i32
    %dma_wait3A_89 = tpu.memref_slice %arg7[%dma_wait3A_87, %dma_wait3A_88] : memref<128x80xi32, #tpu.memory_space<vmem>> -> memref<1x80xi32, #tpu.memory_space<vmem>>
    %dma_wait3A_90 = tpu.memref_squeeze %dma_wait3A_89 : memref<1x80xi32, #tpu.memory_space<vmem>> -> memref<80xi32, #tpu.memory_space<vmem>>
    %dma_wait3A_91 = arith.constant 0 : i32
    %dma_wait3A_92 = arith.constant 0 : i32
    %dma_wait3A_93 = tpu.memref_slice %arg10[%dma_wait3A_91, %dma_wait3A_92] : memref<10112x128xf32, #tpu.memory_space<vmem_shared>> -> memref<10112x128xf32, #tpu.memory_space<vmem_shared>>
    tpu.wait_indirect_dma semaphore(%arg13 : memref<!tpu.dma_semaphore, #tpu.memory_space<semaphore_mem>>) src(%arg8 : memref<80x128xf32, #tpu.memory_space<vmem>>) dst(%dma_wait3A_93 : memref<10112x128xf32, #tpu.memory_space<vmem_shared>>)
    %dma_wait3A_94 = arith.constant 127 : i32
    %dma_wait3A_95 = arith.constant 0 : i32
    %dma_wait3A_96 = tpu.memref_slice %arg7[%dma_wait3A_94, %dma_wait3A_95] : memref<128x80xi32, #tpu.memory_space<vmem>> -> memref<1x80xi32, #tpu.memory_space<vmem>>
    %dma_wait3A_97 = tpu.memref_squeeze %dma_wait3A_96 : memref<1x80xi32, #tpu.memory_space<vmem>> -> memref<80xi32, #tpu.memory_space<vmem>>
    %dma_wait3A_98 = arith.constant 0 : i32
    %dma_wait3A_99 = arith.constant 0 : i32
    %dma_wait3A_100 = tpu.memref_slice %arg10[%dma_wait3A_98, %dma_wait3A_99] : memref<10112x128xf32, #tpu.memory_space<vmem_shared>> -> memref<10112x128xf32, #tpu.memory_space<vmem_shared>>
    tpu.wait_indirect_dma semaphore(%arg14 : memref<!tpu.dma_semaphore, #tpu.memory_space<semaphore_mem>>) src(%arg9 : memref<80x128xf32, #tpu.memory_space<vmem>>) dst(%dma_wait3A_100 : memref<10112x128xf32, #tpu.memory_space<vmem_shared>>)
    %barrier3A_101 = arith.constant 0 : index
    tpu.barrier barrier_id(%barrier3A_101)
    %mul3A_102 = arith.constant 632 : i32
    %mul3A_103 = arith.muli %arg1, %mul3A_102 : i32
    %mul3A_104 = arith.constant 632 : i32
    %mul3A_105 = arith.muli %arg1, %mul3A_104 : i32
    "tpu.region"() ({
      %run_scoped3A = tpu.sem_alloc : memref<!tpu.dma_semaphore, #tpu.memory_space<semaphore_mem>>
      %dma_start3A_106 = arith.constant 0 : i32
      %dma_start3A_107 = tpu.memref_slice %arg5[%arg0, %mul3A_105, %dma_start3A_106] : memref<2x10112x128xf32, #tpu.memory_space<hbm>> -> memref<1x632x128xf32, #tpu.memory_space<hbm>>
      %dma_start3A_108 = tpu.memref_squeeze %dma_start3A_107 : memref<1x632x128xf32, #tpu.memory_space<hbm>> -> memref<632x128xf32, #tpu.memory_space<hbm>>
      %dma_start3A_109 = arith.constant 0 : i32
      %dma_start3A_110 = tpu.memref_slice %arg10[%mul3A_103, %dma_start3A_109] : memref<10112x128xf32, #tpu.memory_space<vmem_shared>> -> memref<632x128xf32, #tpu.memory_space<vmem_shared>>
      tpu.enqueue_dma source(%dma_start3A_110 : memref<632x128xf32, #tpu.memory_space<vmem_shared>>) target(%dma_start3A_108 : memref<632x128xf32, #tpu.memory_space<hbm>>) target_semaphore(%run_scoped3A : memref<!tpu.dma_semaphore, #tpu.memory_space<semaphore_mem>>)
      %dma_wait3A_111 = arith.constant 0 : i32
      %dma_wait3A_112 = tpu.memref_slice %arg5[%arg0, %mul3A_105, %dma_wait3A_111] : memref<2x10112x128xf32, #tpu.memory_space<hbm>> -> memref<1x632x128xf32, #tpu.memory_space<hbm>>
      %dma_wait3A_113 = tpu.memref_squeeze %dma_wait3A_112 : memref<1x632x128xf32, #tpu.memory_space<hbm>> -> memref<632x128xf32, #tpu.memory_space<hbm>>
      %dma_wait3A_114 = arith.constant 0 : i32
      %dma_wait3A_115 = tpu.memref_slice %arg10[%mul3A_103, %dma_wait3A_114] : memref<10112x128xf32, #tpu.memory_space<vmem_shared>> -> memref<632x128xf32, #tpu.memory_space<vmem_shared>>
      tpu.wait_dma2 semaphore(%run_scoped3A : memref<!tpu.dma_semaphore, #tpu.memory_space<semaphore_mem>>) src(%dma_wait3A_115 : memref<632x128xf32, #tpu.memory_space<vmem_shared>>) dst(%dma_wait3A_113 : memref<632x128xf32, #tpu.memory_space<hbm>>)
      tpu.yield
    }) : () -> ()
    return
  }
}

#map = affine_map<(d0, d1) -> (0, 0, 0)>
#map1 = affine_map<(d0, d1) -> (0, 0)>
module attributes {stable_mosaic.version = 14 : i64} {
  func.func @_deg_kernel(%arg0: i32, %arg1: i32, %arg2: memref<32x128x80xi32, #tpu.memory_space<hbm>>, %arg3: memref<2x10240xf32, #tpu.memory_space<hbm>>, %arg4: memref<8x80xi32, #tpu.memory_space<vmem>>, %arg5: memref<2x80xf32, #tpu.memory_space<vmem>>, %arg6: memref<10240xf32, #tpu.memory_space<vmem_shared>>) attributes {dimension_semantics = [#tpu.dimension_semantics<core_parallel>, #tpu.dimension_semantics<subcore_parallel>], iteration_bounds = array<i64: 2, 16>, scalar_prefetch = 0 : i64, scratch_operands = 3 : i64, tpu.core_type = #tpu.core_type<sc_vector_subcore>, window_params = [{transform_indices = #map}, {transform_indices = #map1}]} {
    %mul3A = arith.constant 16 : i32
    %mul3A_0 = arith.muli %arg0, %mul3A : i32
    %add3A = arith.addi %mul3A_0, %arg1 : i32
    %broadcast_in_dim3A = arith.constant 1.000000e+00 : f32
    %broadcast_in_dim3A_1 = vector.broadcast %broadcast_in_dim3A : f32 to vector<16xf32>
    %swap3A = arith.constant 0 : i32
    %swap3A_2 = arith.index_cast %swap3A : i32 to index
    %swap3A_3 = arith.constant 0 : index
    %swap3A_4 = tpu.vector_load %arg5[%swap3A_2, %swap3A_3] {strides = array<i32>} : memref<2x80xf32, #tpu.memory_space<vmem>>, vector<1x16xf32>,
    %swap3A_5 = vector.shape_cast %swap3A_4 : vector<1x16xf32> to vector<16xf32>
    %swap3A_6 = vector.shape_cast %broadcast_in_dim3A_1 : vector<16xf32> to vector<1x16xf32>
    tpu.vector_store %arg5[%swap3A_2, %swap3A_3], %swap3A_6 {strides = array<i32>} : memref<2x80xf32, #tpu.memory_space<vmem>>, vector<1x16xf32>,
    %broadcast_in_dim3A_7 = arith.constant 0.000000e+00 : f32
    %broadcast_in_dim3A_8 = vector.broadcast %broadcast_in_dim3A_7 : f32 to vector<16xf32>
    %swap3A_9 = arith.constant 1 : i32
    %swap3A_10 = arith.index_cast %swap3A_9 : i32 to index
    %swap3A_11 = arith.constant 0 : index
    %swap3A_12 = tpu.vector_load %arg5[%swap3A_10, %swap3A_11] {strides = array<i32>} : memref<2x80xf32, #tpu.memory_space<vmem>>, vector<1x16xf32>,
    %swap3A_13 = vector.shape_cast %swap3A_12 : vector<1x16xf32> to vector<16xf32>
    %swap3A_14 = vector.shape_cast %broadcast_in_dim3A_8 : vector<16xf32> to vector<1x16xf32>
    tpu.vector_store %arg5[%swap3A_10, %swap3A_11], %swap3A_14 {strides = array<i32>} : memref<2x80xf32, #tpu.memory_space<vmem>>, vector<1x16xf32>,
    %broadcast_in_dim3A_15 = arith.constant 1.000000e+00 : f32
    %broadcast_in_dim3A_16 = vector.broadcast %broadcast_in_dim3A_15 : f32 to vector<16xf32>
    %swap3A_17 = arith.constant 0 : i32
    %swap3A_18 = arith.index_cast %swap3A_17 : i32 to index
    %swap3A_19 = arith.constant 16 : index
    %swap3A_20 = tpu.vector_load %arg5[%swap3A_18, %swap3A_19] {strides = array<i32>} : memref<2x80xf32, #tpu.memory_space<vmem>>, vector<1x16xf32>,
    %swap3A_21 = vector.shape_cast %swap3A_20 : vector<1x16xf32> to vector<16xf32>
    %swap3A_22 = vector.shape_cast %broadcast_in_dim3A_16 : vector<16xf32> to vector<1x16xf32>
    tpu.vector_store %arg5[%swap3A_18, %swap3A_19], %swap3A_22 {strides = array<i32>} : memref<2x80xf32, #tpu.memory_space<vmem>>, vector<1x16xf32>,
    %broadcast_in_dim3A_23 = arith.constant 0.000000e+00 : f32
    %broadcast_in_dim3A_24 = vector.broadcast %broadcast_in_dim3A_23 : f32 to vector<16xf32>
    %swap3A_25 = arith.constant 1 : i32
    %swap3A_26 = arith.index_cast %swap3A_25 : i32 to index
    %swap3A_27 = arith.constant 16 : index
    %swap3A_28 = tpu.vector_load %arg5[%swap3A_26, %swap3A_27] {strides = array<i32>} : memref<2x80xf32, #tpu.memory_space<vmem>>, vector<1x16xf32>,
    %swap3A_29 = vector.shape_cast %swap3A_28 : vector<1x16xf32> to vector<16xf32>
    %swap3A_30 = vector.shape_cast %broadcast_in_dim3A_24 : vector<16xf32> to vector<1x16xf32>
    tpu.vector_store %arg5[%swap3A_26, %swap3A_27], %swap3A_30 {strides = array<i32>} : memref<2x80xf32, #tpu.memory_space<vmem>>, vector<1x16xf32>,
    %broadcast_in_dim3A_31 = arith.constant 1.000000e+00 : f32
    %broadcast_in_dim3A_32 = vector.broadcast %broadcast_in_dim3A_31 : f32 to vector<16xf32>
    %swap3A_33 = arith.constant 0 : i32
    %swap3A_34 = arith.index_cast %swap3A_33 : i32 to index
    %swap3A_35 = arith.constant 32 : index
    %swap3A_36 = tpu.vector_load %arg5[%swap3A_34, %swap3A_35] {strides = array<i32>} : memref<2x80xf32, #tpu.memory_space<vmem>>, vector<1x16xf32>,
    %swap3A_37 = vector.shape_cast %swap3A_36 : vector<1x16xf32> to vector<16xf32>
    %swap3A_38 = vector.shape_cast %broadcast_in_dim3A_32 : vector<16xf32> to vector<1x16xf32>
    tpu.vector_store %arg5[%swap3A_34, %swap3A_35], %swap3A_38 {strides = array<i32>} : memref<2x80xf32, #tpu.memory_space<vmem>>, vector<1x16xf32>,
    %broadcast_in_dim3A_39 = arith.constant 0.000000e+00 : f32
    %broadcast_in_dim3A_40 = vector.broadcast %broadcast_in_dim3A_39 : f32 to vector<16xf32>
    %swap3A_41 = arith.constant 1 : i32
    %swap3A_42 = arith.index_cast %swap3A_41 : i32 to index
    %swap3A_43 = arith.constant 32 : index
    %swap3A_44 = tpu.vector_load %arg5[%swap3A_42, %swap3A_43] {strides = array<i32>} : memref<2x80xf32, #tpu.memory_space<vmem>>, vector<1x16xf32>,
    %swap3A_45 = vector.shape_cast %swap3A_44 : vector<1x16xf32> to vector<16xf32>
    %swap3A_46 = vector.shape_cast %broadcast_in_dim3A_40 : vector<16xf32> to vector<1x16xf32>
    tpu.vector_store %arg5[%swap3A_42, %swap3A_43], %swap3A_46 {strides = array<i32>} : memref<2x80xf32, #tpu.memory_space<vmem>>, vector<1x16xf32>,
    %broadcast_in_dim3A_47 = arith.constant 1.000000e+00 : f32
    %broadcast_in_dim3A_48 = vector.broadcast %broadcast_in_dim3A_47 : f32 to vector<16xf32>
    %swap3A_49 = arith.constant 0 : i32
    %swap3A_50 = arith.index_cast %swap3A_49 : i32 to index
    %swap3A_51 = arith.constant 48 : index
    %swap3A_52 = tpu.vector_load %arg5[%swap3A_50, %swap3A_51] {strides = array<i32>} : memref<2x80xf32, #tpu.memory_space<vmem>>, vector<1x16xf32>,
    %swap3A_53 = vector.shape_cast %swap3A_52 : vector<1x16xf32> to vector<16xf32>
    %swap3A_54 = vector.shape_cast %broadcast_in_dim3A_48 : vector<16xf32> to vector<1x16xf32>
    tpu.vector_store %arg5[%swap3A_50, %swap3A_51], %swap3A_54 {strides = array<i32>} : memref<2x80xf32, #tpu.memory_space<vmem>>, vector<1x16xf32>,
    %broadcast_in_dim3A_55 = arith.constant 0.000000e+00 : f32
    %broadcast_in_dim3A_56 = vector.broadcast %broadcast_in_dim3A_55 : f32 to vector<16xf32>
    %swap3A_57 = arith.constant 1 : i32
    %swap3A_58 = arith.index_cast %swap3A_57 : i32 to index
    %swap3A_59 = arith.constant 48 : index
    %swap3A_60 = tpu.vector_load %arg5[%swap3A_58, %swap3A_59] {strides = array<i32>} : memref<2x80xf32, #tpu.memory_space<vmem>>, vector<1x16xf32>,
    %swap3A_61 = vector.shape_cast %swap3A_60 : vector<1x16xf32> to vector<16xf32>
    %swap3A_62 = vector.shape_cast %broadcast_in_dim3A_56 : vector<16xf32> to vector<1x16xf32>
    tpu.vector_store %arg5[%swap3A_58, %swap3A_59], %swap3A_62 {strides = array<i32>} : memref<2x80xf32, #tpu.memory_space<vmem>>, vector<1x16xf32>,
    %broadcast_in_dim3A_63 = arith.constant 1.000000e+00 : f32
    %broadcast_in_dim3A_64 = vector.broadcast %broadcast_in_dim3A_63 : f32 to vector<16xf32>
    %swap3A_65 = arith.constant 0 : i32
    %swap3A_66 = arith.index_cast %swap3A_65 : i32 to index
    %swap3A_67 = arith.constant 64 : index
    %swap3A_68 = tpu.vector_load %arg5[%swap3A_66, %swap3A_67] {strides = array<i32>} : memref<2x80xf32, #tpu.memory_space<vmem>>, vector<1x16xf32>,
    %swap3A_69 = vector.shape_cast %swap3A_68 : vector<1x16xf32> to vector<16xf32>
    %swap3A_70 = vector.shape_cast %broadcast_in_dim3A_64 : vector<16xf32> to vector<1x16xf32>
    tpu.vector_store %arg5[%swap3A_66, %swap3A_67], %swap3A_70 {strides = array<i32>} : memref<2x80xf32, #tpu.memory_space<vmem>>, vector<1x16xf32>,
    %broadcast_in_dim3A_71 = arith.constant 0.000000e+00 : f32
    %broadcast_in_dim3A_72 = vector.broadcast %broadcast_in_dim3A_71 : f32 to vector<16xf32>
    %swap3A_73 = arith.constant 1 : i32
    %swap3A_74 = arith.index_cast %swap3A_73 : i32 to index
    %swap3A_75 = arith.constant 64 : index
    %swap3A_76 = tpu.vector_load %arg5[%swap3A_74, %swap3A_75] {strides = array<i32>} : memref<2x80xf32, #tpu.memory_space<vmem>>, vector<1x16xf32>,
    %swap3A_77 = vector.shape_cast %swap3A_76 : vector<1x16xf32> to vector<16xf32>
    %swap3A_78 = vector.shape_cast %broadcast_in_dim3A_72 : vector<16xf32> to vector<1x16xf32>
    tpu.vector_store %arg5[%swap3A_74, %swap3A_75], %swap3A_78 {strides = array<i32>} : memref<2x80xf32, #tpu.memory_space<vmem>>, vector<1x16xf32>,
    %mul3A_79 = arith.constant 640 : i32
    %mul3A_80 = arith.muli %arg1, %mul3A_79 : i32
    %add3A_81 = arith.constant 0 : i32
    %add3A_82 = arith.addi %mul3A_80, %add3A_81 : i32
    %run_scoped3A = arith.constant 1 : i32
    "tpu.region"() ({
      %run_scoped3A_129 = tpu.sem_alloc : memref<!tpu.dma_semaphore, #tpu.memory_space<semaphore_mem>>
      %dma_start3A = arith.constant 0 : i32
      %dma_start3A_130 = tpu.memref_slice %arg5[%run_scoped3A, %dma_start3A] : memref<2x80xf32, #tpu.memory_space<vmem>> -> memref<1x80xf32, #tpu.memory_space<vmem>>
      %dma_start3A_131 = tpu.memref_squeeze %dma_start3A_130 : memref<1x80xf32, #tpu.memory_space<vmem>> -> memref<80xf32, #tpu.memory_space<vmem>>
      %dma_start3A_132 = tpu.memref_slice %arg6[%add3A_82] : memref<10240xf32, #tpu.memory_space<vmem_shared>> -> memref<80xf32, #tpu.memory_space<vmem_shared>>
      %dma_start3A_133 = tpu.memref_slice %arg6[%add3A_82] : memref<10240xf32, #tpu.memory_space<vmem_shared>> -> memref<80xf32, #tpu.memory_space<vmem_shared>>
      %dma_start3A_134 = arith.constant 0 : i32
      %dma_start3A_135 = tpu.memref_slice %arg5[%run_scoped3A, %dma_start3A_134] : memref<2x80xf32, #tpu.memory_space<vmem>> -> memref<1x80xf32, #tpu.memory_space<vmem>>
      %dma_start3A_136 = tpu.memref_squeeze %dma_start3A_135 : memref<1x80xf32, #tpu.memory_space<vmem>> -> memref<80xf32, #tpu.memory_space<vmem>>
      tpu.enqueue_dma source(%dma_start3A_136 : memref<80xf32, #tpu.memory_space<vmem>>) target(%dma_start3A_133 : memref<80xf32, #tpu.memory_space<vmem_shared>>) target_semaphore(%run_scoped3A_129 : memref<!tpu.dma_semaphore, #tpu.memory_space<semaphore_mem>>)
      %dma_wait3A = arith.constant 0 : i32
      %dma_wait3A_137 = tpu.memref_slice %arg5[%run_scoped3A, %dma_wait3A] : memref<2x80xf32, #tpu.memory_space<vmem>> -> memref<1x80xf32, #tpu.memory_space<vmem>>
      %dma_wait3A_138 = tpu.memref_squeeze %dma_wait3A_137 : memref<1x80xf32, #tpu.memory_space<vmem>> -> memref<80xf32, #tpu.memory_space<vmem>>
      %dma_wait3A_139 = tpu.memref_slice %arg6[%add3A_82] : memref<10240xf32, #tpu.memory_space<vmem_shared>> -> memref<80xf32, #tpu.memory_space<vmem_shared>>
      %dma_wait3A_140 = tpu.memref_slice %arg6[%add3A_82] : memref<10240xf32, #tpu.memory_space<vmem_shared>> -> memref<80xf32, #tpu.memory_space<vmem_shared>>
      %dma_wait3A_141 = arith.constant 0 : i32
      %dma_wait3A_142 = tpu.memref_slice %arg5[%run_scoped3A, %dma_wait3A_141] : memref<2x80xf32, #tpu.memory_space<vmem>> -> memref<1x80xf32, #tpu.memory_space<vmem>>
      %dma_wait3A_143 = tpu.memref_squeeze %dma_wait3A_142 : memref<1x80xf32, #tpu.memory_space<vmem>> -> memref<80xf32, #tpu.memory_space<vmem>>
      tpu.wait_dma2 semaphore(%run_scoped3A_129 : memref<!tpu.dma_semaphore, #tpu.memory_space<semaphore_mem>>) src(%dma_wait3A_143 : memref<80xf32, #tpu.memory_space<vmem>>) dst(%dma_wait3A_140 : memref<80xf32, #tpu.memory_space<vmem_shared>>)
      tpu.yield
    }) : () -> ()
    %mul3A_83 = arith.constant 640 : i32
    %mul3A_84 = arith.muli %arg1, %mul3A_83 : i32
    %add3A_85 = arith.constant 80 : i32
    %add3A_86 = arith.addi %mul3A_84, %add3A_85 : i32
    %run_scoped3A_87 = arith.constant 1 : i32
    "tpu.region"() ({
      %run_scoped3A_129 = tpu.sem_alloc : memref<!tpu.dma_semaphore, #tpu.memory_space<semaphore_mem>>
      %dma_start3A = arith.constant 0 : i32
      %dma_start3A_130 = tpu.memref_slice %arg5[%run_scoped3A_87, %dma_start3A] : memref<2x80xf32, #tpu.memory_space<vmem>> -> memref<1x80xf32, #tpu.memory_space<vmem>>
      %dma_start3A_131 = tpu.memref_squeeze %dma_start3A_130 : memref<1x80xf32, #tpu.memory_space<vmem>> -> memref<80xf32, #tpu.memory_space<vmem>>
      %dma_start3A_132 = tpu.memref_slice %arg6[%add3A_86] : memref<10240xf32, #tpu.memory_space<vmem_shared>> -> memref<80xf32, #tpu.memory_space<vmem_shared>>
      %dma_start3A_133 = tpu.memref_slice %arg6[%add3A_86] : memref<10240xf32, #tpu.memory_space<vmem_shared>> -> memref<80xf32, #tpu.memory_space<vmem_shared>>
      %dma_start3A_134 = arith.constant 0 : i32
      %dma_start3A_135 = tpu.memref_slice %arg5[%run_scoped3A_87, %dma_start3A_134] : memref<2x80xf32, #tpu.memory_space<vmem>> -> memref<1x80xf32, #tpu.memory_space<vmem>>
      %dma_start3A_136 = tpu.memref_squeeze %dma_start3A_135 : memref<1x80xf32, #tpu.memory_space<vmem>> -> memref<80xf32, #tpu.memory_space<vmem>>
      tpu.enqueue_dma source(%dma_start3A_136 : memref<80xf32, #tpu.memory_space<vmem>>) target(%dma_start3A_133 : memref<80xf32, #tpu.memory_space<vmem_shared>>) target_semaphore(%run_scoped3A_129 : memref<!tpu.dma_semaphore, #tpu.memory_space<semaphore_mem>>)
      %dma_wait3A = arith.constant 0 : i32
      %dma_wait3A_137 = tpu.memref_slice %arg5[%run_scoped3A_87, %dma_wait3A] : memref<2x80xf32, #tpu.memory_space<vmem>> -> memref<1x80xf32, #tpu.memory_space<vmem>>
      %dma_wait3A_138 = tpu.memref_squeeze %dma_wait3A_137 : memref<1x80xf32, #tpu.memory_space<vmem>> -> memref<80xf32, #tpu.memory_space<vmem>>
      %dma_wait3A_139 = tpu.memref_slice %arg6[%add3A_86] : memref<10240xf32, #tpu.memory_space<vmem_shared>> -> memref<80xf32, #tpu.memory_space<vmem_shared>>
      %dma_wait3A_140 = tpu.memref_slice %arg6[%add3A_86] : memref<10240xf32, #tpu.memory_space<vmem_shared>> -> memref<80xf32, #tpu.memory_space<vmem_shared>>
      %dma_wait3A_141 = arith.constant 0 : i32
      %dma_wait3A_142 = tpu.memref_slice %arg5[%run_scoped3A_87, %dma_wait3A_141] : memref<2x80xf32, #tpu.memory_space<vmem>> -> memref<1x80xf32, #tpu.memory_space<vmem>>
      %dma_wait3A_143 = tpu.memref_squeeze %dma_wait3A_142 : memref<1x80xf32, #tpu.memory_space<vmem>> -> memref<80xf32, #tpu.memory_space<vmem>>
      tpu.wait_dma2 semaphore(%run_scoped3A_129 : memref<!tpu.dma_semaphore, #tpu.memory_space<semaphore_mem>>) src(%dma_wait3A_143 : memref<80xf32, #tpu.memory_space<vmem>>) dst(%dma_wait3A_140 : memref<80xf32, #tpu.memory_space<vmem_shared>>)
      tpu.yield
    }) : () -> ()
    %mul3A_88 = arith.constant 640 : i32
    %mul3A_89 = arith.muli %arg1, %mul3A_88 : i32
    %add3A_90 = arith.constant 160 : i32
    %add3A_91 = arith.addi %mul3A_89, %add3A_90 : i32
    %run_scoped3A_92 = arith.constant 1 : i32
    "tpu.region"() ({
      %run_scoped3A_129 = tpu.sem_alloc : memref<!tpu.dma_semaphore, #tpu.memory_space<semaphore_mem>>
      %dma_start3A = arith.constant 0 : i32
      %dma_start3A_130 = tpu.memref_slice %arg5[%run_scoped3A_92, %dma_start3A] : memref<2x80xf32, #tpu.memory_space<vmem>> -> memref<1x80xf32, #tpu.memory_space<vmem>>
      %dma_start3A_131 = tpu.memref_squeeze %dma_start3A_130 : memref<1x80xf32, #tpu.memory_space<vmem>> -> memref<80xf32, #tpu.memory_space<vmem>>
      %dma_start3A_132 = tpu.memref_slice %arg6[%add3A_91] : memref<10240xf32, #tpu.memory_space<vmem_shared>> -> memref<80xf32, #tpu.memory_space<vmem_shared>>
      %dma_start3A_133 = tpu.memref_slice %arg6[%add3A_91] : memref<10240xf32, #tpu.memory_space<vmem_shared>> -> memref<80xf32, #tpu.memory_space<vmem_shared>>
      %dma_start3A_134 = arith.constant 0 : i32
      %dma_start3A_135 = tpu.memref_slice %arg5[%run_scoped3A_92, %dma_start3A_134] : memref<2x80xf32, #tpu.memory_space<vmem>> -> memref<1x80xf32, #tpu.memory_space<vmem>>
      %dma_start3A_136 = tpu.memref_squeeze %dma_start3A_135 : memref<1x80xf32, #tpu.memory_space<vmem>> -> memref<80xf32, #tpu.memory_space<vmem>>
      tpu.enqueue_dma source(%dma_start3A_136 : memref<80xf32, #tpu.memory_space<vmem>>) target(%dma_start3A_133 : memref<80xf32, #tpu.memory_space<vmem_shared>>) target_semaphore(%run_scoped3A_129 : memref<!tpu.dma_semaphore, #tpu.memory_space<semaphore_mem>>)
      %dma_wait3A = arith.constant 0 : i32
      %dma_wait3A_137 = tpu.memref_slice %arg5[%run_scoped3A_92, %dma_wait3A] : memref<2x80xf32, #tpu.memory_space<vmem>> -> memref<1x80xf32, #tpu.memory_space<vmem>>
      %dma_wait3A_138 = tpu.memref_squeeze %dma_wait3A_137 : memref<1x80xf32, #tpu.memory_space<vmem>> -> memref<80xf32, #tpu.memory_space<vmem>>
      %dma_wait3A_139 = tpu.memref_slice %arg6[%add3A_91] : memref<10240xf32, #tpu.memory_space<vmem_shared>> -> memref<80xf32, #tpu.memory_space<vmem_shared>>
      %dma_wait3A_140 = tpu.memref_slice %arg6[%add3A_91] : memref<10240xf32, #tpu.memory_space<vmem_shared>> -> memref<80xf32, #tpu.memory_space<vmem_shared>>
      %dma_wait3A_141 = arith.constant 0 : i32
      %dma_wait3A_142 = tpu.memref_slice %arg5[%run_scoped3A_92, %dma_wait3A_141] : memref<2x80xf32, #tpu.memory_space<vmem>> -> memref<1x80xf32, #tpu.memory_space<vmem>>
      %dma_wait3A_143 = tpu.memref_squeeze %dma_wait3A_142 : memref<1x80xf32, #tpu.memory_space<vmem>> -> memref<80xf32, #tpu.memory_space<vmem>>
      tpu.wait_dma2 semaphore(%run_scoped3A_129 : memref<!tpu.dma_semaphore, #tpu.memory_space<semaphore_mem>>) src(%dma_wait3A_143 : memref<80xf32, #tpu.memory_space<vmem>>) dst(%dma_wait3A_140 : memref<80xf32, #tpu.memory_space<vmem_shared>>)
      tpu.yield
    }) : () -> ()
    %mul3A_93 = arith.constant 640 : i32
    %mul3A_94 = arith.muli %arg1, %mul3A_93 : i32
    %add3A_95 = arith.constant 240 : i32
    %add3A_96 = arith.addi %mul3A_94, %add3A_95 : i32
    %run_scoped3A_97 = arith.constant 1 : i32
    "tpu.region"() ({
      %run_scoped3A_129 = tpu.sem_alloc : memref<!tpu.dma_semaphore, #tpu.memory_space<semaphore_mem>>
      %dma_start3A = arith.constant 0 : i32
      %dma_start3A_130 = tpu.memref_slice %arg5[%run_scoped3A_97, %dma_start3A] : memref<2x80xf32, #tpu.memory_space<vmem>> -> memref<1x80xf32, #tpu.memory_space<vmem>>
      %dma_start3A_131 = tpu.memref_squeeze %dma_start3A_130 : memref<1x80xf32, #tpu.memory_space<vmem>> -> memref<80xf32, #tpu.memory_space<vmem>>
      %dma_start3A_132 = tpu.memref_slice %arg6[%add3A_96] : memref<10240xf32, #tpu.memory_space<vmem_shared>> -> memref<80xf32, #tpu.memory_space<vmem_shared>>
      %dma_start3A_133 = tpu.memref_slice %arg6[%add3A_96] : memref<10240xf32, #tpu.memory_space<vmem_shared>> -> memref<80xf32, #tpu.memory_space<vmem_shared>>
      %dma_start3A_134 = arith.constant 0 : i32
      %dma_start3A_135 = tpu.memref_slice %arg5[%run_scoped3A_97, %dma_start3A_134] : memref<2x80xf32, #tpu.memory_space<vmem>> -> memref<1x80xf32, #tpu.memory_space<vmem>>
      %dma_start3A_136 = tpu.memref_squeeze %dma_start3A_135 : memref<1x80xf32, #tpu.memory_space<vmem>> -> memref<80xf32, #tpu.memory_space<vmem>>
      tpu.enqueue_dma source(%dma_start3A_136 : memref<80xf32, #tpu.memory_space<vmem>>) target(%dma_start3A_133 : memref<80xf32, #tpu.memory_space<vmem_shared>>) target_semaphore(%run_scoped3A_129 : memref<!tpu.dma_semaphore, #tpu.memory_space<semaphore_mem>>)
      %dma_wait3A = arith.constant 0 : i32
      %dma_wait3A_137 = tpu.memref_slice %arg5[%run_scoped3A_97, %dma_wait3A] : memref<2x80xf32, #tpu.memory_space<vmem>> -> memref<1x80xf32, #tpu.memory_space<vmem>>
      %dma_wait3A_138 = tpu.memref_squeeze %dma_wait3A_137 : memref<1x80xf32, #tpu.memory_space<vmem>> -> memref<80xf32, #tpu.memory_space<vmem>>
      %dma_wait3A_139 = tpu.memref_slice %arg6[%add3A_96] : memref<10240xf32, #tpu.memory_space<vmem_shared>> -> memref<80xf32, #tpu.memory_space<vmem_shared>>
      %dma_wait3A_140 = tpu.memref_slice %arg6[%add3A_96] : memref<10240xf32, #tpu.memory_space<vmem_shared>> -> memref<80xf32, #tpu.memory_space<vmem_shared>>
      %dma_wait3A_141 = arith.constant 0 : i32
      %dma_wait3A_142 = tpu.memref_slice %arg5[%run_scoped3A_97, %dma_wait3A_141] : memref<2x80xf32, #tpu.memory_space<vmem>> -> memref<1x80xf32, #tpu.memory_space<vmem>>
      %dma_wait3A_143 = tpu.memref_squeeze %dma_wait3A_142 : memref<1x80xf32, #tpu.memory_space<vmem>> -> memref<80xf32, #tpu.memory_space<vmem>>
      tpu.wait_dma2 semaphore(%run_scoped3A_129 : memref<!tpu.dma_semaphore, #tpu.memory_space<semaphore_mem>>) src(%dma_wait3A_143 : memref<80xf32, #tpu.memory_space<vmem>>) dst(%dma_wait3A_140 : memref<80xf32, #tpu.memory_space<vmem_shared>>)
      tpu.yield
    }) : () -> ()
    %mul3A_98 = arith.constant 640 : i32
    %mul3A_99 = arith.muli %arg1, %mul3A_98 : i32
    %add3A_100 = arith.constant 320 : i32
    %add3A_101 = arith.addi %mul3A_99, %add3A_100 : i32
    %run_scoped3A_102 = arith.constant 1 : i32
    "tpu.region"() ({
      %run_scoped3A_129 = tpu.sem_alloc : memref<!tpu.dma_semaphore, #tpu.memory_space<semaphore_mem>>
      %dma_start3A = arith.constant 0 : i32
      %dma_start3A_130 = tpu.memref_slice %arg5[%run_scoped3A_102, %dma_start3A] : memref<2x80xf32, #tpu.memory_space<vmem>> -> memref<1x80xf32, #tpu.memory_space<vmem>>
      %dma_start3A_131 = tpu.memref_squeeze %dma_start3A_130 : memref<1x80xf32, #tpu.memory_space<vmem>> -> memref<80xf32, #tpu.memory_space<vmem>>
      %dma_start3A_132 = tpu.memref_slice %arg6[%add3A_101] : memref<10240xf32, #tpu.memory_space<vmem_shared>> -> memref<80xf32, #tpu.memory_space<vmem_shared>>
      %dma_start3A_133 = tpu.memref_slice %arg6[%add3A_101] : memref<10240xf32, #tpu.memory_space<vmem_shared>> -> memref<80xf32, #tpu.memory_space<vmem_shared>>
      %dma_start3A_134 = arith.constant 0 : i32
      %dma_start3A_135 = tpu.memref_slice %arg5[%run_scoped3A_102, %dma_start3A_134] : memref<2x80xf32, #tpu.memory_space<vmem>> -> memref<1x80xf32, #tpu.memory_space<vmem>>
      %dma_start3A_136 = tpu.memref_squeeze %dma_start3A_135 : memref<1x80xf32, #tpu.memory_space<vmem>> -> memref<80xf32, #tpu.memory_space<vmem>>
      tpu.enqueue_dma source(%dma_start3A_136 : memref<80xf32, #tpu.memory_space<vmem>>) target(%dma_start3A_133 : memref<80xf32, #tpu.memory_space<vmem_shared>>) target_semaphore(%run_scoped3A_129 : memref<!tpu.dma_semaphore, #tpu.memory_space<semaphore_mem>>)
      %dma_wait3A = arith.constant 0 : i32
      %dma_wait3A_137 = tpu.memref_slice %arg5[%run_scoped3A_102, %dma_wait3A] : memref<2x80xf32, #tpu.memory_space<vmem>> -> memref<1x80xf32, #tpu.memory_space<vmem>>
      %dma_wait3A_138 = tpu.memref_squeeze %dma_wait3A_137 : memref<1x80xf32, #tpu.memory_space<vmem>> -> memref<80xf32, #tpu.memory_space<vmem>>
      %dma_wait3A_139 = tpu.memref_slice %arg6[%add3A_101] : memref<10240xf32, #tpu.memory_space<vmem_shared>> -> memref<80xf32, #tpu.memory_space<vmem_shared>>
      %dma_wait3A_140 = tpu.memref_slice %arg6[%add3A_101] : memref<10240xf32, #tpu.memory_space<vmem_shared>> -> memref<80xf32, #tpu.memory_space<vmem_shared>>
      %dma_wait3A_141 = arith.constant 0 : i32
      %dma_wait3A_142 = tpu.memref_slice %arg5[%run_scoped3A_102, %dma_wait3A_141] : memref<2x80xf32, #tpu.memory_space<vmem>> -> memref<1x80xf32, #tpu.memory_space<vmem>>
      %dma_wait3A_143 = tpu.memref_squeeze %dma_wait3A_142 : memref<1x80xf32, #tpu.memory_space<vmem>> -> memref<80xf32, #tpu.memory_space<vmem>>
      tpu.wait_dma2 semaphore(%run_scoped3A_129 : memref<!tpu.dma_semaphore, #tpu.memory_space<semaphore_mem>>) src(%dma_wait3A_143 : memref<80xf32, #tpu.memory_space<vmem>>) dst(%dma_wait3A_140 : memref<80xf32, #tpu.memory_space<vmem_shared>>)
      tpu.yield
    }) : () -> ()
    %mul3A_103 = arith.constant 640 : i32
    %mul3A_104 = arith.muli %arg1, %mul3A_103 : i32
    %add3A_105 = arith.constant 400 : i32
    %add3A_106 = arith.addi %mul3A_104, %add3A_105 : i32
    %run_scoped3A_107 = arith.constant 1 : i32
    "tpu.region"() ({
      %run_scoped3A_129 = tpu.sem_alloc : memref<!tpu.dma_semaphore, #tpu.memory_space<semaphore_mem>>
      %dma_start3A = arith.constant 0 : i32
      %dma_start3A_130 = tpu.memref_slice %arg5[%run_scoped3A_107, %dma_start3A] : memref<2x80xf32, #tpu.memory_space<vmem>> -> memref<1x80xf32, #tpu.memory_space<vmem>>
      %dma_start3A_131 = tpu.memref_squeeze %dma_start3A_130 : memref<1x80xf32, #tpu.memory_space<vmem>> -> memref<80xf32, #tpu.memory_space<vmem>>
      %dma_start3A_132 = tpu.memref_slice %arg6[%add3A_106] : memref<10240xf32, #tpu.memory_space<vmem_shared>> -> memref<80xf32, #tpu.memory_space<vmem_shared>>
      %dma_start3A_133 = tpu.memref_slice %arg6[%add3A_106] : memref<10240xf32, #tpu.memory_space<vmem_shared>> -> memref<80xf32, #tpu.memory_space<vmem_shared>>
      %dma_start3A_134 = arith.constant 0 : i32
      %dma_start3A_135 = tpu.memref_slice %arg5[%run_scoped3A_107, %dma_start3A_134] : memref<2x80xf32, #tpu.memory_space<vmem>> -> memref<1x80xf32, #tpu.memory_space<vmem>>
      %dma_start3A_136 = tpu.memref_squeeze %dma_start3A_135 : memref<1x80xf32, #tpu.memory_space<vmem>> -> memref<80xf32, #tpu.memory_space<vmem>>
      tpu.enqueue_dma source(%dma_start3A_136 : memref<80xf32, #tpu.memory_space<vmem>>) target(%dma_start3A_133 : memref<80xf32, #tpu.memory_space<vmem_shared>>) target_semaphore(%run_scoped3A_129 : memref<!tpu.dma_semaphore, #tpu.memory_space<semaphore_mem>>)
      %dma_wait3A = arith.constant 0 : i32
      %dma_wait3A_137 = tpu.memref_slice %arg5[%run_scoped3A_107, %dma_wait3A] : memref<2x80xf32, #tpu.memory_space<vmem>> -> memref<1x80xf32, #tpu.memory_space<vmem>>
      %dma_wait3A_138 = tpu.memref_squeeze %dma_wait3A_137 : memref<1x80xf32, #tpu.memory_space<vmem>> -> memref<80xf32, #tpu.memory_space<vmem>>
      %dma_wait3A_139 = tpu.memref_slice %arg6[%add3A_106] : memref<10240xf32, #tpu.memory_space<vmem_shared>> -> memref<80xf32, #tpu.memory_space<vmem_shared>>
      %dma_wait3A_140 = tpu.memref_slice %arg6[%add3A_106] : memref<10240xf32, #tpu.memory_space<vmem_shared>> -> memref<80xf32, #tpu.memory_space<vmem_shared>>
      %dma_wait3A_141 = arith.constant 0 : i32
      %dma_wait3A_142 = tpu.memref_slice %arg5[%run_scoped3A_107, %dma_wait3A_141] : memref<2x80xf32, #tpu.memory_space<vmem>> -> memref<1x80xf32, #tpu.memory_space<vmem>>
      %dma_wait3A_143 = tpu.memref_squeeze %dma_wait3A_142 : memref<1x80xf32, #tpu.memory_space<vmem>> -> memref<80xf32, #tpu.memory_space<vmem>>
      tpu.wait_dma2 semaphore(%run_scoped3A_129 : memref<!tpu.dma_semaphore, #tpu.memory_space<semaphore_mem>>) src(%dma_wait3A_143 : memref<80xf32, #tpu.memory_space<vmem>>) dst(%dma_wait3A_140 : memref<80xf32, #tpu.memory_space<vmem_shared>>)
      tpu.yield
    }) : () -> ()
    %mul3A_108 = arith.constant 640 : i32
    %mul3A_109 = arith.muli %arg1, %mul3A_108 : i32
    %add3A_110 = arith.constant 480 : i32
    %add3A_111 = arith.addi %mul3A_109, %add3A_110 : i32
    %run_scoped3A_112 = arith.constant 1 : i32
    "tpu.region"() ({
      %run_scoped3A_129 = tpu.sem_alloc : memref<!tpu.dma_semaphore, #tpu.memory_space<semaphore_mem>>
      %dma_start3A = arith.constant 0 : i32
      %dma_start3A_130 = tpu.memref_slice %arg5[%run_scoped3A_112, %dma_start3A] : memref<2x80xf32, #tpu.memory_space<vmem>> -> memref<1x80xf32, #tpu.memory_space<vmem>>
      %dma_start3A_131 = tpu.memref_squeeze %dma_start3A_130 : memref<1x80xf32, #tpu.memory_space<vmem>> -> memref<80xf32, #tpu.memory_space<vmem>>
      %dma_start3A_132 = tpu.memref_slice %arg6[%add3A_111] : memref<10240xf32, #tpu.memory_space<vmem_shared>> -> memref<80xf32, #tpu.memory_space<vmem_shared>>
      %dma_start3A_133 = tpu.memref_slice %arg6[%add3A_111] : memref<10240xf32, #tpu.memory_space<vmem_shared>> -> memref<80xf32, #tpu.memory_space<vmem_shared>>
      %dma_start3A_134 = arith.constant 0 : i32
      %dma_start3A_135 = tpu.memref_slice %arg5[%run_scoped3A_112, %dma_start3A_134] : memref<2x80xf32, #tpu.memory_space<vmem>> -> memref<1x80xf32, #tpu.memory_space<vmem>>
      %dma_start3A_136 = tpu.memref_squeeze %dma_start3A_135 : memref<1x80xf32, #tpu.memory_space<vmem>> -> memref<80xf32, #tpu.memory_space<vmem>>
      tpu.enqueue_dma source(%dma_start3A_136 : memref<80xf32, #tpu.memory_space<vmem>>) target(%dma_start3A_133 : memref<80xf32, #tpu.memory_space<vmem_shared>>) target_semaphore(%run_scoped3A_129 : memref<!tpu.dma_semaphore, #tpu.memory_space<semaphore_mem>>)
      %dma_wait3A = arith.constant 0 : i32
      %dma_wait3A_137 = tpu.memref_slice %arg5[%run_scoped3A_112, %dma_wait3A] : memref<2x80xf32, #tpu.memory_space<vmem>> -> memref<1x80xf32, #tpu.memory_space<vmem>>
      %dma_wait3A_138 = tpu.memref_squeeze %dma_wait3A_137 : memref<1x80xf32, #tpu.memory_space<vmem>> -> memref<80xf32, #tpu.memory_space<vmem>>
      %dma_wait3A_139 = tpu.memref_slice %arg6[%add3A_111] : memref<10240xf32, #tpu.memory_space<vmem_shared>> -> memref<80xf32, #tpu.memory_space<vmem_shared>>
      %dma_wait3A_140 = tpu.memref_slice %arg6[%add3A_111] : memref<10240xf32, #tpu.memory_space<vmem_shared>> -> memref<80xf32, #tpu.memory_space<vmem_shared>>
      %dma_wait3A_141 = arith.constant 0 : i32
      %dma_wait3A_142 = tpu.memref_slice %arg5[%run_scoped3A_112, %dma_wait3A_141] : memref<2x80xf32, #tpu.memory_space<vmem>> -> memref<1x80xf32, #tpu.memory_space<vmem>>
      %dma_wait3A_143 = tpu.memref_squeeze %dma_wait3A_142 : memref<1x80xf32, #tpu.memory_space<vmem>> -> memref<80xf32, #tpu.memory_space<vmem>>
      tpu.wait_dma2 semaphore(%run_scoped3A_129 : memref<!tpu.dma_semaphore, #tpu.memory_space<semaphore_mem>>) src(%dma_wait3A_143 : memref<80xf32, #tpu.memory_space<vmem>>) dst(%dma_wait3A_140 : memref<80xf32, #tpu.memory_space<vmem_shared>>)
      tpu.yield
    }) : () -> ()
    %mul3A_113 = arith.constant 640 : i32
    %mul3A_114 = arith.muli %arg1, %mul3A_113 : i32
    %add3A_115 = arith.constant 560 : i32
    %add3A_116 = arith.addi %mul3A_114, %add3A_115 : i32
    %run_scoped3A_117 = arith.constant 1 : i32
    "tpu.region"() ({
      %run_scoped3A_129 = tpu.sem_alloc : memref<!tpu.dma_semaphore, #tpu.memory_space<semaphore_mem>>
      %dma_start3A = arith.constant 0 : i32
      %dma_start3A_130 = tpu.memref_slice %arg5[%run_scoped3A_117, %dma_start3A] : memref<2x80xf32, #tpu.memory_space<vmem>> -> memref<1x80xf32, #tpu.memory_space<vmem>>
      %dma_start3A_131 = tpu.memref_squeeze %dma_start3A_130 : memref<1x80xf32, #tpu.memory_space<vmem>> -> memref<80xf32, #tpu.memory_space<vmem>>
      %dma_start3A_132 = tpu.memref_slice %arg6[%add3A_116] : memref<10240xf32, #tpu.memory_space<vmem_shared>> -> memref<80xf32, #tpu.memory_space<vmem_shared>>
      %dma_start3A_133 = tpu.memref_slice %arg6[%add3A_116] : memref<10240xf32, #tpu.memory_space<vmem_shared>> -> memref<80xf32, #tpu.memory_space<vmem_shared>>
      %dma_start3A_134 = arith.constant 0 : i32
      %dma_start3A_135 = tpu.memref_slice %arg5[%run_scoped3A_117, %dma_start3A_134] : memref<2x80xf32, #tpu.memory_space<vmem>> -> memref<1x80xf32, #tpu.memory_space<vmem>>
      %dma_start3A_136 = tpu.memref_squeeze %dma_start3A_135 : memref<1x80xf32, #tpu.memory_space<vmem>> -> memref<80xf32, #tpu.memory_space<vmem>>
      tpu.enqueue_dma source(%dma_start3A_136 : memref<80xf32, #tpu.memory_space<vmem>>) target(%dma_start3A_133 : memref<80xf32, #tpu.memory_space<vmem_shared>>) target_semaphore(%run_scoped3A_129 : memref<!tpu.dma_semaphore, #tpu.memory_space<semaphore_mem>>)
      %dma_wait3A = arith.constant 0 : i32
      %dma_wait3A_137 = tpu.memref_slice %arg5[%run_scoped3A_117, %dma_wait3A] : memref<2x80xf32, #tpu.memory_space<vmem>> -> memref<1x80xf32, #tpu.memory_space<vmem>>
      %dma_wait3A_138 = tpu.memref_squeeze %dma_wait3A_137 : memref<1x80xf32, #tpu.memory_space<vmem>> -> memref<80xf32, #tpu.memory_space<vmem>>
      %dma_wait3A_139 = tpu.memref_slice %arg6[%add3A_116] : memref<10240xf32, #tpu.memory_space<vmem_shared>> -> memref<80xf32, #tpu.memory_space<vmem_shared>>
      %dma_wait3A_140 = tpu.memref_slice %arg6[%add3A_116] : memref<10240xf32, #tpu.memory_space<vmem_shared>> -> memref<80xf32, #tpu.memory_space<vmem_shared>>
      %dma_wait3A_141 = arith.constant 0 : i32
      %dma_wait3A_142 = tpu.memref_slice %arg5[%run_scoped3A_117, %dma_wait3A_141] : memref<2x80xf32, #tpu.memory_space<vmem>> -> memref<1x80xf32, #tpu.memory_space<vmem>>
      %dma_wait3A_143 = tpu.memref_squeeze %dma_wait3A_142 : memref<1x80xf32, #tpu.memory_space<vmem>> -> memref<80xf32, #tpu.memory_space<vmem>>
      tpu.wait_dma2 semaphore(%run_scoped3A_129 : memref<!tpu.dma_semaphore, #tpu.memory_space<semaphore_mem>>) src(%dma_wait3A_143 : memref<80xf32, #tpu.memory_space<vmem>>) dst(%dma_wait3A_140 : memref<80xf32, #tpu.memory_space<vmem_shared>>)
      tpu.yield
    }) : () -> ()
    %barrier3A = arith.constant 0 : index
    tpu.barrier barrier_id(%barrier3A)
    %scan3A = arith.constant 0 : i32
    %scan3A_118 = arith.constant 0 : i32
    %scan3A_119 = arith.constant 16 : i32
    %scan3A_120 = arith.addi %scan3A_118, %scan3A_119 : i32
    %scan3A_121 = arith.constant 1 : i32
    %scan3A_122 = scf.for %scan3A_129 = %scan3A_118 to %scan3A_120 step %scan3A_121 iter_args(%scan3A_130 = %scan3A) -> (i32)  : i32 {
      %mul3A_131 = arith.constant 8 : i32
      %mul3A_132 = arith.muli %scan3A_129, %mul3A_131 : i32
      "tpu.region"() ({
        %run_scoped3A_150 = tpu.sem_alloc : memref<!tpu.dma_semaphore, #tpu.memory_space<semaphore_mem>>
        %dma_start3A = arith.constant 0 : i32
        %dma_start3A_151 = tpu.memref_slice %arg2[%add3A, %mul3A_132, %dma_start3A] : memref<32x128x80xi32, #tpu.memory_space<hbm>> -> memref<1x8x80xi32, #tpu.memory_space<hbm>>
        %dma_start3A_152 = tpu.memref_squeeze %dma_start3A_151 : memref<1x8x80xi32, #tpu.memory_space<hbm>> -> memref<8x80xi32, #tpu.memory_space<hbm>>
        %dma_start3A_153 = arith.constant 0 : i32
        %dma_start3A_154 = tpu.memref_slice %arg2[%add3A, %mul3A_132, %dma_start3A_153] : memref<32x128x80xi32, #tpu.memory_space<hbm>> -> memref<1x8x80xi32, #tpu.memory_space<hbm>>
        %dma_start3A_155 = tpu.memref_squeeze %dma_start3A_154 : memref<1x8x80xi32, #tpu.memory_space<hbm>> -> memref<8x80xi32, #tpu.memory_space<hbm>>
        tpu.enqueue_dma source(%dma_start3A_155 : memref<8x80xi32, #tpu.memory_space<hbm>>) target(%arg4 : memref<8x80xi32, #tpu.memory_space<vmem>>) target_semaphore(%run_scoped3A_150 : memref<!tpu.dma_semaphore, #tpu.memory_space<semaphore_mem>>)
        %dma_wait3A = arith.constant 0 : i32
        %dma_wait3A_156 = tpu.memref_slice %arg2[%add3A, %mul3A_132, %dma_wait3A] : memref<32x128x80xi32, #tpu.memory_space<hbm>> -> memref<1x8x80xi32, #tpu.memory_space<hbm>>
        %dma_wait3A_157 = tpu.memref_squeeze %dma_wait3A_156 : memref<1x8x80xi32, #tpu.memory_space<hbm>> -> memref<8x80xi32, #tpu.memory_space<hbm>>
        %dma_wait3A_158 = arith.constant 0 : i32
        %dma_wait3A_159 = tpu.memref_slice %arg2[%add3A, %mul3A_132, %dma_wait3A_158] : memref<32x128x80xi32, #tpu.memory_space<hbm>> -> memref<1x8x80xi32, #tpu.memory_space<hbm>>
        %dma_wait3A_160 = tpu.memref_squeeze %dma_wait3A_159 : memref<1x8x80xi32, #tpu.memory_space<hbm>> -> memref<8x80xi32, #tpu.memory_space<hbm>>
        tpu.wait_dma2 semaphore(%run_scoped3A_150 : memref<!tpu.dma_semaphore, #tpu.memory_space<semaphore_mem>>) src(%dma_wait3A_160 : memref<8x80xi32, #tpu.memory_space<hbm>>) dst(%arg4 : memref<8x80xi32, #tpu.memory_space<vmem>>)
        tpu.yield
      }) : () -> ()
      %run_scoped3A_133 = arith.constant 0 : i32
      %run_scoped3A_134 = arith.constant 0 : i32
      "tpu.region"() ({
        %run_scoped3A_150 = tpu.sem_alloc : memref<!tpu.dma_semaphore, #tpu.memory_space<semaphore_mem>>
        %dma_start3A = arith.constant 0 : i32
        %dma_start3A_151 = tpu.memref_slice %arg5[%run_scoped3A_133, %dma_start3A] : memref<2x80xf32, #tpu.memory_space<vmem>> -> memref<1x80xf32, #tpu.memory_space<vmem>>
        %dma_start3A_152 = tpu.memref_squeeze %dma_start3A_151 : memref<1x80xf32, #tpu.memory_space<vmem>> -> memref<80xf32, #tpu.memory_space<vmem>>
        %dma_start3A_153 = arith.constant 0 : i32
        %dma_start3A_154 = tpu.memref_slice %arg4[%run_scoped3A_134, %dma_start3A_153] : memref<8x80xi32, #tpu.memory_space<vmem>> -> memref<1x80xi32, #tpu.memory_space<vmem>>
        %dma_start3A_155 = tpu.memref_squeeze %dma_start3A_154 : memref<1x80xi32, #tpu.memory_space<vmem>> -> memref<80xi32, #tpu.memory_space<vmem>>
        %dma_start3A_156 = arith.constant 0 : i32
        %dma_start3A_157 = tpu.memref_slice %arg6[%dma_start3A_156] : memref<10240xf32, #tpu.memory_space<vmem_shared>> -> memref<10240xf32, #tpu.memory_space<vmem_shared>>
        tpu.enqueue_indirect_dma source(%dma_start3A_152 : memref<80xf32, #tpu.memory_space<vmem>>) target(%dma_start3A_157 : memref<10240xf32, #tpu.memory_space<vmem_shared>>) offsets(%dma_start3A_155 : memref<80xi32, #tpu.memory_space<vmem>>) semaphore(%run_scoped3A_150 : memref<!tpu.dma_semaphore, #tpu.memory_space<semaphore_mem>>) {add = true}
        %dma_wait3A = arith.constant 0 : i32
        %dma_wait3A_158 = tpu.memref_slice %arg5[%run_scoped3A_133, %dma_wait3A] : memref<2x80xf32, #tpu.memory_space<vmem>> -> memref<1x80xf32, #tpu.memory_space<vmem>>
        %dma_wait3A_159 = tpu.memref_squeeze %dma_wait3A_158 : memref<1x80xf32, #tpu.memory_space<vmem>> -> memref<80xf32, #tpu.memory_space<vmem>>
        %dma_wait3A_160 = arith.constant 0 : i32
        %dma_wait3A_161 = tpu.memref_slice %arg4[%run_scoped3A_134, %dma_wait3A_160] : memref<8x80xi32, #tpu.memory_space<vmem>> -> memref<1x80xi32, #tpu.memory_space<vmem>>
        %dma_wait3A_162 = tpu.memref_squeeze %dma_wait3A_161 : memref<1x80xi32, #tpu.memory_space<vmem>> -> memref<80xi32, #tpu.memory_space<vmem>>
        %dma_wait3A_163 = arith.constant 0 : i32
        %dma_wait3A_164 = tpu.memref_slice %arg6[%dma_wait3A_163] : memref<10240xf32, #tpu.memory_space<vmem_shared>> -> memref<10240xf32, #tpu.memory_space<vmem_shared>>
        tpu.wait_indirect_dma semaphore(%run_scoped3A_150 : memref<!tpu.dma_semaphore, #tpu.memory_space<semaphore_mem>>) src(%dma_wait3A_159 : memref<80xf32, #tpu.memory_space<vmem>>) dst(%dma_wait3A_164 : memref<10240xf32, #tpu.memory_space<vmem_shared>>)
        tpu.yield
      }) : () -> ()
      %run_scoped3A_135 = arith.constant 0 : i32
      %run_scoped3A_136 = arith.constant 1 : i32
      "tpu.region"() ({
        %run_scoped3A_150 = tpu.sem_alloc : memref<!tpu.dma_semaphore, #tpu.memory_space<semaphore_mem>>
        %dma_start3A = arith.constant 0 : i32
        %dma_start3A_151 = tpu.memref_slice %arg5[%run_scoped3A_135, %dma_start3A] : memref<2x80xf32, #tpu.memory_space<vmem>> -> memref<1x80xf32, #tpu.memory_space<vmem>>
        %dma_start3A_152 = tpu.memref_squeeze %dma_start3A_151 : memref<1x80xf32, #tpu.memory_space<vmem>> -> memref<80xf32, #tpu.memory_space<vmem>>
        %dma_start3A_153 = arith.constant 0 : i32
        %dma_start3A_154 = tpu.memref_slice %arg4[%run_scoped3A_136, %dma_start3A_153] : memref<8x80xi32, #tpu.memory_space<vmem>> -> memref<1x80xi32, #tpu.memory_space<vmem>>
        %dma_start3A_155 = tpu.memref_squeeze %dma_start3A_154 : memref<1x80xi32, #tpu.memory_space<vmem>> -> memref<80xi32, #tpu.memory_space<vmem>>
        %dma_start3A_156 = arith.constant 0 : i32
        %dma_start3A_157 = tpu.memref_slice %arg6[%dma_start3A_156] : memref<10240xf32, #tpu.memory_space<vmem_shared>> -> memref<10240xf32, #tpu.memory_space<vmem_shared>>
        tpu.enqueue_indirect_dma source(%dma_start3A_152 : memref<80xf32, #tpu.memory_space<vmem>>) target(%dma_start3A_157 : memref<10240xf32, #tpu.memory_space<vmem_shared>>) offsets(%dma_start3A_155 : memref<80xi32, #tpu.memory_space<vmem>>) semaphore(%run_scoped3A_150 : memref<!tpu.dma_semaphore, #tpu.memory_space<semaphore_mem>>) {add = true}
        %dma_wait3A = arith.constant 0 : i32
        %dma_wait3A_158 = tpu.memref_slice %arg5[%run_scoped3A_135, %dma_wait3A] : memref<2x80xf32, #tpu.memory_space<vmem>> -> memref<1x80xf32, #tpu.memory_space<vmem>>
        %dma_wait3A_159 = tpu.memref_squeeze %dma_wait3A_158 : memref<1x80xf32, #tpu.memory_space<vmem>> -> memref<80xf32, #tpu.memory_space<vmem>>
        %dma_wait3A_160 = arith.constant 0 : i32
        %dma_wait3A_161 = tpu.memref_slice %arg4[%run_scoped3A_136, %dma_wait3A_160] : memref<8x80xi32, #tpu.memory_space<vmem>> -> memref<1x80xi32, #tpu.memory_space<vmem>>
        %dma_wait3A_162 = tpu.memref_squeeze %dma_wait3A_161 : memref<1x80xi32, #tpu.memory_space<vmem>> -> memref<80xi32, #tpu.memory_space<vmem>>
        %dma_wait3A_163 = arith.constant 0 : i32
        %dma_wait3A_164 = tpu.memref_slice %arg6[%dma_wait3A_163] : memref<10240xf32, #tpu.memory_space<vmem_shared>> -> memref<10240xf32, #tpu.memory_space<vmem_shared>>
        tpu.wait_indirect_dma semaphore(%run_scoped3A_150 : memref<!tpu.dma_semaphore, #tpu.memory_space<semaphore_mem>>) src(%dma_wait3A_159 : memref<80xf32, #tpu.memory_space<vmem>>) dst(%dma_wait3A_164 : memref<10240xf32, #tpu.memory_space<vmem_shared>>)
        tpu.yield
      }) : () -> ()
      %run_scoped3A_137 = arith.constant 0 : i32
      %run_scoped3A_138 = arith.constant 2 : i32
      "tpu.region"() ({
        %run_scoped3A_150 = tpu.sem_alloc : memref<!tpu.dma_semaphore, #tpu.memory_space<semaphore_mem>>
        %dma_start3A = arith.constant 0 : i32
        %dma_start3A_151 = tpu.memref_slice %arg5[%run_scoped3A_137, %dma_start3A] : memref<2x80xf32, #tpu.memory_space<vmem>> -> memref<1x80xf32, #tpu.memory_space<vmem>>
        %dma_start3A_152 = tpu.memref_squeeze %dma_start3A_151 : memref<1x80xf32, #tpu.memory_space<vmem>> -> memref<80xf32, #tpu.memory_space<vmem>>
        %dma_start3A_153 = arith.constant 0 : i32
        %dma_start3A_154 = tpu.memref_slice %arg4[%run_scoped3A_138, %dma_start3A_153] : memref<8x80xi32, #tpu.memory_space<vmem>> -> memref<1x80xi32, #tpu.memory_space<vmem>>
        %dma_start3A_155 = tpu.memref_squeeze %dma_start3A_154 : memref<1x80xi32, #tpu.memory_space<vmem>> -> memref<80xi32, #tpu.memory_space<vmem>>
        %dma_start3A_156 = arith.constant 0 : i32
        %dma_start3A_157 = tpu.memref_slice %arg6[%dma_start3A_156] : memref<10240xf32, #tpu.memory_space<vmem_shared>> -> memref<10240xf32, #tpu.memory_space<vmem_shared>>
        tpu.enqueue_indirect_dma source(%dma_start3A_152 : memref<80xf32, #tpu.memory_space<vmem>>) target(%dma_start3A_157 : memref<10240xf32, #tpu.memory_space<vmem_shared>>) offsets(%dma_start3A_155 : memref<80xi32, #tpu.memory_space<vmem>>) semaphore(%run_scoped3A_150 : memref<!tpu.dma_semaphore, #tpu.memory_space<semaphore_mem>>) {add = true}
        %dma_wait3A = arith.constant 0 : i32
        %dma_wait3A_158 = tpu.memref_slice %arg5[%run_scoped3A_137, %dma_wait3A] : memref<2x80xf32, #tpu.memory_space<vmem>> -> memref<1x80xf32, #tpu.memory_space<vmem>>
        %dma_wait3A_159 = tpu.memref_squeeze %dma_wait3A_158 : memref<1x80xf32, #tpu.memory_space<vmem>> -> memref<80xf32, #tpu.memory_space<vmem>>
        %dma_wait3A_160 = arith.constant 0 : i32
        %dma_wait3A_161 = tpu.memref_slice %arg4[%run_scoped3A_138, %dma_wait3A_160] : memref<8x80xi32, #tpu.memory_space<vmem>> -> memref<1x80xi32, #tpu.memory_space<vmem>>
        %dma_wait3A_162 = tpu.memref_squeeze %dma_wait3A_161 : memref<1x80xi32, #tpu.memory_space<vmem>> -> memref<80xi32, #tpu.memory_space<vmem>>
        %dma_wait3A_163 = arith.constant 0 : i32
        %dma_wait3A_164 = tpu.memref_slice %arg6[%dma_wait3A_163] : memref<10240xf32, #tpu.memory_space<vmem_shared>> -> memref<10240xf32, #tpu.memory_space<vmem_shared>>
        tpu.wait_indirect_dma semaphore(%run_scoped3A_150 : memref<!tpu.dma_semaphore, #tpu.memory_space<semaphore_mem>>) src(%dma_wait3A_159 : memref<80xf32, #tpu.memory_space<vmem>>) dst(%dma_wait3A_164 : memref<10240xf32, #tpu.memory_space<vmem_shared>>)
        tpu.yield
      }) : () -> ()
      %run_scoped3A_139 = arith.constant 0 : i32
      %run_scoped3A_140 = arith.constant 3 : i32
      "tpu.region"() ({
        %run_scoped3A_150 = tpu.sem_alloc : memref<!tpu.dma_semaphore, #tpu.memory_space<semaphore_mem>>
        %dma_start3A = arith.constant 0 : i32
        %dma_start3A_151 = tpu.memref_slice %arg5[%run_scoped3A_139, %dma_start3A] : memref<2x80xf32, #tpu.memory_space<vmem>> -> memref<1x80xf32, #tpu.memory_space<vmem>>
        %dma_start3A_152 = tpu.memref_squeeze %dma_start3A_151 : memref<1x80xf32, #tpu.memory_space<vmem>> -> memref<80xf32, #tpu.memory_space<vmem>>
        %dma_start3A_153 = arith.constant 0 : i32
        %dma_start3A_154 = tpu.memref_slice %arg4[%run_scoped3A_140, %dma_start3A_153] : memref<8x80xi32, #tpu.memory_space<vmem>> -> memref<1x80xi32, #tpu.memory_space<vmem>>
        %dma_start3A_155 = tpu.memref_squeeze %dma_start3A_154 : memref<1x80xi32, #tpu.memory_space<vmem>> -> memref<80xi32, #tpu.memory_space<vmem>>
        %dma_start3A_156 = arith.constant 0 : i32
        %dma_start3A_157 = tpu.memref_slice %arg6[%dma_start3A_156] : memref<10240xf32, #tpu.memory_space<vmem_shared>> -> memref<10240xf32, #tpu.memory_space<vmem_shared>>
        tpu.enqueue_indirect_dma source(%dma_start3A_152 : memref<80xf32, #tpu.memory_space<vmem>>) target(%dma_start3A_157 : memref<10240xf32, #tpu.memory_space<vmem_shared>>) offsets(%dma_start3A_155 : memref<80xi32, #tpu.memory_space<vmem>>) semaphore(%run_scoped3A_150 : memref<!tpu.dma_semaphore, #tpu.memory_space<semaphore_mem>>) {add = true}
        %dma_wait3A = arith.constant 0 : i32
        %dma_wait3A_158 = tpu.memref_slice %arg5[%run_scoped3A_139, %dma_wait3A] : memref<2x80xf32, #tpu.memory_space<vmem>> -> memref<1x80xf32, #tpu.memory_space<vmem>>
        %dma_wait3A_159 = tpu.memref_squeeze %dma_wait3A_158 : memref<1x80xf32, #tpu.memory_space<vmem>> -> memref<80xf32, #tpu.memory_space<vmem>>
        %dma_wait3A_160 = arith.constant 0 : i32
        %dma_wait3A_161 = tpu.memref_slice %arg4[%run_scoped3A_140, %dma_wait3A_160] : memref<8x80xi32, #tpu.memory_space<vmem>> -> memref<1x80xi32, #tpu.memory_space<vmem>>
        %dma_wait3A_162 = tpu.memref_squeeze %dma_wait3A_161 : memref<1x80xi32, #tpu.memory_space<vmem>> -> memref<80xi32, #tpu.memory_space<vmem>>
        %dma_wait3A_163 = arith.constant 0 : i32
        %dma_wait3A_164 = tpu.memref_slice %arg6[%dma_wait3A_163] : memref<10240xf32, #tpu.memory_space<vmem_shared>> -> memref<10240xf32, #tpu.memory_space<vmem_shared>>
        tpu.wait_indirect_dma semaphore(%run_scoped3A_150 : memref<!tpu.dma_semaphore, #tpu.memory_space<semaphore_mem>>) src(%dma_wait3A_159 : memref<80xf32, #tpu.memory_space<vmem>>) dst(%dma_wait3A_164 : memref<10240xf32, #tpu.memory_space<vmem_shared>>)
        tpu.yield
      }) : () -> ()
      %run_scoped3A_141 = arith.constant 0 : i32
      %run_scoped3A_142 = arith.constant 4 : i32
      "tpu.region"() ({
        %run_scoped3A_150 = tpu.sem_alloc : memref<!tpu.dma_semaphore, #tpu.memory_space<semaphore_mem>>
        %dma_start3A = arith.constant 0 : i32
        %dma_start3A_151 = tpu.memref_slice %arg5[%run_scoped3A_141, %dma_start3A] : memref<2x80xf32, #tpu.memory_space<vmem>> -> memref<1x80xf32, #tpu.memory_space<vmem>>
        %dma_start3A_152 = tpu.memref_squeeze %dma_start3A_151 : memref<1x80xf32, #tpu.memory_space<vmem>> -> memref<80xf32, #tpu.memory_space<vmem>>
        %dma_start3A_153 = arith.constant 0 : i32
        %dma_start3A_154 = tpu.memref_slice %arg4[%run_scoped3A_142, %dma_start3A_153] : memref<8x80xi32, #tpu.memory_space<vmem>> -> memref<1x80xi32, #tpu.memory_space<vmem>>
        %dma_start3A_155 = tpu.memref_squeeze %dma_start3A_154 : memref<1x80xi32, #tpu.memory_space<vmem>> -> memref<80xi32, #tpu.memory_space<vmem>>
        %dma_start3A_156 = arith.constant 0 : i32
        %dma_start3A_157 = tpu.memref_slice %arg6[%dma_start3A_156] : memref<10240xf32, #tpu.memory_space<vmem_shared>> -> memref<10240xf32, #tpu.memory_space<vmem_shared>>
        tpu.enqueue_indirect_dma source(%dma_start3A_152 : memref<80xf32, #tpu.memory_space<vmem>>) target(%dma_start3A_157 : memref<10240xf32, #tpu.memory_space<vmem_shared>>) offsets(%dma_start3A_155 : memref<80xi32, #tpu.memory_space<vmem>>) semaphore(%run_scoped3A_150 : memref<!tpu.dma_semaphore, #tpu.memory_space<semaphore_mem>>) {add = true}
        %dma_wait3A = arith.constant 0 : i32
        %dma_wait3A_158 = tpu.memref_slice %arg5[%run_scoped3A_141, %dma_wait3A] : memref<2x80xf32, #tpu.memory_space<vmem>> -> memref<1x80xf32, #tpu.memory_space<vmem>>
        %dma_wait3A_159 = tpu.memref_squeeze %dma_wait3A_158 : memref<1x80xf32, #tpu.memory_space<vmem>> -> memref<80xf32, #tpu.memory_space<vmem>>
        %dma_wait3A_160 = arith.constant 0 : i32
        %dma_wait3A_161 = tpu.memref_slice %arg4[%run_scoped3A_142, %dma_wait3A_160] : memref<8x80xi32, #tpu.memory_space<vmem>> -> memref<1x80xi32, #tpu.memory_space<vmem>>
        %dma_wait3A_162 = tpu.memref_squeeze %dma_wait3A_161 : memref<1x80xi32, #tpu.memory_space<vmem>> -> memref<80xi32, #tpu.memory_space<vmem>>
        %dma_wait3A_163 = arith.constant 0 : i32
        %dma_wait3A_164 = tpu.memref_slice %arg6[%dma_wait3A_163] : memref<10240xf32, #tpu.memory_space<vmem_shared>> -> memref<10240xf32, #tpu.memory_space<vmem_shared>>
        tpu.wait_indirect_dma semaphore(%run_scoped3A_150 : memref<!tpu.dma_semaphore, #tpu.memory_space<semaphore_mem>>) src(%dma_wait3A_159 : memref<80xf32, #tpu.memory_space<vmem>>) dst(%dma_wait3A_164 : memref<10240xf32, #tpu.memory_space<vmem_shared>>)
        tpu.yield
      }) : () -> ()
      %run_scoped3A_143 = arith.constant 0 : i32
      %run_scoped3A_144 = arith.constant 5 : i32
      "tpu.region"() ({
        %run_scoped3A_150 = tpu.sem_alloc : memref<!tpu.dma_semaphore, #tpu.memory_space<semaphore_mem>>
        %dma_start3A = arith.constant 0 : i32
        %dma_start3A_151 = tpu.memref_slice %arg5[%run_scoped3A_143, %dma_start3A] : memref<2x80xf32, #tpu.memory_space<vmem>> -> memref<1x80xf32, #tpu.memory_space<vmem>>
        %dma_start3A_152 = tpu.memref_squeeze %dma_start3A_151 : memref<1x80xf32, #tpu.memory_space<vmem>> -> memref<80xf32, #tpu.memory_space<vmem>>
        %dma_start3A_153 = arith.constant 0 : i32
        %dma_start3A_154 = tpu.memref_slice %arg4[%run_scoped3A_144, %dma_start3A_153] : memref<8x80xi32, #tpu.memory_space<vmem>> -> memref<1x80xi32, #tpu.memory_space<vmem>>
        %dma_start3A_155 = tpu.memref_squeeze %dma_start3A_154 : memref<1x80xi32, #tpu.memory_space<vmem>> -> memref<80xi32, #tpu.memory_space<vmem>>
        %dma_start3A_156 = arith.constant 0 : i32
        %dma_start3A_157 = tpu.memref_slice %arg6[%dma_start3A_156] : memref<10240xf32, #tpu.memory_space<vmem_shared>> -> memref<10240xf32, #tpu.memory_space<vmem_shared>>
        tpu.enqueue_indirect_dma source(%dma_start3A_152 : memref<80xf32, #tpu.memory_space<vmem>>) target(%dma_start3A_157 : memref<10240xf32, #tpu.memory_space<vmem_shared>>) offsets(%dma_start3A_155 : memref<80xi32, #tpu.memory_space<vmem>>) semaphore(%run_scoped3A_150 : memref<!tpu.dma_semaphore, #tpu.memory_space<semaphore_mem>>) {add = true}
        %dma_wait3A = arith.constant 0 : i32
        %dma_wait3A_158 = tpu.memref_slice %arg5[%run_scoped3A_143, %dma_wait3A] : memref<2x80xf32, #tpu.memory_space<vmem>> -> memref<1x80xf32, #tpu.memory_space<vmem>>
        %dma_wait3A_159 = tpu.memref_squeeze %dma_wait3A_158 : memref<1x80xf32, #tpu.memory_space<vmem>> -> memref<80xf32, #tpu.memory_space<vmem>>
        %dma_wait3A_160 = arith.constant 0 : i32
        %dma_wait3A_161 = tpu.memref_slice %arg4[%run_scoped3A_144, %dma_wait3A_160] : memref<8x80xi32, #tpu.memory_space<vmem>> -> memref<1x80xi32, #tpu.memory_space<vmem>>
        %dma_wait3A_162 = tpu.memref_squeeze %dma_wait3A_161 : memref<1x80xi32, #tpu.memory_space<vmem>> -> memref<80xi32, #tpu.memory_space<vmem>>
        %dma_wait3A_163 = arith.constant 0 : i32
        %dma_wait3A_164 = tpu.memref_slice %arg6[%dma_wait3A_163] : memref<10240xf32, #tpu.memory_space<vmem_shared>> -> memref<10240xf32, #tpu.memory_space<vmem_shared>>
        tpu.wait_indirect_dma semaphore(%run_scoped3A_150 : memref<!tpu.dma_semaphore, #tpu.memory_space<semaphore_mem>>) src(%dma_wait3A_159 : memref<80xf32, #tpu.memory_space<vmem>>) dst(%dma_wait3A_164 : memref<10240xf32, #tpu.memory_space<vmem_shared>>)
        tpu.yield
      }) : () -> ()
      %run_scoped3A_145 = arith.constant 0 : i32
      %run_scoped3A_146 = arith.constant 6 : i32
      "tpu.region"() ({
        %run_scoped3A_150 = tpu.sem_alloc : memref<!tpu.dma_semaphore, #tpu.memory_space<semaphore_mem>>
        %dma_start3A = arith.constant 0 : i32
        %dma_start3A_151 = tpu.memref_slice %arg5[%run_scoped3A_145, %dma_start3A] : memref<2x80xf32, #tpu.memory_space<vmem>> -> memref<1x80xf32, #tpu.memory_space<vmem>>
        %dma_start3A_152 = tpu.memref_squeeze %dma_start3A_151 : memref<1x80xf32, #tpu.memory_space<vmem>> -> memref<80xf32, #tpu.memory_space<vmem>>
        %dma_start3A_153 = arith.constant 0 : i32
        %dma_start3A_154 = tpu.memref_slice %arg4[%run_scoped3A_146, %dma_start3A_153] : memref<8x80xi32, #tpu.memory_space<vmem>> -> memref<1x80xi32, #tpu.memory_space<vmem>>
        %dma_start3A_155 = tpu.memref_squeeze %dma_start3A_154 : memref<1x80xi32, #tpu.memory_space<vmem>> -> memref<80xi32, #tpu.memory_space<vmem>>
        %dma_start3A_156 = arith.constant 0 : i32
        %dma_start3A_157 = tpu.memref_slice %arg6[%dma_start3A_156] : memref<10240xf32, #tpu.memory_space<vmem_shared>> -> memref<10240xf32, #tpu.memory_space<vmem_shared>>
        tpu.enqueue_indirect_dma source(%dma_start3A_152 : memref<80xf32, #tpu.memory_space<vmem>>) target(%dma_start3A_157 : memref<10240xf32, #tpu.memory_space<vmem_shared>>) offsets(%dma_start3A_155 : memref<80xi32, #tpu.memory_space<vmem>>) semaphore(%run_scoped3A_150 : memref<!tpu.dma_semaphore, #tpu.memory_space<semaphore_mem>>) {add = true}
        %dma_wait3A = arith.constant 0 : i32
        %dma_wait3A_158 = tpu.memref_slice %arg5[%run_scoped3A_145, %dma_wait3A] : memref<2x80xf32, #tpu.memory_space<vmem>> -> memref<1x80xf32, #tpu.memory_space<vmem>>
        %dma_wait3A_159 = tpu.memref_squeeze %dma_wait3A_158 : memref<1x80xf32, #tpu.memory_space<vmem>> -> memref<80xf32, #tpu.memory_space<vmem>>
        %dma_wait3A_160 = arith.constant 0 : i32
        %dma_wait3A_161 = tpu.memref_slice %arg4[%run_scoped3A_146, %dma_wait3A_160] : memref<8x80xi32, #tpu.memory_space<vmem>> -> memref<1x80xi32, #tpu.memory_space<vmem>>
        %dma_wait3A_162 = tpu.memref_squeeze %dma_wait3A_161 : memref<1x80xi32, #tpu.memory_space<vmem>> -> memref<80xi32, #tpu.memory_space<vmem>>
        %dma_wait3A_163 = arith.constant 0 : i32
        %dma_wait3A_164 = tpu.memref_slice %arg6[%dma_wait3A_163] : memref<10240xf32, #tpu.memory_space<vmem_shared>> -> memref<10240xf32, #tpu.memory_space<vmem_shared>>
        tpu.wait_indirect_dma semaphore(%run_scoped3A_150 : memref<!tpu.dma_semaphore, #tpu.memory_space<semaphore_mem>>) src(%dma_wait3A_159 : memref<80xf32, #tpu.memory_space<vmem>>) dst(%dma_wait3A_164 : memref<10240xf32, #tpu.memory_space<vmem_shared>>)
        tpu.yield
      }) : () -> ()
      %run_scoped3A_147 = arith.constant 0 : i32
      %run_scoped3A_148 = arith.constant 7 : i32
      "tpu.region"() ({
        %run_scoped3A_150 = tpu.sem_alloc : memref<!tpu.dma_semaphore, #tpu.memory_space<semaphore_mem>>
        %dma_start3A = arith.constant 0 : i32
        %dma_start3A_151 = tpu.memref_slice %arg5[%run_scoped3A_147, %dma_start3A] : memref<2x80xf32, #tpu.memory_space<vmem>> -> memref<1x80xf32, #tpu.memory_space<vmem>>
        %dma_start3A_152 = tpu.memref_squeeze %dma_start3A_151 : memref<1x80xf32, #tpu.memory_space<vmem>> -> memref<80xf32, #tpu.memory_space<vmem>>
        %dma_start3A_153 = arith.constant 0 : i32
        %dma_start3A_154 = tpu.memref_slice %arg4[%run_scoped3A_148, %dma_start3A_153] : memref<8x80xi32, #tpu.memory_space<vmem>> -> memref<1x80xi32, #tpu.memory_space<vmem>>
        %dma_start3A_155 = tpu.memref_squeeze %dma_start3A_154 : memref<1x80xi32, #tpu.memory_space<vmem>> -> memref<80xi32, #tpu.memory_space<vmem>>
        %dma_start3A_156 = arith.constant 0 : i32
        %dma_start3A_157 = tpu.memref_slice %arg6[%dma_start3A_156] : memref<10240xf32, #tpu.memory_space<vmem_shared>> -> memref<10240xf32, #tpu.memory_space<vmem_shared>>
        tpu.enqueue_indirect_dma source(%dma_start3A_152 : memref<80xf32, #tpu.memory_space<vmem>>) target(%dma_start3A_157 : memref<10240xf32, #tpu.memory_space<vmem_shared>>) offsets(%dma_start3A_155 : memref<80xi32, #tpu.memory_space<vmem>>) semaphore(%run_scoped3A_150 : memref<!tpu.dma_semaphore, #tpu.memory_space<semaphore_mem>>) {add = true}
        %dma_wait3A = arith.constant 0 : i32
        %dma_wait3A_158 = tpu.memref_slice %arg5[%run_scoped3A_147, %dma_wait3A] : memref<2x80xf32, #tpu.memory_space<vmem>> -> memref<1x80xf32, #tpu.memory_space<vmem>>
        %dma_wait3A_159 = tpu.memref_squeeze %dma_wait3A_158 : memref<1x80xf32, #tpu.memory_space<vmem>> -> memref<80xf32, #tpu.memory_space<vmem>>
        %dma_wait3A_160 = arith.constant 0 : i32
        %dma_wait3A_161 = tpu.memref_slice %arg4[%run_scoped3A_148, %dma_wait3A_160] : memref<8x80xi32, #tpu.memory_space<vmem>> -> memref<1x80xi32, #tpu.memory_space<vmem>>
        %dma_wait3A_162 = tpu.memref_squeeze %dma_wait3A_161 : memref<1x80xi32, #tpu.memory_space<vmem>> -> memref<80xi32, #tpu.memory_space<vmem>>
        %dma_wait3A_163 = arith.constant 0 : i32
        %dma_wait3A_164 = tpu.memref_slice %arg6[%dma_wait3A_163] : memref<10240xf32, #tpu.memory_space<vmem_shared>> -> memref<10240xf32, #tpu.memory_space<vmem_shared>>
        tpu.wait_indirect_dma semaphore(%run_scoped3A_150 : memref<!tpu.dma_semaphore, #tpu.memory_space<semaphore_mem>>) src(%dma_wait3A_159 : memref<80xf32, #tpu.memory_space<vmem>>) dst(%dma_wait3A_164 : memref<10240xf32, #tpu.memory_space<vmem_shared>>)
        tpu.yield
      }) : () -> ()
      %scan3A_149 = arith.constant 0 : i32
      scf.yield %scan3A_149 : i32
    }
    %scan3A_123 = arith.constant 16 : i32
    %barrier3A_124 = arith.constant 0 : index
    tpu.barrier barrier_id(%barrier3A_124)
    %mul3A_125 = arith.constant 640 : i32
    %mul3A_126 = arith.muli %arg1, %mul3A_125 : i32
    %mul3A_127 = arith.constant 640 : i32
    %mul3A_128 = arith.muli %arg1, %mul3A_127 : i32
    "tpu.region"() ({
      %run_scoped3A_129 = tpu.sem_alloc : memref<!tpu.dma_semaphore, #tpu.memory_space<semaphore_mem>>
      %dma_start3A = tpu.memref_slice %arg3[%arg0, %mul3A_128] : memref<2x10240xf32, #tpu.memory_space<hbm>> -> memref<1x640xf32, #tpu.memory_space<hbm>>
      %dma_start3A_130 = tpu.memref_squeeze %dma_start3A : memref<1x640xf32, #tpu.memory_space<hbm>> -> memref<640xf32, #tpu.memory_space<hbm>>
      %dma_start3A_131 = tpu.memref_slice %arg6[%mul3A_126] : memref<10240xf32, #tpu.memory_space<vmem_shared>> -> memref<640xf32, #tpu.memory_space<vmem_shared>>
      tpu.enqueue_dma source(%dma_start3A_131 : memref<640xf32, #tpu.memory_space<vmem_shared>>) target(%dma_start3A_130 : memref<640xf32, #tpu.memory_space<hbm>>) target_semaphore(%run_scoped3A_129 : memref<!tpu.dma_semaphore, #tpu.memory_space<semaphore_mem>>)
      %dma_wait3A = tpu.memref_slice %arg3[%arg0, %mul3A_128] : memref<2x10240xf32, #tpu.memory_space<hbm>> -> memref<1x640xf32, #tpu.memory_space<hbm>>
      %dma_wait3A_132 = tpu.memref_squeeze %dma_wait3A : memref<1x640xf32, #tpu.memory_space<hbm>> -> memref<640xf32, #tpu.memory_space<hbm>>
      %dma_wait3A_133 = tpu.memref_slice %arg6[%mul3A_126] : memref<10240xf32, #tpu.memory_space<vmem_shared>> -> memref<640xf32, #tpu.memory_space<vmem_shared>>
      tpu.wait_dma2 semaphore(%run_scoped3A_129 : memref<!tpu.dma_semaphore, #tpu.memory_space<semaphore_mem>>) src(%dma_wait3A_133 : memref<640xf32, #tpu.memory_space<vmem_shared>>) dst(%dma_wait3A_132 : memref<640xf32, #tpu.memory_space<hbm>>)
      tpu.yield
    }) : () -> ()
    return
  }
}

#map = affine_map<(d0, d1) -> (0, 0)>
#map1 = affine_map<(d0, d1) -> (0, 0, 0)>
module attributes {stable_mosaic.version = 14 : i64} {
  func.func @_agg_kernel(%arg0: i32, %arg1: i32, %arg2: memref<10112x128xf32, #tpu.memory_space<hbm>>, %arg3: memref<32x10240xi32, #tpu.memory_space<hbm>>, %arg4: memref<32x128x80xi32, #tpu.memory_space<hbm>>, %arg5: memref<2x10112x128xf32, #tpu.memory_space<hbm>>, %arg6: memref<10240xi32, #tpu.memory_space<vmem>>, %arg7: memref<128x80xi32, #tpu.memory_space<vmem>>, %arg8: memref<80x128xf32, #tpu.memory_space<vmem>>, %arg9: memref<80x128xf32, #tpu.memory_space<vmem>>, %arg10: memref<10112x128xf32, #tpu.memory_space<vmem_shared>>, %arg11: memref<!tpu.dma_semaphore, #tpu.memory_space<semaphore_mem>>, %arg12: memref<!tpu.dma_semaphore, #tpu.memory_space<semaphore_mem>>, %arg13: memref<!tpu.dma_semaphore, #tpu.memory_space<semaphore_mem>>, %arg14: memref<!tpu.dma_semaphore, #tpu.memory_space<semaphore_mem>>) attributes {dimension_semantics = [#tpu.dimension_semantics<core_parallel>, #tpu.dimension_semantics<subcore_parallel>], iteration_bounds = array<i64: 2, 16>, scalar_prefetch = 0 : i64, scratch_operands = 9 : i64, tpu.core_type = #tpu.core_type<sc_vector_subcore>, window_params = [{transform_indices = #map}, {transform_indices = #map}, {transform_indices = #map1}, {transform_indices = #map1}]} {
    %mul3A = arith.constant 16 : i32
    %mul3A_0 = arith.muli %arg0, %mul3A : i32
    %add3A = arith.addi %mul3A_0, %arg1 : i32
    "tpu.region"() ({
      %run_scoped3A = tpu.sem_alloc : memref<!tpu.dma_semaphore, #tpu.memory_space<semaphore_mem>>
      %dma_start3A_106 = arith.constant 0 : i32
      %dma_start3A_107 = tpu.memref_slice %arg3[%add3A, %dma_start3A_106] : memref<32x10240xi32, #tpu.memory_space<hbm>> -> memref<1x10240xi32, #tpu.memory_space<hbm>>
      %dma_start3A_108 = tpu.memref_squeeze %dma_start3A_107 : memref<1x10240xi32, #tpu.memory_space<hbm>> -> memref<10240xi32, #tpu.memory_space<hbm>>
      %dma_start3A_109 = arith.constant 0 : i32
      %dma_start3A_110 = tpu.memref_slice %arg3[%add3A, %dma_start3A_109] : memref<32x10240xi32, #tpu.memory_space<hbm>> -> memref<1x10240xi32, #tpu.memory_space<hbm>>
      %dma_start3A_111 = tpu.memref_squeeze %dma_start3A_110 : memref<1x10240xi32, #tpu.memory_space<hbm>> -> memref<10240xi32, #tpu.memory_space<hbm>>
      tpu.enqueue_dma source(%dma_start3A_111 : memref<10240xi32, #tpu.memory_space<hbm>>) target(%arg6 : memref<10240xi32, #tpu.memory_space<vmem>>) target_semaphore(%run_scoped3A : memref<!tpu.dma_semaphore, #tpu.memory_space<semaphore_mem>>)
      %dma_wait3A_112 = arith.constant 0 : i32
      %dma_wait3A_113 = tpu.memref_slice %arg3[%add3A, %dma_wait3A_112] : memref<32x10240xi32, #tpu.memory_space<hbm>> -> memref<1x10240xi32, #tpu.memory_space<hbm>>
      %dma_wait3A_114 = tpu.memref_squeeze %dma_wait3A_113 : memref<1x10240xi32, #tpu.memory_space<hbm>> -> memref<10240xi32, #tpu.memory_space<hbm>>
      %dma_wait3A_115 = arith.constant 0 : i32
      %dma_wait3A_116 = tpu.memref_slice %arg3[%add3A, %dma_wait3A_115] : memref<32x10240xi32, #tpu.memory_space<hbm>> -> memref<1x10240xi32, #tpu.memory_space<hbm>>
      %dma_wait3A_117 = tpu.memref_squeeze %dma_wait3A_116 : memref<1x10240xi32, #tpu.memory_space<hbm>> -> memref<10240xi32, #tpu.memory_space<hbm>>
      tpu.wait_dma2 semaphore(%run_scoped3A : memref<!tpu.dma_semaphore, #tpu.memory_space<semaphore_mem>>) src(%dma_wait3A_117 : memref<10240xi32, #tpu.memory_space<hbm>>) dst(%arg6 : memref<10240xi32, #tpu.memory_space<vmem>>)
      tpu.yield
    }) : () -> ()
    "tpu.region"() ({
      %run_scoped3A = tpu.sem_alloc : memref<!tpu.dma_semaphore, #tpu.memory_space<semaphore_mem>>
      %dma_start3A_106 = arith.constant 0 : i32
      %dma_start3A_107 = arith.constant 0 : i32
      %dma_start3A_108 = tpu.memref_slice %arg4[%add3A, %dma_start3A_106, %dma_start3A_107] : memref<32x128x80xi32, #tpu.memory_space<hbm>> -> memref<1x128x80xi32, #tpu.memory_space<hbm>>
      %dma_start3A_109 = tpu.memref_squeeze %dma_start3A_108 : memref<1x128x80xi32, #tpu.memory_space<hbm>> -> memref<128x80xi32, #tpu.memory_space<hbm>>
      %dma_start3A_110 = arith.constant 0 : i32
      %dma_start3A_111 = arith.constant 0 : i32
      %dma_start3A_112 = tpu.memref_slice %arg4[%add3A, %dma_start3A_110, %dma_start3A_111] : memref<32x128x80xi32, #tpu.memory_space<hbm>> -> memref<1x128x80xi32, #tpu.memory_space<hbm>>
      %dma_start3A_113 = tpu.memref_squeeze %dma_start3A_112 : memref<1x128x80xi32, #tpu.memory_space<hbm>> -> memref<128x80xi32, #tpu.memory_space<hbm>>
      tpu.enqueue_dma source(%dma_start3A_113 : memref<128x80xi32, #tpu.memory_space<hbm>>) target(%arg7 : memref<128x80xi32, #tpu.memory_space<vmem>>) target_semaphore(%run_scoped3A : memref<!tpu.dma_semaphore, #tpu.memory_space<semaphore_mem>>)
      %dma_wait3A_114 = arith.constant 0 : i32
      %dma_wait3A_115 = arith.constant 0 : i32
      %dma_wait3A_116 = tpu.memref_slice %arg4[%add3A, %dma_wait3A_114, %dma_wait3A_115] : memref<32x128x80xi32, #tpu.memory_space<hbm>> -> memref<1x128x80xi32, #tpu.memory_space<hbm>>
      %dma_wait3A_117 = tpu.memref_squeeze %dma_wait3A_116 : memref<1x128x80xi32, #tpu.memory_space<hbm>> -> memref<128x80xi32, #tpu.memory_space<hbm>>
      %dma_wait3A_118 = arith.constant 0 : i32
      %dma_wait3A_119 = arith.constant 0 : i32
      %dma_wait3A_120 = tpu.memref_slice %arg4[%add3A, %dma_wait3A_118, %dma_wait3A_119] : memref<32x128x80xi32, #tpu.memory_space<hbm>> -> memref<1x128x80xi32, #tpu.memory_space<hbm>>
      %dma_wait3A_121 = tpu.memref_squeeze %dma_wait3A_120 : memref<1x128x80xi32, #tpu.memory_space<hbm>> -> memref<128x80xi32, #tpu.memory_space<hbm>>
      tpu.wait_dma2 semaphore(%run_scoped3A : memref<!tpu.dma_semaphore, #tpu.memory_space<semaphore_mem>>) src(%dma_wait3A_121 : memref<128x80xi32, #tpu.memory_space<hbm>>) dst(%arg7 : memref<128x80xi32, #tpu.memory_space<vmem>>)
      tpu.yield
    }) : () -> ()
    %scan3A = arith.constant 0 : i32
    %scan3A_1 = arith.constant 0 : i32
    %scan3A_2 = arith.constant 640 : i32
    %scan3A_3 = arith.addi %scan3A_1, %scan3A_2 : i32
    %scan3A_4 = arith.constant 1 : i32
    %scan3A_5 = scf.for %scan3A_106 = %scan3A_1 to %scan3A_3 step %scan3A_4 iter_args(%scan3A_107 = %scan3A) -> (i32)  : i32 {
      %broadcast_in_dim3A = arith.constant 0.000000e+00 : f32
      %broadcast_in_dim3A_108 = vector.broadcast %broadcast_in_dim3A : f32 to vector<16xf32>
      %jit3A = arith.constant 8 : i32
      %div3A = arith.divsi %scan3A_106, %jit3A : i32
      %sign3A = arith.constant 0 : i32
      %sign3A_109 = arith.cmpi sgt, %scan3A_106, %sign3A : i32
      %sign3A_110 = arith.extui %sign3A_109 : i1 to i32
      %sign3A_111 = arith.constant 0 : i32
      %sign3A_112 = arith.cmpi slt, %scan3A_106, %sign3A_111 : i32
      %sign3A_113 = arith.extui %sign3A_112 : i1 to i32
      %sign3A_114 = arith.subi %sign3A_110, %sign3A_113 : i32
      %sign3A_115 = arith.constant 0 : i32
      %sign3A_116 = arith.cmpi sgt, %jit3A, %sign3A_115 : i32
      %sign3A_117 = arith.extui %sign3A_116 : i1 to i32
      %sign3A_118 = arith.constant 0 : i32
      %sign3A_119 = arith.cmpi slt, %jit3A, %sign3A_118 : i32
      %sign3A_120 = arith.extui %sign3A_119 : i1 to i32
      %sign3A_121 = arith.subi %sign3A_117, %sign3A_120 : i32
      %ne3A = arith.cmpi ne, %sign3A_114, %sign3A_121 : i32
      %rem3A = arith.remsi %scan3A_106, %jit3A : i32
      %ne3A_122 = arith.constant 0 : i32
      %ne3A_123 = arith.cmpi ne, %rem3A, %ne3A_122 : i32
      %and3A = arith.andi %ne3A, %ne3A_123 : i1
      %sub3A_124 = arith.constant 1 : i32
      %sub3A_125 = arith.subi %div3A, %sub3A_124 : i32
      %select_n3A = arith.select %and3A, %sub3A_125, %div3A : i32
      %jit3A_126 = arith.constant 8 : i32
      %eq3A = arith.constant 0 : i32
      %eq3A_127 = arith.cmpi eq, %jit3A_126, %eq3A : i32
      %jit3A_128 = arith.constant 1 : i32
      %select_n3A_129 = arith.select %eq3A_127, %jit3A_128, %jit3A_126 : i32
      %rem3A_130 = arith.remsi %scan3A_106, %select_n3A_129 : i32
      %ne3A_131 = arith.constant 0 : i32
      %ne3A_132 = arith.cmpi ne, %rem3A_130, %ne3A_131 : i32
      %lt3A = arith.constant 0 : i32
      %lt3A_133 = arith.cmpi slt, %rem3A_130, %lt3A : i32
      %lt3A_134 = arith.constant 0 : i32
      %lt3A_135 = arith.cmpi slt, %select_n3A_129, %lt3A_134 : i32
      %ne3A_136 = arith.xori %lt3A_133, %lt3A_135 : i1
      %and3A_137 = arith.andi %ne3A_136, %ne3A_132 : i1
      %add3A_138 = arith.addi %rem3A_130, %select_n3A_129 : i32
      %select_n3A_139 = arith.select %and3A_137, %add3A_138, %rem3A_130 : i32
      %mul3A_140 = arith.constant 16 : i32
      %mul3A_141 = arith.muli %select_n3A_139, %mul3A_140 : i32
      %swap3A = arith.index_cast %select_n3A : i32 to index
      %swap3A_142 = arith.index_cast %mul3A_141 : i32 to index
      %swap3A_143 = tpu.vector_load %arg8[%swap3A, %swap3A_142] {strides = array<i32>} : memref<80x128xf32, #tpu.memory_space<vmem>>, vector<1x16xf32>,
      %swap3A_144 = vector.shape_cast %swap3A_143 : vector<1x16xf32> to vector<16xf32>
      %swap3A_145 = vector.shape_cast %broadcast_in_dim3A_108 : vector<16xf32> to vector<1x16xf32>
      tpu.vector_store %arg8[%swap3A, %swap3A_142], %swap3A_145 {strides = array<i32>} : memref<80x128xf32, #tpu.memory_space<vmem>>, vector<1x16xf32>,
      %scan3A_146 = arith.constant 0 : i32
      scf.yield %scan3A_146 : i32
    }
    %scan3A_6 = arith.constant 640 : i32
    %mul3A_7 = arith.constant 632 : i32
    %mul3A_8 = arith.muli %arg1, %mul3A_7 : i32
    %add3A_9 = arith.constant 0 : i32
    %add3A_10 = arith.addi %mul3A_8, %add3A_9 : i32
    "tpu.region"() ({
      %run_scoped3A = tpu.sem_alloc : memref<!tpu.dma_semaphore, #tpu.memory_space<semaphore_mem>>
      %dma_start3A_106 = arith.constant 0 : i32
      %dma_start3A_107 = tpu.memref_slice %arg10[%add3A_10, %dma_start3A_106] : memref<10112x128xf32, #tpu.memory_space<vmem_shared>> -> memref<80x128xf32, #tpu.memory_space<vmem_shared>>
      %dma_start3A_108 = arith.constant 0 : i32
      %dma_start3A_109 = tpu.memref_slice %arg10[%add3A_10, %dma_start3A_108] : memref<10112x128xf32, #tpu.memory_space<vmem_shared>> -> memref<80x128xf32, #tpu.memory_space<vmem_shared>>
      tpu.enqueue_dma source(%arg8 : memref<80x128xf32, #tpu.memory_space<vmem>>) target(%dma_start3A_109 : memref<80x128xf32, #tpu.memory_space<vmem_shared>>) target_semaphore(%run_scoped3A : memref<!tpu.dma_semaphore, #tpu.memory_space<semaphore_mem>>)
      %dma_wait3A_110 = arith.constant 0 : i32
      %dma_wait3A_111 = tpu.memref_slice %arg10[%add3A_10, %dma_wait3A_110] : memref<10112x128xf32, #tpu.memory_space<vmem_shared>> -> memref<80x128xf32, #tpu.memory_space<vmem_shared>>
      %dma_wait3A_112 = arith.constant 0 : i32
      %dma_wait3A_113 = tpu.memref_slice %arg10[%add3A_10, %dma_wait3A_112] : memref<10112x128xf32, #tpu.memory_space<vmem_shared>> -> memref<80x128xf32, #tpu.memory_space<vmem_shared>>
      tpu.wait_dma2 semaphore(%run_scoped3A : memref<!tpu.dma_semaphore, #tpu.memory_space<semaphore_mem>>) src(%arg8 : memref<80x128xf32, #tpu.memory_space<vmem>>) dst(%dma_wait3A_113 : memref<80x128xf32, #tpu.memory_space<vmem_shared>>)
      tpu.yield
    }) : () -> ()
    %add3A_11 = arith.constant 80 : i32
    %add3A_12 = arith.addi %mul3A_8, %add3A_11 : i32
    "tpu.region"() ({
      %run_scoped3A = tpu.sem_alloc : memref<!tpu.dma_semaphore, #tpu.memory_space<semaphore_mem>>
      %dma_start3A_106 = arith.constant 0 : i32
      %dma_start3A_107 = tpu.memref_slice %arg10[%add3A_12, %dma_start3A_106] : memref<10112x128xf32, #tpu.memory_space<vmem_shared>> -> memref<80x128xf32, #tpu.memory_space<vmem_shared>>
      %dma_start3A_108 = arith.constant 0 : i32
      %dma_start3A_109 = tpu.memref_slice %arg10[%add3A_12, %dma_start3A_108] : memref<10112x128xf32, #tpu.memory_space<vmem_shared>> -> memref<80x128xf32, #tpu.memory_space<vmem_shared>>
      tpu.enqueue_dma source(%arg8 : memref<80x128xf32, #tpu.memory_space<vmem>>) target(%dma_start3A_109 : memref<80x128xf32, #tpu.memory_space<vmem_shared>>) target_semaphore(%run_scoped3A : memref<!tpu.dma_semaphore, #tpu.memory_space<semaphore_mem>>)
      %dma_wait3A_110 = arith.constant 0 : i32
      %dma_wait3A_111 = tpu.memref_slice %arg10[%add3A_12, %dma_wait3A_110] : memref<10112x128xf32, #tpu.memory_space<vmem_shared>> -> memref<80x128xf32, #tpu.memory_space<vmem_shared>>
      %dma_wait3A_112 = arith.constant 0 : i32
      %dma_wait3A_113 = tpu.memref_slice %arg10[%add3A_12, %dma_wait3A_112] : memref<10112x128xf32, #tpu.memory_space<vmem_shared>> -> memref<80x128xf32, #tpu.memory_space<vmem_shared>>
      tpu.wait_dma2 semaphore(%run_scoped3A : memref<!tpu.dma_semaphore, #tpu.memory_space<semaphore_mem>>) src(%arg8 : memref<80x128xf32, #tpu.memory_space<vmem>>) dst(%dma_wait3A_113 : memref<80x128xf32, #tpu.memory_space<vmem_shared>>)
      tpu.yield
    }) : () -> ()
    %add3A_13 = arith.constant 160 : i32
    %add3A_14 = arith.addi %mul3A_8, %add3A_13 : i32
    "tpu.region"() ({
      %run_scoped3A = tpu.sem_alloc : memref<!tpu.dma_semaphore, #tpu.memory_space<semaphore_mem>>
      %dma_start3A_106 = arith.constant 0 : i32
      %dma_start3A_107 = tpu.memref_slice %arg10[%add3A_14, %dma_start3A_106] : memref<10112x128xf32, #tpu.memory_space<vmem_shared>> -> memref<80x128xf32, #tpu.memory_space<vmem_shared>>
      %dma_start3A_108 = arith.constant 0 : i32
      %dma_start3A_109 = tpu.memref_slice %arg10[%add3A_14, %dma_start3A_108] : memref<10112x128xf32, #tpu.memory_space<vmem_shared>> -> memref<80x128xf32, #tpu.memory_space<vmem_shared>>
      tpu.enqueue_dma source(%arg8 : memref<80x128xf32, #tpu.memory_space<vmem>>) target(%dma_start3A_109 : memref<80x128xf32, #tpu.memory_space<vmem_shared>>) target_semaphore(%run_scoped3A : memref<!tpu.dma_semaphore, #tpu.memory_space<semaphore_mem>>)
      %dma_wait3A_110 = arith.constant 0 : i32
      %dma_wait3A_111 = tpu.memref_slice %arg10[%add3A_14, %dma_wait3A_110] : memref<10112x128xf32, #tpu.memory_space<vmem_shared>> -> memref<80x128xf32, #tpu.memory_space<vmem_shared>>
      %dma_wait3A_112 = arith.constant 0 : i32
      %dma_wait3A_113 = tpu.memref_slice %arg10[%add3A_14, %dma_wait3A_112] : memref<10112x128xf32, #tpu.memory_space<vmem_shared>> -> memref<80x128xf32, #tpu.memory_space<vmem_shared>>
      tpu.wait_dma2 semaphore(%run_scoped3A : memref<!tpu.dma_semaphore, #tpu.memory_space<semaphore_mem>>) src(%arg8 : memref<80x128xf32, #tpu.memory_space<vmem>>) dst(%dma_wait3A_113 : memref<80x128xf32, #tpu.memory_space<vmem_shared>>)
      tpu.yield
    }) : () -> ()
    %add3A_15 = arith.constant 240 : i32
    %add3A_16 = arith.addi %mul3A_8, %add3A_15 : i32
    "tpu.region"() ({
      %run_scoped3A = tpu.sem_alloc : memref<!tpu.dma_semaphore, #tpu.memory_space<semaphore_mem>>
      %dma_start3A_106 = arith.constant 0 : i32
      %dma_start3A_107 = tpu.memref_slice %arg10[%add3A_16, %dma_start3A_106] : memref<10112x128xf32, #tpu.memory_space<vmem_shared>> -> memref<80x128xf32, #tpu.memory_space<vmem_shared>>
      %dma_start3A_108 = arith.constant 0 : i32
      %dma_start3A_109 = tpu.memref_slice %arg10[%add3A_16, %dma_start3A_108] : memref<10112x128xf32, #tpu.memory_space<vmem_shared>> -> memref<80x128xf32, #tpu.memory_space<vmem_shared>>
      tpu.enqueue_dma source(%arg8 : memref<80x128xf32, #tpu.memory_space<vmem>>) target(%dma_start3A_109 : memref<80x128xf32, #tpu.memory_space<vmem_shared>>) target_semaphore(%run_scoped3A : memref<!tpu.dma_semaphore, #tpu.memory_space<semaphore_mem>>)
      %dma_wait3A_110 = arith.constant 0 : i32
      %dma_wait3A_111 = tpu.memref_slice %arg10[%add3A_16, %dma_wait3A_110] : memref<10112x128xf32, #tpu.memory_space<vmem_shared>> -> memref<80x128xf32, #tpu.memory_space<vmem_shared>>
      %dma_wait3A_112 = arith.constant 0 : i32
      %dma_wait3A_113 = tpu.memref_slice %arg10[%add3A_16, %dma_wait3A_112] : memref<10112x128xf32, #tpu.memory_space<vmem_shared>> -> memref<80x128xf32, #tpu.memory_space<vmem_shared>>
      tpu.wait_dma2 semaphore(%run_scoped3A : memref<!tpu.dma_semaphore, #tpu.memory_space<semaphore_mem>>) src(%arg8 : memref<80x128xf32, #tpu.memory_space<vmem>>) dst(%dma_wait3A_113 : memref<80x128xf32, #tpu.memory_space<vmem_shared>>)
      tpu.yield
    }) : () -> ()
    %add3A_17 = arith.constant 320 : i32
    %add3A_18 = arith.addi %mul3A_8, %add3A_17 : i32
    "tpu.region"() ({
      %run_scoped3A = tpu.sem_alloc : memref<!tpu.dma_semaphore, #tpu.memory_space<semaphore_mem>>
      %dma_start3A_106 = arith.constant 0 : i32
      %dma_start3A_107 = tpu.memref_slice %arg10[%add3A_18, %dma_start3A_106] : memref<10112x128xf32, #tpu.memory_space<vmem_shared>> -> memref<80x128xf32, #tpu.memory_space<vmem_shared>>
      %dma_start3A_108 = arith.constant 0 : i32
      %dma_start3A_109 = tpu.memref_slice %arg10[%add3A_18, %dma_start3A_108] : memref<10112x128xf32, #tpu.memory_space<vmem_shared>> -> memref<80x128xf32, #tpu.memory_space<vmem_shared>>
      tpu.enqueue_dma source(%arg8 : memref<80x128xf32, #tpu.memory_space<vmem>>) target(%dma_start3A_109 : memref<80x128xf32, #tpu.memory_space<vmem_shared>>) target_semaphore(%run_scoped3A : memref<!tpu.dma_semaphore, #tpu.memory_space<semaphore_mem>>)
      %dma_wait3A_110 = arith.constant 0 : i32
      %dma_wait3A_111 = tpu.memref_slice %arg10[%add3A_18, %dma_wait3A_110] : memref<10112x128xf32, #tpu.memory_space<vmem_shared>> -> memref<80x128xf32, #tpu.memory_space<vmem_shared>>
      %dma_wait3A_112 = arith.constant 0 : i32
      %dma_wait3A_113 = tpu.memref_slice %arg10[%add3A_18, %dma_wait3A_112] : memref<10112x128xf32, #tpu.memory_space<vmem_shared>> -> memref<80x128xf32, #tpu.memory_space<vmem_shared>>
      tpu.wait_dma2 semaphore(%run_scoped3A : memref<!tpu.dma_semaphore, #tpu.memory_space<semaphore_mem>>) src(%arg8 : memref<80x128xf32, #tpu.memory_space<vmem>>) dst(%dma_wait3A_113 : memref<80x128xf32, #tpu.memory_space<vmem_shared>>)
      tpu.yield
    }) : () -> ()
    %add3A_19 = arith.constant 400 : i32
    %add3A_20 = arith.addi %mul3A_8, %add3A_19 : i32
    "tpu.region"() ({
      %run_scoped3A = tpu.sem_alloc : memref<!tpu.dma_semaphore, #tpu.memory_space<semaphore_mem>>
      %dma_start3A_106 = arith.constant 0 : i32
      %dma_start3A_107 = tpu.memref_slice %arg10[%add3A_20, %dma_start3A_106] : memref<10112x128xf32, #tpu.memory_space<vmem_shared>> -> memref<80x128xf32, #tpu.memory_space<vmem_shared>>
      %dma_start3A_108 = arith.constant 0 : i32
      %dma_start3A_109 = tpu.memref_slice %arg10[%add3A_20, %dma_start3A_108] : memref<10112x128xf32, #tpu.memory_space<vmem_shared>> -> memref<80x128xf32, #tpu.memory_space<vmem_shared>>
      tpu.enqueue_dma source(%arg8 : memref<80x128xf32, #tpu.memory_space<vmem>>) target(%dma_start3A_109 : memref<80x128xf32, #tpu.memory_space<vmem_shared>>) target_semaphore(%run_scoped3A : memref<!tpu.dma_semaphore, #tpu.memory_space<semaphore_mem>>)
      %dma_wait3A_110 = arith.constant 0 : i32
      %dma_wait3A_111 = tpu.memref_slice %arg10[%add3A_20, %dma_wait3A_110] : memref<10112x128xf32, #tpu.memory_space<vmem_shared>> -> memref<80x128xf32, #tpu.memory_space<vmem_shared>>
      %dma_wait3A_112 = arith.constant 0 : i32
      %dma_wait3A_113 = tpu.memref_slice %arg10[%add3A_20, %dma_wait3A_112] : memref<10112x128xf32, #tpu.memory_space<vmem_shared>> -> memref<80x128xf32, #tpu.memory_space<vmem_shared>>
      tpu.wait_dma2 semaphore(%run_scoped3A : memref<!tpu.dma_semaphore, #tpu.memory_space<semaphore_mem>>) src(%arg8 : memref<80x128xf32, #tpu.memory_space<vmem>>) dst(%dma_wait3A_113 : memref<80x128xf32, #tpu.memory_space<vmem_shared>>)
      tpu.yield
    }) : () -> ()
    %add3A_21 = arith.constant 480 : i32
    %add3A_22 = arith.addi %mul3A_8, %add3A_21 : i32
    "tpu.region"() ({
      %run_scoped3A = tpu.sem_alloc : memref<!tpu.dma_semaphore, #tpu.memory_space<semaphore_mem>>
      %dma_start3A_106 = arith.constant 0 : i32
      %dma_start3A_107 = tpu.memref_slice %arg10[%add3A_22, %dma_start3A_106] : memref<10112x128xf32, #tpu.memory_space<vmem_shared>> -> memref<80x128xf32, #tpu.memory_space<vmem_shared>>
      %dma_start3A_108 = arith.constant 0 : i32
      %dma_start3A_109 = tpu.memref_slice %arg10[%add3A_22, %dma_start3A_108] : memref<10112x128xf32, #tpu.memory_space<vmem_shared>> -> memref<80x128xf32, #tpu.memory_space<vmem_shared>>
      tpu.enqueue_dma source(%arg8 : memref<80x128xf32, #tpu.memory_space<vmem>>) target(%dma_start3A_109 : memref<80x128xf32, #tpu.memory_space<vmem_shared>>) target_semaphore(%run_scoped3A : memref<!tpu.dma_semaphore, #tpu.memory_space<semaphore_mem>>)
      %dma_wait3A_110 = arith.constant 0 : i32
      %dma_wait3A_111 = tpu.memref_slice %arg10[%add3A_22, %dma_wait3A_110] : memref<10112x128xf32, #tpu.memory_space<vmem_shared>> -> memref<80x128xf32, #tpu.memory_space<vmem_shared>>
      %dma_wait3A_112 = arith.constant 0 : i32
      %dma_wait3A_113 = tpu.memref_slice %arg10[%add3A_22, %dma_wait3A_112] : memref<10112x128xf32, #tpu.memory_space<vmem_shared>> -> memref<80x128xf32, #tpu.memory_space<vmem_shared>>
      tpu.wait_dma2 semaphore(%run_scoped3A : memref<!tpu.dma_semaphore, #tpu.memory_space<semaphore_mem>>) src(%arg8 : memref<80x128xf32, #tpu.memory_space<vmem>>) dst(%dma_wait3A_113 : memref<80x128xf32, #tpu.memory_space<vmem_shared>>)
      tpu.yield
    }) : () -> ()
    %add3A_23 = arith.constant 632 : i32
    %add3A_24 = arith.addi %mul3A_8, %add3A_23 : i32
    %sub3A = arith.constant 72 : i32
    %sub3A_25 = arith.subi %add3A_24, %sub3A : i32
    "tpu.region"() ({
      %run_scoped3A = tpu.sem_alloc : memref<!tpu.dma_semaphore, #tpu.memory_space<semaphore_mem>>
      %dma_start3A_106 = arith.constant 0 : i32
      %dma_start3A_107 = arith.constant 0 : i32
      %dma_start3A_108 = tpu.memref_slice %arg8[%dma_start3A_106, %dma_start3A_107] : memref<80x128xf32, #tpu.memory_space<vmem>> -> memref<72x128xf32, #tpu.memory_space<vmem>>
      %dma_start3A_109 = arith.constant 0 : i32
      %dma_start3A_110 = tpu.memref_slice %arg10[%sub3A_25, %dma_start3A_109] : memref<10112x128xf32, #tpu.memory_space<vmem_shared>> -> memref<72x128xf32, #tpu.memory_space<vmem_shared>>
      %dma_start3A_111 = arith.constant 0 : i32
      %dma_start3A_112 = tpu.memref_slice %arg10[%sub3A_25, %dma_start3A_111] : memref<10112x128xf32, #tpu.memory_space<vmem_shared>> -> memref<72x128xf32, #tpu.memory_space<vmem_shared>>
      %dma_start3A_113 = arith.constant 0 : i32
      %dma_start3A_114 = arith.constant 0 : i32
      %dma_start3A_115 = tpu.memref_slice %arg8[%dma_start3A_113, %dma_start3A_114] : memref<80x128xf32, #tpu.memory_space<vmem>> -> memref<72x128xf32, #tpu.memory_space<vmem>>
      tpu.enqueue_dma source(%dma_start3A_115 : memref<72x128xf32, #tpu.memory_space<vmem>>) target(%dma_start3A_112 : memref<72x128xf32, #tpu.memory_space<vmem_shared>>) target_semaphore(%run_scoped3A : memref<!tpu.dma_semaphore, #tpu.memory_space<semaphore_mem>>)
      %dma_wait3A_116 = arith.constant 0 : i32
      %dma_wait3A_117 = arith.constant 0 : i32
      %dma_wait3A_118 = tpu.memref_slice %arg8[%dma_wait3A_116, %dma_wait3A_117] : memref<80x128xf32, #tpu.memory_space<vmem>> -> memref<72x128xf32, #tpu.memory_space<vmem>>
      %dma_wait3A_119 = arith.constant 0 : i32
      %dma_wait3A_120 = tpu.memref_slice %arg10[%sub3A_25, %dma_wait3A_119] : memref<10112x128xf32, #tpu.memory_space<vmem_shared>> -> memref<72x128xf32, #tpu.memory_space<vmem_shared>>
      %dma_wait3A_121 = arith.constant 0 : i32
      %dma_wait3A_122 = tpu.memref_slice %arg10[%sub3A_25, %dma_wait3A_121] : memref<10112x128xf32, #tpu.memory_space<vmem_shared>> -> memref<72x128xf32, #tpu.memory_space<vmem_shared>>
      %dma_wait3A_123 = arith.constant 0 : i32
      %dma_wait3A_124 = arith.constant 0 : i32
      %dma_wait3A_125 = tpu.memref_slice %arg8[%dma_wait3A_123, %dma_wait3A_124] : memref<80x128xf32, #tpu.memory_space<vmem>> -> memref<72x128xf32, #tpu.memory_space<vmem>>
      tpu.wait_dma2 semaphore(%run_scoped3A : memref<!tpu.dma_semaphore, #tpu.memory_space<semaphore_mem>>) src(%dma_wait3A_125 : memref<72x128xf32, #tpu.memory_space<vmem>>) dst(%dma_wait3A_122 : memref<72x128xf32, #tpu.memory_space<vmem_shared>>)
      tpu.yield
    }) : () -> ()
    %dma_start3A = arith.constant 0 : i32
    %dma_start3A_26 = arith.constant 0 : i32
    %dma_start3A_27 = tpu.memref_slice %arg8[%dma_start3A, %dma_start3A_26] : memref<80x128xf32, #tpu.memory_space<vmem>> -> memref<40x128xf32, #tpu.memory_space<vmem>>
    %dma_start3A_28 = arith.constant 0 : i32
    %dma_start3A_29 = tpu.memref_slice %arg6[%dma_start3A_28] : memref<10240xi32, #tpu.memory_space<vmem>> -> memref<40xi32, #tpu.memory_space<vmem>>
    %dma_start3A_30 = arith.constant 0 : i32
    %dma_start3A_31 = arith.constant 0 : i32
    %dma_start3A_32 = tpu.memref_slice %arg2[%dma_start3A_30, %dma_start3A_31] : memref<10112x128xf32, #tpu.memory_space<hbm>> -> memref<10112x128xf32, #tpu.memory_space<hbm>>
    tpu.enqueue_indirect_dma source(%dma_start3A_32 : memref<10112x128xf32, #tpu.memory_space<hbm>>) target(%dma_start3A_27 : memref<40x128xf32, #tpu.memory_space<vmem>>) offsets(%dma_start3A_29 : memref<40xi32, #tpu.memory_space<vmem>>) semaphore(%arg11 : memref<!tpu.dma_semaphore, #tpu.memory_space<semaphore_mem>>)
    %dma_start3A_33 = arith.constant 40 : i32
    %dma_start3A_34 = arith.constant 0 : i32
    %dma_start3A_35 = tpu.memref_slice %arg8[%dma_start3A_33, %dma_start3A_34] : memref<80x128xf32, #tpu.memory_space<vmem>> -> memref<40x128xf32, #tpu.memory_space<vmem>>
    %dma_start3A_36 = arith.constant 40 : i32
    %dma_start3A_37 = tpu.memref_slice %arg6[%dma_start3A_36] : memref<10240xi32, #tpu.memory_space<vmem>> -> memref<40xi32, #tpu.memory_space<vmem>>
    %dma_start3A_38 = arith.constant 0 : i32
    %dma_start3A_39 = arith.constant 0 : i32
    %dma_start3A_40 = tpu.memref_slice %arg2[%dma_start3A_38, %dma_start3A_39] : memref<10112x128xf32, #tpu.memory_space<hbm>> -> memref<10112x128xf32, #tpu.memory_space<hbm>>
    tpu.enqueue_indirect_dma source(%dma_start3A_40 : memref<10112x128xf32, #tpu.memory_space<hbm>>) target(%dma_start3A_35 : memref<40x128xf32, #tpu.memory_space<vmem>>) offsets(%dma_start3A_37 : memref<40xi32, #tpu.memory_space<vmem>>) semaphore(%arg11 : memref<!tpu.dma_semaphore, #tpu.memory_space<semaphore_mem>>)
    %dma_start3A_41 = arith.constant 0 : i32
    %dma_start3A_42 = arith.constant 0 : i32
    %dma_start3A_43 = tpu.memref_slice %arg9[%dma_start3A_41, %dma_start3A_42] : memref<80x128xf32, #tpu.memory_space<vmem>> -> memref<40x128xf32, #tpu.memory_space<vmem>>
    %dma_start3A_44 = arith.constant 80 : i32
    %dma_start3A_45 = tpu.memref_slice %arg6[%dma_start3A_44] : memref<10240xi32, #tpu.memory_space<vmem>> -> memref<40xi32, #tpu.memory_space<vmem>>
    %dma_start3A_46 = arith.constant 0 : i32
    %dma_start3A_47 = arith.constant 0 : i32
    %dma_start3A_48 = tpu.memref_slice %arg2[%dma_start3A_46, %dma_start3A_47] : memref<10112x128xf32, #tpu.memory_space<hbm>> -> memref<10112x128xf32, #tpu.memory_space<hbm>>
    tpu.enqueue_indirect_dma source(%dma_start3A_48 : memref<10112x128xf32, #tpu.memory_space<hbm>>) target(%dma_start3A_43 : memref<40x128xf32, #tpu.memory_space<vmem>>) offsets(%dma_start3A_45 : memref<40xi32, #tpu.memory_space<vmem>>) semaphore(%arg12 : memref<!tpu.dma_semaphore, #tpu.memory_space<semaphore_mem>>)
    %dma_start3A_49 = arith.constant 40 : i32
    %dma_start3A_50 = arith.constant 0 : i32
    %dma_start3A_51 = tpu.memref_slice %arg9[%dma_start3A_49, %dma_start3A_50] : memref<80x128xf32, #tpu.memory_space<vmem>> -> memref<40x128xf32, #tpu.memory_space<vmem>>
    %dma_start3A_52 = arith.constant 120 : i32
    %dma_start3A_53 = tpu.memref_slice %arg6[%dma_start3A_52] : memref<10240xi32, #tpu.memory_space<vmem>> -> memref<40xi32, #tpu.memory_space<vmem>>
    %dma_start3A_54 = arith.constant 0 : i32
    %dma_start3A_55 = arith.constant 0 : i32
    %dma_start3A_56 = tpu.memref_slice %arg2[%dma_start3A_54, %dma_start3A_55] : memref<10112x128xf32, #tpu.memory_space<hbm>> -> memref<10112x128xf32, #tpu.memory_space<hbm>>
    tpu.enqueue_indirect_dma source(%dma_start3A_56 : memref<10112x128xf32, #tpu.memory_space<hbm>>) target(%dma_start3A_51 : memref<40x128xf32, #tpu.memory_space<vmem>>) offsets(%dma_start3A_53 : memref<40xi32, #tpu.memory_space<vmem>>) semaphore(%arg12 : memref<!tpu.dma_semaphore, #tpu.memory_space<semaphore_mem>>)
    %barrier3A = arith.constant 0 : index
    tpu.barrier barrier_id(%barrier3A)
    %scan3A_57 = arith.constant 0 : i32
    %scan3A_58 = arith.constant 0 : i32
    %scan3A_59 = arith.constant 63 : i32
    %scan3A_60 = arith.addi %scan3A_58, %scan3A_59 : i32
    %scan3A_61 = arith.constant 1 : i32
    %scan3A_62 = scf.for %scan3A_106 = %scan3A_58 to %scan3A_60 step %scan3A_61 iter_args(%scan3A_107 = %scan3A_57) -> (i32)  : i32 {
      %mul3A_108 = arith.constant 2 : i32
      %mul3A_109 = arith.muli %mul3A_108, %scan3A_106 : i32
      %add3A_110 = arith.constant 1 : i32
      %add3A_111 = arith.addi %mul3A_109, %add3A_110 : i32
      %mul3A_112 = arith.constant 80 : i32
      %mul3A_113 = arith.muli %mul3A_109, %mul3A_112 : i32
      %dma_wait3A_114 = tpu.memref_slice %arg6[%mul3A_113] : memref<10240xi32, #tpu.memory_space<vmem>> -> memref<80xi32, #tpu.memory_space<vmem>>
      %dma_wait3A_115 = arith.constant 0 : i32
      %dma_wait3A_116 = arith.constant 0 : i32
      %dma_wait3A_117 = tpu.memref_slice %arg2[%dma_wait3A_115, %dma_wait3A_116] : memref<10112x128xf32, #tpu.memory_space<hbm>> -> memref<10112x128xf32, #tpu.memory_space<hbm>>
      tpu.wait_indirect_dma semaphore(%arg11 : memref<!tpu.dma_semaphore, #tpu.memory_space<semaphore_mem>>) src(%dma_wait3A_117 : memref<10112x128xf32, #tpu.memory_space<hbm>>) dst(%arg8 : memref<80x128xf32, #tpu.memory_space<vmem>>)
      %dma_start3A_118 = arith.constant 0 : i32
      %dma_start3A_119 = tpu.memref_slice %arg7[%mul3A_109, %dma_start3A_118] : memref<128x80xi32, #tpu.memory_space<vmem>> -> memref<1x80xi32, #tpu.memory_space<vmem>>
      %dma_start3A_120 = tpu.memref_squeeze %dma_start3A_119 : memref<1x80xi32, #tpu.memory_space<vmem>> -> memref<80xi32, #tpu.memory_space<vmem>>
      %dma_start3A_121 = arith.constant 0 : i32
      %dma_start3A_122 = arith.constant 0 : i32
      %dma_start3A_123 = tpu.memref_slice %arg10[%dma_start3A_121, %dma_start3A_122] : memref<10112x128xf32, #tpu.memory_space<vmem_shared>> -> memref<10112x128xf32, #tpu.memory_space<vmem_shared>>
      tpu.enqueue_indirect_dma source(%arg8 : memref<80x128xf32, #tpu.memory_space<vmem>>) target(%dma_start3A_123 : memref<10112x128xf32, #tpu.memory_space<vmem_shared>>) offsets(%dma_start3A_120 : memref<80xi32, #tpu.memory_space<vmem>>) semaphore(%arg13 : memref<!tpu.dma_semaphore, #tpu.memory_space<semaphore_mem>>) {add = true}
      %mul3A_124 = arith.constant 80 : i32
      %mul3A_125 = arith.muli %add3A_111, %mul3A_124 : i32
      %dma_wait3A_126 = tpu.memref_slice %arg6[%mul3A_125] : memref<10240xi32, #tpu.memory_space<vmem>> -> memref<80xi32, #tpu.memory_space<vmem>>
      %dma_wait3A_127 = arith.constant 0 : i32
      %dma_wait3A_128 = arith.constant 0 : i32
      %dma_wait3A_129 = tpu.memref_slice %arg2[%dma_wait3A_127, %dma_wait3A_128] : memref<10112x128xf32, #tpu.memory_space<hbm>> -> memref<10112x128xf32, #tpu.memory_space<hbm>>
      tpu.wait_indirect_dma semaphore(%arg12 : memref<!tpu.dma_semaphore, #tpu.memory_space<semaphore_mem>>) src(%dma_wait3A_129 : memref<10112x128xf32, #tpu.memory_space<hbm>>) dst(%arg9 : memref<80x128xf32, #tpu.memory_space<vmem>>)
      %dma_start3A_130 = arith.constant 0 : i32
      %dma_start3A_131 = tpu.memref_slice %arg7[%add3A_111, %dma_start3A_130] : memref<128x80xi32, #tpu.memory_space<vmem>> -> memref<1x80xi32, #tpu.memory_space<vmem>>
      %dma_start3A_132 = tpu.memref_squeeze %dma_start3A_131 : memref<1x80xi32, #tpu.memory_space<vmem>> -> memref<80xi32, #tpu.memory_space<vmem>>
      %dma_start3A_133 = arith.constant 0 : i32
      %dma_start3A_134 = arith.constant 0 : i32
      %dma_start3A_135 = tpu.memref_slice %arg10[%dma_start3A_133, %dma_start3A_134] : memref<10112x128xf32, #tpu.memory_space<vmem_shared>> -> memref<10112x128xf32, #tpu.memory_space<vmem_shared>>
      tpu.enqueue_indirect_dma source(%arg9 : memref<80x128xf32, #tpu.memory_space<vmem>>) target(%dma_start3A_135 : memref<10112x128xf32, #tpu.memory_space<vmem_shared>>) offsets(%dma_start3A_132 : memref<80xi32, #tpu.memory_space<vmem>>) semaphore(%arg14 : memref<!tpu.dma_semaphore, #tpu.memory_space<semaphore_mem>>) {add = true}
      %dma_wait3A_136 = arith.constant 0 : i32
      %dma_wait3A_137 = tpu.memref_slice %arg7[%mul3A_109, %dma_wait3A_136] : memref<128x80xi32, #tpu.memory_space<vmem>> -> memref<1x80xi32, #tpu.memory_space<vmem>>
      %dma_wait3A_138 = tpu.memref_squeeze %dma_wait3A_137 : memref<1x80xi32, #tpu.memory_space<vmem>> -> memref<80xi32, #tpu.memory_space<vmem>>
      %dma_wait3A_139 = arith.constant 0 : i32
      %dma_wait3A_140 = arith.constant 0 : i32
      %dma_wait3A_141 = tpu.memref_slice %arg10[%dma_wait3A_139, %dma_wait3A_140] : memref<10112x128xf32, #tpu.memory_space<vmem_shared>> -> memref<10112x128xf32, #tpu.memory_space<vmem_shared>>
      tpu.wait_indirect_dma semaphore(%arg13 : memref<!tpu.dma_semaphore, #tpu.memory_space<semaphore_mem>>) src(%arg8 : memref<80x128xf32, #tpu.memory_space<vmem>>) dst(%dma_wait3A_141 : memref<10112x128xf32, #tpu.memory_space<vmem_shared>>)
      %add3A_142 = arith.constant 2 : i32
      %add3A_143 = arith.addi %mul3A_109, %add3A_142 : i32
      %mul3A_144 = arith.constant 80 : i32
      %mul3A_145 = arith.muli %add3A_143, %mul3A_144 : i32
      %dma_start3A_146 = arith.constant 0 : i32
      %dma_start3A_147 = arith.constant 0 : i32
      %dma_start3A_148 = tpu.memref_slice %arg8[%dma_start3A_146, %dma_start3A_147] : memref<80x128xf32, #tpu.memory_space<vmem>> -> memref<40x128xf32, #tpu.memory_space<vmem>>
      %dma_start3A_149 = tpu.memref_slice %arg6[%mul3A_145] : memref<10240xi32, #tpu.memory_space<vmem>> -> memref<40xi32, #tpu.memory_space<vmem>>
      %dma_start3A_150 = arith.constant 0 : i32
      %dma_start3A_151 = arith.constant 0 : i32
      %dma_start3A_152 = tpu.memref_slice %arg2[%dma_start3A_150, %dma_start3A_151] : memref<10112x128xf32, #tpu.memory_space<hbm>> -> memref<10112x128xf32, #tpu.memory_space<hbm>>
      tpu.enqueue_indirect_dma source(%dma_start3A_152 : memref<10112x128xf32, #tpu.memory_space<hbm>>) target(%dma_start3A_148 : memref<40x128xf32, #tpu.memory_space<vmem>>) offsets(%dma_start3A_149 : memref<40xi32, #tpu.memory_space<vmem>>) semaphore(%arg11 : memref<!tpu.dma_semaphore, #tpu.memory_space<semaphore_mem>>)
      %mul3A_153 = arith.constant 80 : i32
      %mul3A_154 = arith.muli %add3A_143, %mul3A_153 : i32
      %add3A_155 = arith.constant 40 : i32
      %add3A_156 = arith.addi %mul3A_154, %add3A_155 : i32
      %dma_start3A_157 = arith.constant 40 : i32
      %dma_start3A_158 = arith.constant 0 : i32
      %dma_start3A_159 = tpu.memref_slice %arg8[%dma_start3A_157, %dma_start3A_158] : memref<80x128xf32, #tpu.memory_space<vmem>> -> memref<40x128xf32, #tpu.memory_space<vmem>>
      %dma_start3A_160 = tpu.memref_slice %arg6[%add3A_156] : memref<10240xi32, #tpu.memory_space<vmem>> -> memref<40xi32, #tpu.memory_space<vmem>>
      %dma_start3A_161 = arith.constant 0 : i32
      %dma_start3A_162 = arith.constant 0 : i32
      %dma_start3A_163 = tpu.memref_slice %arg2[%dma_start3A_161, %dma_start3A_162] : memref<10112x128xf32, #tpu.memory_space<hbm>> -> memref<10112x128xf32, #tpu.memory_space<hbm>>
      tpu.enqueue_indirect_dma source(%dma_start3A_163 : memref<10112x128xf32, #tpu.memory_space<hbm>>) target(%dma_start3A_159 : memref<40x128xf32, #tpu.memory_space<vmem>>) offsets(%dma_start3A_160 : memref<40xi32, #tpu.memory_space<vmem>>) semaphore(%arg11 : memref<!tpu.dma_semaphore, #tpu.memory_space<semaphore_mem>>)
      %dma_wait3A_164 = arith.constant 0 : i32
      %dma_wait3A_165 = tpu.memref_slice %arg7[%add3A_111, %dma_wait3A_164] : memref<128x80xi32, #tpu.memory_space<vmem>> -> memref<1x80xi32, #tpu.memory_space<vmem>>
      %dma_wait3A_166 = tpu.memref_squeeze %dma_wait3A_165 : memref<1x80xi32, #tpu.memory_space<vmem>> -> memref<80xi32, #tpu.memory_space<vmem>>
      %dma_wait3A_167 = arith.constant 0 : i32
      %dma_wait3A_168 = arith.constant 0 : i32
      %dma_wait3A_169 = tpu.memref_slice %arg10[%dma_wait3A_167, %dma_wait3A_168] : memref<10112x128xf32, #tpu.memory_space<vmem_shared>> -> memref<10112x128xf32, #tpu.memory_space<vmem_shared>>
      tpu.wait_indirect_dma semaphore(%arg14 : memref<!tpu.dma_semaphore, #tpu.memory_space<semaphore_mem>>) src(%arg9 : memref<80x128xf32, #tpu.memory_space<vmem>>) dst(%dma_wait3A_169 : memref<10112x128xf32, #tpu.memory_space<vmem_shared>>)
      %add3A_170 = arith.constant 2 : i32
      %add3A_171 = arith.addi %add3A_111, %add3A_170 : i32
      %mul3A_172 = arith.constant 80 : i32
      %mul3A_173 = arith.muli %add3A_171, %mul3A_172 : i32
      %dma_start3A_174 = arith.constant 0 : i32
      %dma_start3A_175 = arith.constant 0 : i32
      %dma_start3A_176 = tpu.memref_slice %arg9[%dma_start3A_174, %dma_start3A_175] : memref<80x128xf32, #tpu.memory_space<vmem>> -> memref<40x128xf32, #tpu.memory_space<vmem>>
      %dma_start3A_177 = tpu.memref_slice %arg6[%mul3A_173] : memref<10240xi32, #tpu.memory_space<vmem>> -> memref<40xi32, #tpu.memory_space<vmem>>
      %dma_start3A_178 = arith.constant 0 : i32
      %dma_start3A_179 = arith.constant 0 : i32
      %dma_start3A_180 = tpu.memref_slice %arg2[%dma_start3A_178, %dma_start3A_179] : memref<10112x128xf32, #tpu.memory_space<hbm>> -> memref<10112x128xf32, #tpu.memory_space<hbm>>
      tpu.enqueue_indirect_dma source(%dma_start3A_180 : memref<10112x128xf32, #tpu.memory_space<hbm>>) target(%dma_start3A_176 : memref<40x128xf32, #tpu.memory_space<vmem>>) offsets(%dma_start3A_177 : memref<40xi32, #tpu.memory_space<vmem>>) semaphore(%arg12 : memref<!tpu.dma_semaphore, #tpu.memory_space<semaphore_mem>>)
      %mul3A_181 = arith.constant 80 : i32
      %mul3A_182 = arith.muli %add3A_171, %mul3A_181 : i32
      %add3A_183 = arith.constant 40 : i32
      %add3A_184 = arith.addi %mul3A_182, %add3A_183 : i32
      %dma_start3A_185 = arith.constant 40 : i32
      %dma_start3A_186 = arith.constant 0 : i32
      %dma_start3A_187 = tpu.memref_slice %arg9[%dma_start3A_185, %dma_start3A_186] : memref<80x128xf32, #tpu.memory_space<vmem>> -> memref<40x128xf32, #tpu.memory_space<vmem>>
      %dma_start3A_188 = tpu.memref_slice %arg6[%add3A_184] : memref<10240xi32, #tpu.memory_space<vmem>> -> memref<40xi32, #tpu.memory_space<vmem>>
      %dma_start3A_189 = arith.constant 0 : i32
      %dma_start3A_190 = arith.constant 0 : i32
      %dma_start3A_191 = tpu.memref_slice %arg2[%dma_start3A_189, %dma_start3A_190] : memref<10112x128xf32, #tpu.memory_space<hbm>> -> memref<10112x128xf32, #tpu.memory_space<hbm>>
      tpu.enqueue_indirect_dma source(%dma_start3A_191 : memref<10112x128xf32, #tpu.memory_space<hbm>>) target(%dma_start3A_187 : memref<40x128xf32, #tpu.memory_space<vmem>>) offsets(%dma_start3A_188 : memref<40xi32, #tpu.memory_space<vmem>>) semaphore(%arg12 : memref<!tpu.dma_semaphore, #tpu.memory_space<semaphore_mem>>)
      %scan3A_192 = arith.constant 0 : i32
      scf.yield %scan3A_192 : i32
    }
    %scan3A_63 = arith.constant 63 : i32
    %dma_wait3A = arith.constant 10080 : i32
    %dma_wait3A_64 = tpu.memref_slice %arg6[%dma_wait3A] : memref<10240xi32, #tpu.memory_space<vmem>> -> memref<80xi32, #tpu.memory_space<vmem>>
    %dma_wait3A_65 = arith.constant 0 : i32
    %dma_wait3A_66 = arith.constant 0 : i32
    %dma_wait3A_67 = tpu.memref_slice %arg2[%dma_wait3A_65, %dma_wait3A_66] : memref<10112x128xf32, #tpu.memory_space<hbm>> -> memref<10112x128xf32, #tpu.memory_space<hbm>>
    tpu.wait_indirect_dma semaphore(%arg11 : memref<!tpu.dma_semaphore, #tpu.memory_space<semaphore_mem>>) src(%dma_wait3A_67 : memref<10112x128xf32, #tpu.memory_space<hbm>>) dst(%arg8 : memref<80x128xf32, #tpu.memory_space<vmem>>)
    %dma_start3A_68 = arith.constant 126 : i32
    %dma_start3A_69 = arith.constant 0 : i32
    %dma_start3A_70 = tpu.memref_slice %arg7[%dma_start3A_68, %dma_start3A_69] : memref<128x80xi32, #tpu.memory_space<vmem>> -> memref<1x80xi32, #tpu.memory_space<vmem>>
    %dma_start3A_71 = tpu.memref_squeeze %dma_start3A_70 : memref<1x80xi32, #tpu.memory_space<vmem>> -> memref<80xi32, #tpu.memory_space<vmem>>
    %dma_start3A_72 = arith.constant 0 : i32
    %dma_start3A_73 = arith.constant 0 : i32
    %dma_start3A_74 = tpu.memref_slice %arg10[%dma_start3A_72, %dma_start3A_73] : memref<10112x128xf32, #tpu.memory_space<vmem_shared>> -> memref<10112x128xf32, #tpu.memory_space<vmem_shared>>
    tpu.enqueue_indirect_dma source(%arg8 : memref<80x128xf32, #tpu.memory_space<vmem>>) target(%dma_start3A_74 : memref<10112x128xf32, #tpu.memory_space<vmem_shared>>) offsets(%dma_start3A_71 : memref<80xi32, #tpu.memory_space<vmem>>) semaphore(%arg13 : memref<!tpu.dma_semaphore, #tpu.memory_space<semaphore_mem>>) {add = true}
    %dma_wait3A_75 = arith.constant 10160 : i32
    %dma_wait3A_76 = tpu.memref_slice %arg6[%dma_wait3A_75] : memref<10240xi32, #tpu.memory_space<vmem>> -> memref<80xi32, #tpu.memory_space<vmem>>
    %dma_wait3A_77 = arith.constant 0 : i32
    %dma_wait3A_78 = arith.constant 0 : i32
    %dma_wait3A_79 = tpu.memref_slice %arg2[%dma_wait3A_77, %dma_wait3A_78] : memref<10112x128xf32, #tpu.memory_space<hbm>> -> memref<10112x128xf32, #tpu.memory_space<hbm>>
    tpu.wait_indirect_dma semaphore(%arg12 : memref<!tpu.dma_semaphore, #tpu.memory_space<semaphore_mem>>) src(%dma_wait3A_79 : memref<10112x128xf32, #tpu.memory_space<hbm>>) dst(%arg9 : memref<80x128xf32, #tpu.memory_space<vmem>>)
    %dma_start3A_80 = arith.constant 127 : i32
    %dma_start3A_81 = arith.constant 0 : i32
    %dma_start3A_82 = tpu.memref_slice %arg7[%dma_start3A_80, %dma_start3A_81] : memref<128x80xi32, #tpu.memory_space<vmem>> -> memref<1x80xi32, #tpu.memory_space<vmem>>
    %dma_start3A_83 = tpu.memref_squeeze %dma_start3A_82 : memref<1x80xi32, #tpu.memory_space<vmem>> -> memref<80xi32, #tpu.memory_space<vmem>>
    %dma_start3A_84 = arith.constant 0 : i32
    %dma_start3A_85 = arith.constant 0 : i32
    %dma_start3A_86 = tpu.memref_slice %arg10[%dma_start3A_84, %dma_start3A_85] : memref<10112x128xf32, #tpu.memory_space<vmem_shared>> -> memref<10112x128xf32, #tpu.memory_space<vmem_shared>>
    tpu.enqueue_indirect_dma source(%arg9 : memref<80x128xf32, #tpu.memory_space<vmem>>) target(%dma_start3A_86 : memref<10112x128xf32, #tpu.memory_space<vmem_shared>>) offsets(%dma_start3A_83 : memref<80xi32, #tpu.memory_space<vmem>>) semaphore(%arg14 : memref<!tpu.dma_semaphore, #tpu.memory_space<semaphore_mem>>) {add = true}
    %dma_wait3A_87 = arith.constant 126 : i32
    %dma_wait3A_88 = arith.constant 0 : i32
    %dma_wait3A_89 = tpu.memref_slice %arg7[%dma_wait3A_87, %dma_wait3A_88] : memref<128x80xi32, #tpu.memory_space<vmem>> -> memref<1x80xi32, #tpu.memory_space<vmem>>
    %dma_wait3A_90 = tpu.memref_squeeze %dma_wait3A_89 : memref<1x80xi32, #tpu.memory_space<vmem>> -> memref<80xi32, #tpu.memory_space<vmem>>
    %dma_wait3A_91 = arith.constant 0 : i32
    %dma_wait3A_92 = arith.constant 0 : i32
    %dma_wait3A_93 = tpu.memref_slice %arg10[%dma_wait3A_91, %dma_wait3A_92] : memref<10112x128xf32, #tpu.memory_space<vmem_shared>> -> memref<10112x128xf32, #tpu.memory_space<vmem_shared>>
    tpu.wait_indirect_dma semaphore(%arg13 : memref<!tpu.dma_semaphore, #tpu.memory_space<semaphore_mem>>) src(%arg8 : memref<80x128xf32, #tpu.memory_space<vmem>>) dst(%dma_wait3A_93 : memref<10112x128xf32, #tpu.memory_space<vmem_shared>>)
    %dma_wait3A_94 = arith.constant 127 : i32
    %dma_wait3A_95 = arith.constant 0 : i32
    %dma_wait3A_96 = tpu.memref_slice %arg7[%dma_wait3A_94, %dma_wait3A_95] : memref<128x80xi32, #tpu.memory_space<vmem>> -> memref<1x80xi32, #tpu.memory_space<vmem>>
    %dma_wait3A_97 = tpu.memref_squeeze %dma_wait3A_96 : memref<1x80xi32, #tpu.memory_space<vmem>> -> memref<80xi32, #tpu.memory_space<vmem>>
    %dma_wait3A_98 = arith.constant 0 : i32
    %dma_wait3A_99 = arith.constant 0 : i32
    %dma_wait3A_100 = tpu.memref_slice %arg10[%dma_wait3A_98, %dma_wait3A_99] : memref<10112x128xf32, #tpu.memory_space<vmem_shared>> -> memref<10112x128xf32, #tpu.memory_space<vmem_shared>>
    tpu.wait_indirect_dma semaphore(%arg14 : memref<!tpu.dma_semaphore, #tpu.memory_space<semaphore_mem>>) src(%arg9 : memref<80x128xf32, #tpu.memory_space<vmem>>) dst(%dma_wait3A_100 : memref<10112x128xf32, #tpu.memory_space<vmem_shared>>)
    %barrier3A_101 = arith.constant 0 : index
    tpu.barrier barrier_id(%barrier3A_101)
    %mul3A_102 = arith.constant 632 : i32
    %mul3A_103 = arith.muli %arg1, %mul3A_102 : i32
    %mul3A_104 = arith.constant 632 : i32
    %mul3A_105 = arith.muli %arg1, %mul3A_104 : i32
    "tpu.region"() ({
      %run_scoped3A = tpu.sem_alloc : memref<!tpu.dma_semaphore, #tpu.memory_space<semaphore_mem>>
      %dma_start3A_106 = arith.constant 0 : i32
      %dma_start3A_107 = tpu.memref_slice %arg5[%arg0, %mul3A_105, %dma_start3A_106] : memref<2x10112x128xf32, #tpu.memory_space<hbm>> -> memref<1x632x128xf32, #tpu.memory_space<hbm>>
      %dma_start3A_108 = tpu.memref_squeeze %dma_start3A_107 : memref<1x632x128xf32, #tpu.memory_space<hbm>> -> memref<632x128xf32, #tpu.memory_space<hbm>>
      %dma_start3A_109 = arith.constant 0 : i32
      %dma_start3A_110 = tpu.memref_slice %arg10[%mul3A_103, %dma_start3A_109] : memref<10112x128xf32, #tpu.memory_space<vmem_shared>> -> memref<632x128xf32, #tpu.memory_space<vmem_shared>>
      tpu.enqueue_dma source(%dma_start3A_110 : memref<632x128xf32, #tpu.memory_space<vmem_shared>>) target(%dma_start3A_108 : memref<632x128xf32, #tpu.memory_space<hbm>>) target_semaphore(%run_scoped3A : memref<!tpu.dma_semaphore, #tpu.memory_space<semaphore_mem>>)
      %dma_wait3A_111 = arith.constant 0 : i32
      %dma_wait3A_112 = tpu.memref_slice %arg5[%arg0, %mul3A_105, %dma_wait3A_111] : memref<2x10112x128xf32, #tpu.memory_space<hbm>> -> memref<1x632x128xf32, #tpu.memory_space<hbm>>
      %dma_wait3A_113 = tpu.memref_squeeze %dma_wait3A_112 : memref<1x632x128xf32, #tpu.memory_space<hbm>> -> memref<632x128xf32, #tpu.memory_space<hbm>>
      %dma_wait3A_114 = arith.constant 0 : i32
      %dma_wait3A_115 = tpu.memref_slice %arg10[%mul3A_103, %dma_wait3A_114] : memref<10112x128xf32, #tpu.memory_space<vmem_shared>> -> memref<632x128xf32, #tpu.memory_space<vmem_shared>>
      tpu.wait_dma2 semaphore(%run_scoped3A : memref<!tpu.dma_semaphore, #tpu.memory_space<semaphore_mem>>) src(%dma_wait3A_115 : memref<632x128xf32, #tpu.memory_space<vmem_shared>>) dst(%dma_wait3A_113 : memref<632x128xf32, #tpu.memory_space<hbm>>)
      tpu.yield
    }) : () -> ()
    return
  }
}

module attributes {stable_mosaic.version = 14 : i64} {
  func.func @_mm_body(%arg0: i32, %arg1: memref<632x128xf32, #tpu.memory_space<vmem>>, %arg2: memref<128x128xf32, #tpu.memory_space<vmem>>, %arg3: memref<632x128xf32, #tpu.memory_space<vmem>>) attributes {dimension_semantics = [#tpu.dimension_semantics<arbitrary>], iteration_bounds = array<i64: 16>, scalar_prefetch = 0 : i64, scratch_operands = 0 : i64, tpu.core_type = #tpu.core_type<tc>, window_params = [{transform_indices = @transform_0, window_bounds = array<i64: 632, 128>}, {pipeline_mode = #tpu.pipeline_mode<synchronous>, transform_indices = @transform_1, window_bounds = array<i64: 128, 128>}, {transform_indices = @transform_2, window_bounds = array<i64: 632, 128>}]} {
    %get3A = arith.constant 0 : index
    %get3A_0 = arith.constant 0 : index
    %get3A_1 = vector.load %arg1[%get3A, %get3A_0] : memref<632x128xf32, #tpu.memory_space<vmem>>, vector<632x128xf32>
    %get3A_2 = arith.constant 0 : index
    %get3A_3 = arith.constant 0 : index
    %get3A_4 = vector.load %arg2[%get3A_2, %get3A_3] : memref<128x128xf32, #tpu.memory_space<vmem>>, vector<128x128xf32>
    %dot_general3A = arith.constant dense<0.000000e+00> : vector<632x128xf32>
    %dot_general3A_5 = tpu.matmul %get3A_1, %get3A_4, %dot_general3A {dimension_numbers = #tpu.dot_dimension_numbers<[1], [0], [0], [1], [0, 0, 1, 1], [], []>, transpose_lhs_hint = false} : vector<632x128xf32>, vector<128x128xf32>, vector<632x128xf32> -> vector<632x128xf32>
    %swap3A = arith.constant 0 : index
    %swap3A_6 = arith.constant 0 : index
    %swap3A_7 = vector.load %arg3[%swap3A, %swap3A_6] : memref<632x128xf32, #tpu.memory_space<vmem>>, vector<632x128xf32>
    tpu.vector_store %arg3[%swap3A, %swap3A_6], %dot_general3A_5 {strides = array<i32>} : memref<632x128xf32, #tpu.memory_space<vmem>>, vector<632x128xf32>,
    return
  }
  func.func @transform_0(%arg0: i32) -> (i32, i32) {
    %c0_i32 = arith.constant 0 : i32
    %c0_i32_0 = arith.constant 0 : i32
    return %arg0, %c0_i32 : i32, i32
  }
  func.func @transform_1(%arg0: i32) -> (i32, i32) {
    %c0_i32 = arith.constant 0 : i32
    %c0_i32_0 = arith.constant 0 : i32
    %c0_i32_1 = arith.constant 0 : i32
    return %c0_i32, %c0_i32_0 : i32, i32
  }
  func.func @transform_2(%arg0: i32) -> (i32, i32) {
    %c0_i32 = arith.constant 0 : i32
    %c0_i32_0 = arith.constant 0 : i32
    return %arg0, %c0_i32 : i32, i32
  }
}

module attributes {stable_mosaic.version = 14 : i64} {
  func.func @_scale_body(%arg0: i32, %arg1: memref<632x128xf32, #tpu.memory_space<vmem>>, %arg2: memref<632x1xf32, #tpu.memory_space<vmem>>, %arg3: memref<632x1xf32, #tpu.memory_space<vmem>>, %arg4: memref<632x128xf32, #tpu.memory_space<vmem>>) attributes {dimension_semantics = [#tpu.dimension_semantics<arbitrary>], iteration_bounds = array<i64: 16>, scalar_prefetch = 0 : i64, scratch_operands = 0 : i64, tpu.core_type = #tpu.core_type<tc>, window_params = [{transform_indices = @transform_0, window_bounds = array<i64: 632, 128>}, {transform_indices = @transform_1, window_bounds = array<i64: 632, 1>}, {transform_indices = @transform_2, window_bounds = array<i64: 632, 1>}, {transform_indices = @transform_3, window_bounds = array<i64: 632, 128>}]} {
    %get3A = arith.constant 0 : index
    %get3A_0 = arith.constant 0 : index
    %get3A_1 = vector.load %arg1[%get3A, %get3A_0] : memref<632x128xf32, #tpu.memory_space<vmem>>, vector<632x128xf32>
    %get3A_2 = arith.constant 0 : index
    %get3A_3 = arith.constant 0 : index
    %get3A_4 = vector.load %arg2[%get3A_2, %get3A_3] : memref<632x1xf32, #tpu.memory_space<vmem>>, vector<632x1xf32>
    %get3A_5 = arith.constant 0 : index
    %get3A_6 = arith.constant 0 : index
    %get3A_7 = vector.load %arg3[%get3A_5, %get3A_6] : memref<632x1xf32, #tpu.memory_space<vmem>>, vector<632x1xf32>
    %add3A = arith.addf %get3A_4, %get3A_7 : vector<632x1xf32>
    %add3A_8 = arith.constant 1.000000e+00 : f32
    %add3A_9 = vector.broadcast %add3A_8 : f32 to vector<632x1xf32>
    %add3A_10 = arith.addf %add3A, %add3A_9 : vector<632x1xf32>
    %rsqrt3A = math.rsqrt %add3A_10 : vector<632x1xf32>
    %mul3A = vector.broadcast %rsqrt3A : vector<632x1xf32> to vector<632x128xf32>
    %mul3A_11 = arith.mulf %get3A_1, %mul3A : vector<632x128xf32>
    %swap3A = arith.constant 0 : index
    %swap3A_12 = arith.constant 0 : index
    %swap3A_13 = vector.load %arg4[%swap3A, %swap3A_12] : memref<632x128xf32, #tpu.memory_space<vmem>>, vector<632x128xf32>
    tpu.vector_store %arg4[%swap3A, %swap3A_12], %mul3A_11 {strides = array<i32>} : memref<632x128xf32, #tpu.memory_space<vmem>>, vector<632x128xf32>,
    return
  }
  func.func @transform_0(%arg0: i32) -> (i32, i32) {
    %c0_i32 = arith.constant 0 : i32
    %c0_i32_0 = arith.constant 0 : i32
    return %arg0, %c0_i32 : i32, i32
  }
  func.func @transform_1(%arg0: i32) -> (i32, i32) {
    %c0_i32 = arith.constant 0 : i32
    %c0_i32_0 = arith.constant 0 : i32
    return %arg0, %c0_i32 : i32, i32
  }
  func.func @transform_2(%arg0: i32) -> (i32, i32) {
    %c0_i32 = arith.constant 0 : i32
    %c0_i32_0 = arith.constant 0 : i32
    return %arg0, %c0_i32 : i32, i32
  }
  func.func @transform_3(%arg0: i32) -> (i32, i32) {
    %c0_i32 = arith.constant 0 : i32
    %c0_i32_0 = arith.constant 0 : i32
    return %arg0, %c0_i32 : i32, i32
  }
}

module attributes {stable_mosaic.version = 14 : i64} {
  func.func @_layer2_body(%arg0: i32, %arg1: memref<632x128xf32, #tpu.memory_space<vmem>>, %arg2: memref<632x128xf32, #tpu.memory_space<vmem>>, %arg3: memref<632x128xf32, #tpu.memory_space<vmem>>, %arg4: memref<632x1xf32, #tpu.memory_space<vmem>>, %arg5: memref<632x1xf32, #tpu.memory_space<vmem>>, %arg6: memref<128x128xf32, #tpu.memory_space<vmem>>, %arg7: memref<1x128xf32, #tpu.memory_space<vmem>>, %arg8: memref<632x128xf32, #tpu.memory_space<vmem>>) attributes {dimension_semantics = [#tpu.dimension_semantics<arbitrary>], iteration_bounds = array<i64: 16>, scalar_prefetch = 0 : i64, scratch_operands = 0 : i64, tpu.core_type = #tpu.core_type<tc>, window_params = [{transform_indices = @transform_0, window_bounds = array<i64: 632, 128>}, {transform_indices = @transform_1, window_bounds = array<i64: 632, 128>}, {transform_indices = @transform_2, window_bounds = array<i64: 632, 128>}, {transform_indices = @transform_3, window_bounds = array<i64: 632, 1>}, {transform_indices = @transform_4, window_bounds = array<i64: 632, 1>}, {pipeline_mode = #tpu.pipeline_mode<synchronous>, transform_indices = @transform_5, window_bounds = array<i64: 128, 128>}, {pipeline_mode = #tpu.pipeline_mode<synchronous>, transform_indices = @transform_6, window_bounds = array<i64: 1, 128>}, {transform_indices = @transform_7, window_bounds = array<i64: 632, 128>}]} {
    %get3A = arith.constant 0 : index
    %get3A_0 = arith.constant 0 : index
    %get3A_1 = vector.load %arg4[%get3A, %get3A_0] : memref<632x1xf32, #tpu.memory_space<vmem>>, vector<632x1xf32>
    %get3A_2 = arith.constant 0 : index
    %get3A_3 = arith.constant 0 : index
    %get3A_4 = vector.load %arg5[%get3A_2, %get3A_3] : memref<632x1xf32, #tpu.memory_space<vmem>>, vector<632x1xf32>
    %add3A = arith.addf %get3A_1, %get3A_4 : vector<632x1xf32>
    %add3A_5 = arith.constant 1.000000e+00 : f32
    %add3A_6 = vector.broadcast %add3A_5 : f32 to vector<632x1xf32>
    %add3A_7 = arith.addf %add3A, %add3A_6 : vector<632x1xf32>
    %rsqrt3A = math.rsqrt %add3A_7 : vector<632x1xf32>
    %get3A_8 = arith.constant 0 : index
    %get3A_9 = arith.constant 0 : index
    %get3A_10 = vector.load %arg2[%get3A_8, %get3A_9] : memref<632x128xf32, #tpu.memory_space<vmem>>, vector<632x128xf32>
    %get3A_11 = arith.constant 0 : index
    %get3A_12 = arith.constant 0 : index
    %get3A_13 = vector.load %arg3[%get3A_11, %get3A_12] : memref<632x128xf32, #tpu.memory_space<vmem>>, vector<632x128xf32>
    %add3A_14 = arith.addf %get3A_10, %get3A_13 : vector<632x128xf32>
    %get3A_15 = arith.constant 0 : index
    %get3A_16 = arith.constant 0 : index
    %get3A_17 = vector.load %arg1[%get3A_15, %get3A_16] : memref<632x128xf32, #tpu.memory_space<vmem>>, vector<632x128xf32>
    %add3A_18 = arith.addf %add3A_14, %get3A_17 : vector<632x128xf32>
    %mul3A = vector.broadcast %rsqrt3A : vector<632x1xf32> to vector<632x128xf32>
    %mul3A_19 = arith.mulf %mul3A, %add3A_18 : vector<632x128xf32>
    %get3A_20 = arith.constant 0 : index
    %get3A_21 = arith.constant 0 : index
    %get3A_22 = vector.load %arg7[%get3A_20, %get3A_21] : memref<1x128xf32, #tpu.memory_space<vmem>>, vector<1x128xf32>
    %add3A_23 = vector.broadcast %get3A_22 : vector<1x128xf32> to vector<632x128xf32>
    %add3A_24 = arith.addf %mul3A_19, %add3A_23 : vector<632x128xf32>
    %max3A = arith.constant 0.000000e+00 : f32
    %max3A_25 = vector.broadcast %max3A : f32 to vector<632x128xf32>
    %max3A_26 = arith.maximumf %add3A_24, %max3A_25 : vector<632x128xf32>
    %get3A_27 = arith.constant 0 : index
    %get3A_28 = arith.constant 0 : index
    %get3A_29 = vector.load %arg6[%get3A_27, %get3A_28] : memref<128x128xf32, #tpu.memory_space<vmem>>, vector<128x128xf32>
    %dot_general3A = arith.constant dense<0.000000e+00> : vector<632x128xf32>
    %dot_general3A_30 = tpu.matmul %max3A_26, %get3A_29, %dot_general3A {dimension_numbers = #tpu.dot_dimension_numbers<[1], [0], [0], [1], [0, 0, 1, 1], [], []>, transpose_lhs_hint = false} : vector<632x128xf32>, vector<128x128xf32>, vector<632x128xf32> -> vector<632x128xf32>
    %mul3A_31 = vector.broadcast %rsqrt3A : vector<632x1xf32> to vector<632x128xf32>
    %mul3A_32 = arith.mulf %dot_general3A_30, %mul3A_31 : vector<632x128xf32>
    %swap3A = arith.constant 0 : index
    %swap3A_33 = arith.constant 0 : index
    %swap3A_34 = vector.load %arg8[%swap3A, %swap3A_33] : memref<632x128xf32, #tpu.memory_space<vmem>>, vector<632x128xf32>
    tpu.vector_store %arg8[%swap3A, %swap3A_33], %mul3A_32 {strides = array<i32>} : memref<632x128xf32, #tpu.memory_space<vmem>>, vector<632x128xf32>,
    return
  }
  func.func @transform_0(%arg0: i32) -> (i32, i32) {
    %c0_i32 = arith.constant 0 : i32
    %c0_i32_0 = arith.constant 0 : i32
    return %arg0, %c0_i32 : i32, i32
  }
  func.func @transform_1(%arg0: i32) -> (i32, i32) {
    %c0_i32 = arith.constant 0 : i32
    %c0_i32_0 = arith.constant 0 : i32
    return %arg0, %c0_i32 : i32, i32
  }
  func.func @transform_2(%arg0: i32) -> (i32, i32) {
    %c0_i32 = arith.constant 0 : i32
    %c0_i32_0 = arith.constant 0 : i32
    return %arg0, %c0_i32 : i32, i32
  }
  func.func @transform_3(%arg0: i32) -> (i32, i32) {
    %c0_i32 = arith.constant 0 : i32
    %c0_i32_0 = arith.constant 0 : i32
    return %arg0, %c0_i32 : i32, i32
  }
  func.func @transform_4(%arg0: i32) -> (i32, i32) {
    %c0_i32 = arith.constant 0 : i32
    %c0_i32_0 = arith.constant 0 : i32
    return %arg0, %c0_i32 : i32, i32
  }
  func.func @transform_5(%arg0: i32) -> (i32, i32) {
    %c0_i32 = arith.constant 0 : i32
    %c0_i32_0 = arith.constant 0 : i32
    %c0_i32_1 = arith.constant 0 : i32
    return %c0_i32, %c0_i32_0 : i32, i32
  }
  func.func @transform_6(%arg0: i32) -> (i32, i32) {
    %c0_i32 = arith.constant 0 : i32
    %c0_i32_0 = arith.constant 0 : i32
    %c0_i32_1 = arith.constant 0 : i32
    return %c0_i32, %c0_i32_0 : i32, i32
  }
  func.func @transform_7(%arg0: i32) -> (i32, i32) {
    %c0_i32 = arith.constant 0 : i32
    %c0_i32_0 = arith.constant 0 : i32
    return %arg0, %c0_i32 : i32, i32
  }
}

module attributes {stable_mosaic.version = 14 : i64} {
  func.func @_final_body(%arg0: i32, %arg1: memref<1000x128xf32, #tpu.memory_space<vmem>>, %arg2: memref<1000x128xf32, #tpu.memory_space<vmem>>, %arg3: memref<1000x128xf32, #tpu.memory_space<vmem>>, %arg4: memref<1000x1xf32, #tpu.memory_space<vmem>>, %arg5: memref<1000x1xf32, #tpu.memory_space<vmem>>, %arg6: memref<1x128xf32, #tpu.memory_space<vmem>>, %arg7: memref<1000x128xf32, #tpu.memory_space<vmem>>) attributes {dimension_semantics = [#tpu.dimension_semantics<arbitrary>], iteration_bounds = array<i64: 10>, scalar_prefetch = 0 : i64, scratch_operands = 0 : i64, tpu.core_type = #tpu.core_type<tc>, window_params = [{transform_indices = @transform_0, window_bounds = array<i64: 1000, 128>}, {transform_indices = @transform_1, window_bounds = array<i64: 1000, 128>}, {transform_indices = @transform_2, window_bounds = array<i64: 1000, 128>}, {transform_indices = @transform_3, window_bounds = array<i64: 1000, 1>}, {transform_indices = @transform_4, window_bounds = array<i64: 1000, 1>}, {pipeline_mode = #tpu.pipeline_mode<synchronous>, transform_indices = @transform_5, window_bounds = array<i64: 1, 128>}, {transform_indices = @transform_6, window_bounds = array<i64: 1000, 128>}]} {
    %get3A = arith.constant 0 : index
    %get3A_0 = arith.constant 0 : index
    %get3A_1 = vector.load %arg4[%get3A, %get3A_0] : memref<1000x1xf32, #tpu.memory_space<vmem>>, vector<1000x1xf32>
    %get3A_2 = arith.constant 0 : index
    %get3A_3 = arith.constant 0 : index
    %get3A_4 = vector.load %arg5[%get3A_2, %get3A_3] : memref<1000x1xf32, #tpu.memory_space<vmem>>, vector<1000x1xf32>
    %add3A = arith.addf %get3A_1, %get3A_4 : vector<1000x1xf32>
    %add3A_5 = arith.constant 1.000000e+00 : f32
    %add3A_6 = vector.broadcast %add3A_5 : f32 to vector<1000x1xf32>
    %add3A_7 = arith.addf %add3A, %add3A_6 : vector<1000x1xf32>
    %rsqrt3A = math.rsqrt %add3A_7 : vector<1000x1xf32>
    %get3A_8 = arith.constant 0 : index
    %get3A_9 = arith.constant 0 : index
    %get3A_10 = vector.load %arg2[%get3A_8, %get3A_9] : memref<1000x128xf32, #tpu.memory_space<vmem>>, vector<1000x128xf32>
    %get3A_11 = arith.constant 0 : index
    %get3A_12 = arith.constant 0 : index
    %get3A_13 = vector.load %arg3[%get3A_11, %get3A_12] : memref<1000x128xf32, #tpu.memory_space<vmem>>, vector<1000x128xf32>
    %add3A_14 = arith.addf %get3A_10, %get3A_13 : vector<1000x128xf32>
    %get3A_15 = arith.constant 0 : index
    %get3A_16 = arith.constant 0 : index
    %get3A_17 = vector.load %arg1[%get3A_15, %get3A_16] : memref<1000x128xf32, #tpu.memory_space<vmem>>, vector<1000x128xf32>
    %add3A_18 = arith.addf %add3A_14, %get3A_17 : vector<1000x128xf32>
    %mul3A = vector.broadcast %rsqrt3A : vector<1000x1xf32> to vector<1000x128xf32>
    %mul3A_19 = arith.mulf %mul3A, %add3A_18 : vector<1000x128xf32>
    %get3A_20 = arith.constant 0 : index
    %get3A_21 = arith.constant 0 : index
    %get3A_22 = vector.load %arg6[%get3A_20, %get3A_21] : memref<1x128xf32, #tpu.memory_space<vmem>>, vector<1x128xf32>
    %add3A_23 = vector.broadcast %get3A_22 : vector<1x128xf32> to vector<1000x128xf32>
    %add3A_24 = arith.addf %mul3A_19, %add3A_23 : vector<1000x128xf32>
    %swap3A = arith.constant 0 : index
    %swap3A_25 = arith.constant 0 : index
    %swap3A_26 = vector.load %arg7[%swap3A, %swap3A_25] : memref<1000x128xf32, #tpu.memory_space<vmem>>, vector<1000x128xf32>
    tpu.vector_store %arg7[%swap3A, %swap3A_25], %add3A_24 {strides = array<i32>} : memref<1000x128xf32, #tpu.memory_space<vmem>>, vector<1000x128xf32>,
    return
  }
  func.func @transform_0(%arg0: i32) -> (i32, i32) {
    %c0_i32 = arith.constant 0 : i32
    %c0_i32_0 = arith.constant 0 : i32
    return %arg0, %c0_i32 : i32, i32
  }
  func.func @transform_1(%arg0: i32) -> (i32, i32) {
    %c0_i32 = arith.constant 0 : i32
    %c0_i32_0 = arith.constant 0 : i32
    return %arg0, %c0_i32 : i32, i32
  }
  func.func @transform_2(%arg0: i32) -> (i32, i32) {
    %c0_i32 = arith.constant 0 : i32
    %c0_i32_0 = arith.constant 0 : i32
    return %arg0, %c0_i32 : i32, i32
  }
  func.func @transform_3(%arg0: i32) -> (i32, i32) {
    %c0_i32 = arith.constant 0 : i32
    %c0_i32_0 = arith.constant 0 : i32
    return %arg0, %c0_i32 : i32, i32
  }
  func.func @transform_4(%arg0: i32) -> (i32, i32) {
    %c0_i32 = arith.constant 0 : i32
    %c0_i32_0 = arith.constant 0 : i32
    return %arg0, %c0_i32 : i32, i32
  }
  func.func @transform_5(%arg0: i32) -> (i32, i32) {
    %c0_i32 = arith.constant 0 : i32
    %c0_i32_0 = arith.constant 0 : i32
    %c0_i32_1 = arith.constant 0 : i32
    return %c0_i32, %c0_i32_0 : i32, i32
  }
  func.func @transform_6(%arg0: i32) -> (i32, i32) {
    %c0_i32 = arith.constant 0 : i32
    %c0_i32_0 = arith.constant 0 : i32
    return %arg0, %c0_i32 : i32, i32
  }
}

</mosaic_0001>

<sc_bundles>
// kernel: kernel.12.cloned.1.call-start
scs
__scs_entry_jumppad:
0x0: {  	(pc) =	sbr.rel $0x88, $3  }
0x1: {  	(tag) =	ssettag $0x0;
	lr =	simm.s32 $0x1  }
0x2: {  	[smem:$0x3F9B] =	sst lr;
	_ =	strace $0xD0000000  }
0x3: {  	_ = 	snop  }
0x4: {  	_ = 	snop  }
0x5: {  	_ = 	snop  }
0x6: {  	_ = 	snop  }
0x7: {  	_ = 	snop  }
__scs_overlays_trampoline_lowered:
0x8: {  	[smem:$0x3FAA] =	sst s0  }
0x9: {  	[smem:$0x3FAB] =	sst s1  }
0xa: {  	[smem:$0x3FAC] =	sst s2  }
0xb: {  	[smem:$0x3FAD] =	sst s3  }
0xc: {  	[smem:$0x3FAE] =	sst s4  }
0xd: {  	[smem:$0x3FAF] =	sst s5  }
0xe: {  	[smem:$0x3FB0] =	sst s6  }
0xf: {  	[smem:$0x3FB1] =	sst s7  }
0x10: {  	[smem:$0x3FB2] =	sst s8  }
0x11: {  	[smem:$0x3FB3] =	sst s9;
	s0 =	simm.s32 @!p0 $0x0  }
0x12: {  	s1 =	sld [smem:$0x3F99];
	s0 =	simm.s32 @p0 $0x1  }
0x13: {  	[smem:$0x3FB4] =	sst s0;
	s0 =	simm.s32 @!p1 $0x0  }
0x14: {  	s2 =	sld [smem:$0x3F98];
	s0 =	simm.s32 @p1 $0x1  }
0x15: {  	[smem:$0x3FB5] =	sst s0;
	s0 =	simm.s32 @!p2 $0x0  }
0x16: {  	s3 =	sld [smem:$0x3FDB];
	s0 =	simm.s32 @p2 $0x1  }
0x17: {  	s4 =	simm.s32 $0x1BF5;
	[smem:$0x3FB7] =	sst s0  }
0x18: {  	s0 =	sld [smem:$0x3F9A];
	_ =	swait.ge [sflag:s4], $0x0  }
0x19: {  	s7 =	sld [smem:$0x3F9B]  }
0x1a: {  	s8 =	sadd.s32 $0xFFFFE003, lr  }
0x1b: {  	s9 =	sadd.s32 $0xFFFFFEF7, lr;
	s5 =	simm.s32 $0xFFFFFFFF;
	p2 =	slt.u32 s8, $0xFFFFF086  }
0x1c: {  	p1 =	slt.u32 s9, $0xF7A;
	s5 =	simm.s32 @!p2 $0x0  }
0x1d: {  	s5 =	simm.s32 @p1 $0x1;
	p0 =	seq.s32 s7, s2  }
0x1e: {  	s7 =	smul.u32 @!p0 $0xF7A, s2;
	p2 =	seq.s32 @!p0 s5, $0x0  }
0x1f: {  	s9 =	smul.u32 $0xF7A, s1;
	s8 =	simm.s32 @!p0 $0x1BF5;
	p2 =	por !p2, p0  }
0x20: {  	[sflag:s8] =	ssyncset.s32 @!p0 $0xFFFFF086;
	s6 =	sadd.s32 @!p0 s3, s7;
	s7 =	simm.s32 @!p0 $0x108  }
0x21: {  	s3 =	sadd.s32 s3, s9;
	s6 =	sadd.s32 @!p0 $0x88, s6;
	s7 =	simm.s32 @p2 $0x1082  }
0x22: {  	[simem:s7], [sflag:s8] =	dma.local @!p0 [hbm:s6], $0xF7A  }
0x23: {  	s9 =	sor.u32 $0xD0000000, s2;
	s6 =	simm.s32 $0x108;
	_ =	swait.ge @!p0 [sflag:s8], $0x0  }
0x24: {  	s3 =	sadd.s32 $0x88, s3;
	s6 =	simm.s32 @!p1 $0x1082;
	[sflag:s4] =	ssyncset.s32 $0xFFFFF086  }
0x25: {  	[simem:s6], [sflag:s4] =	dma.local [hbm:s3], $0xF7A  }
0x26: {  	[smem:$0x3F9B] =	sst s1;
	(tag) =	ssettag s2;
	_ =	strace s9  }
0x27: {  	s1 =	sld [smem:$0x3FAB]  }
0x28: {  	s2 =	sld [smem:$0x3FAC]  }
0x29: {  	s4 =	sld [smem:$0x3FAE]  }
0x2a: {  	p0 =	seq.s32 s5, $0x0;
	s5 =	sld [smem:$0x3FAF]  }
0x2b: {  	s6 =	sld [smem:$0x3FB0]  }
0x2c: {  	s7 =	sld [smem:$0x3FB1]  }
0x2d: {  	s3 =	simm.s32 $0x108;
	s8 =	sld [smem:$0x3FB2]  }
0x2e: {  	s3 =	simm.s32 @!p0 $0x1082;
	s9 =	sld [smem:$0x3FB3]  }
0x2f: {  	lr =	sadd.s32 s0, s3;
	s0 =	sld [smem:$0x3FAA]  }
0x30: {  	s3 =	sld [smem:$0x3FAD]  }
0x31: {  	[smem:$0x3FB6] =	sst s10  }
0x32: {  	s10 =	sld [smem:$0x3FB4];
	_ =	sdelay $0x3  }
0x33: {  	p0 =	seq.s32 s10, $0x1;
	s10 =	sld [smem:$0x3FB6];
	_ =	sdelay $0x3  }
0x34: {  	[smem:$0x3FB6] =	sst s10  }
0x35: {  	s10 =	sld [smem:$0x3FB5];
	_ =	sdelay $0x3  }
0x36: {  	p1 =	seq.s32 s10, $0x1;
	s10 =	sld [smem:$0x3FB6];
	_ =	sdelay $0x3  }
0x37: {  	[smem:$0x3FB6] =	sst s10  }
0x38: {  	s10 =	sld [smem:$0x3FB7]  }
0x39: {  	_ = 	snop;
	(pc) =	sbr.ind lr, $3  }
0x3a: {  	_ = 	snop  }
0x3b: {  	_ = 	snop  }
0x3c: {  	p2 =	seq.s32 s10, $0x1;
	s10 =	sld [smem:$0x3FB6]  }
0x3d: {  	_ =	shalt  }
0x3e: {  	_ =	shalt  }
0x3f: {  	_ =	shalt  }
0x40: {  	_ =	shalt  }
0x41: {  	_ =	shalt  }
0x42: {  	_ =	shalt  }
0x43: {  	_ =	shalt  }
0x44: {  	_ =	shalt  }
0x45: {  	_ =	shalt  }
0x46: {  	_ =	shalt  }
0x47: {  	_ =	shalt  }
0x48: {  	_ =	shalt  }
0x49: {  	_ =	shalt  }
0x4a: {  	_ =	shalt  }
0x4b: {  	_ =	shalt  }
0x4c: {  	_ =	shalt  }
0x4d: {  	_ =	shalt  }
0x4e: {  	_ =	shalt  }
0x4f: {  	_ =	shalt  }
0x50: {  	_ =	shalt  }
0x51: {  	_ =	shalt  }
0x52: {  	_ =	shalt  }
0x53: {  	_ =	shalt  }
0x54: {  	_ =	shalt  }
0x55: {  	_ =	shalt  }
0x56: {  	_ =	shalt  }
0x57: {  	_ =	shalt  }
0x58: {  	_ =	shalt  }
0x59: {  	_ =	shalt  }
0x5a: {  	_ =	shalt  }
0x5b: {  	_ =	shalt  }
0x5c: {  	_ =	shalt  }
0x5d: {  	_ =	shalt  }
0x5e: {  	_ =	shalt  }
0x5f: {  	_ =	shalt  }
0x60: {  	_ =	shalt  }
0x61: {  	_ =	shalt  }
0x62: {  	_ =	shalt  }
0x63: {  	_ =	shalt  }
0x64: {  	_ =	shalt  }
0x65: {  	_ =	shalt  }
0x66: {  	_ =	shalt  }
0x67: {  	_ =	shalt  }
0x68: {  	_ =	shalt  }
0x69: {  	_ =	shalt  }
0x6a: {  	_ =	shalt  }
0x6b: {  	_ =	shalt  }
0x6c: {  	_ =	shalt  }
0x6d: {  	_ =	shalt  }
0x6e: {  	_ =	shalt  }
0x6f: {  	_ =	shalt  }
0x70: {  	_ =	shalt  }
0x71: {  	_ =	shalt  }
0x72: {  	_ =	shalt  }
0x73: {  	_ =	shalt  }
0x74: {  	_ =	shalt  }
0x75: {  	_ =	shalt  }
0x76: {  	_ =	shalt  }
0x77: {  	_ =	shalt  }
0x78: {  	_ =	shalt  }
0x79: {  	_ =	shalt  }
0x7a: {  	_ =	shalt  }
0x7b: {  	_ =	shalt  }
0x7c: {  	_ =	shalt  }
0x7d: {  	_ =	shalt  }
0x7e: {  	_ =	shalt  }
0x7f: {  	_ =	shalt  }
0x80: {  	_ =	shalt  }
0x81: {  	_ =	shalt  }
0x82: {  	_ =	shalt  }
0x83: {  	_ =	shalt  }
0x84: {  	_ =	shalt  }
0x85: {  	_ =	shalt  }
0x86: {  	_ =	shalt  }
0x87: {  	_ =	shalt  }
.Lfunc_end0:
.L_simem_size_0:
called_computation.1_lowered:
.L_overlay_start_0:
0x88: {  	s2 =	sld [smem:$0x3FD9]  }
0x89: {  	s3 =	sld [smem:$0x3FFE];
	_ =	sdelay $0x1  }
0x8a: {  	s1 =	srdreg.scid  }
0x8b: {  	s0 =	sand.u32 $0x1, s1  }
0x8c: {  	s17 =	sshll.u32 s0, $0xA;
	s2 =	sadd.s32 s3, s2  }
0x8d: {  	s2 =	sadd.s32 s2, s17  }
0x8e: {  	[smem:$0x3FC2] =	sst s2  }
0x8f: {  	_ = 	snop  }
0x90: {  	s2 =	sld [smem:$0x3FD0];
	(tm) =	ssettm $0x1  }
0x91: {  	s18 =	sld [smem:$0x3FFB];
	_ =	sdelay $0x3  }
0x92: {  	_ =	strace s18  }
0x93: {  	s3 =	sld [smem:$0x3FFC];
	_ =	sdelay $0x3  }
0x94: {  	_ =	strace s3  }
0x95: {  	s3 =	sld [smem:$0x3FFD];
	_ =	sdelay $0x3  }
0x96: {  	_ =	strace s3  }
0x97: {  	_ =	strace $0x8FFFFFFF  }
0x98: {  	s19 =	sld [smem:$0x3FDB];
	_ =	sdelay $0x1  }
0x99: {  	s4 =	simm.s32 $_scs_section_size  }
0x9a: {  	s5 =	simm.s32 $_size__tile_overlayer_lowered;
	s6 =	simm.s32 $_tile_overlayer_lowered  }
0x9b: {  	s22 =	simm.s32 $0x1BFF;
	s21 =	sshll.u32 s6, $0x1;
	s3 =	sadd.s32 s4, s19  }
0x9c: {  	s7 =	simm.s32 $0x0;
	s20 =	sshll.u32 s5, $0x1;
	s5 =	sadd.s32 s21, s3  }
0x9d: {  	[timem:s7], [sflag:s22] =	dma.local [hbm:s5], s20  }
0x9e: {  	_ =	swait.ge [sflag:s22], s20  }
0x9f: {  	s4 =	ssub.s32 $0x0, s20;
	[sflag:s22] =	ssyncset.done $0x0  }
0xa0: {  	[sflag:s22] =	ssyncadd.s32 s4;
	_ =	sdelay $0x1  }
0xa1: {  	s23 =	simm.s32 $0x1B8B  }
0xa2: {  	_ =	swait.ge [sflag:s23], $0x1  }
0xa3: {  	[sflag:s23] =	ssyncset.done $0x0  }
0xa4: {  	s25 =	simm.s32 $0x1B8E;
	s24 =	sld [smem:$0x3FFE];
	[sflag:s23] =	ssyncadd.s32 $0xFFFFFFFF  }
0xa5: {  	s26 =	simm.s32 $execute0_lowered;
	[smem:$0x3FD2] =	sst s25  }
0xa6: {  	s5 =	sshll.u32 s26, $0x1;
	_ =	strace $0x80000049;
	[dreg:$0x1] =	wrdreg $0xFFFFFFFF  }
0xa7: {  	s28 =	simm.s32 $_size_execute0_lowered;
	s3 =	sadd.s32 s3, s5;
	[dreg:$0x0] =	wrdreg $0x0  }
0xa8: {  	s5 =	sshll.u32 s28, $0x1;
	[dreg:$0x2] =	wrdreg s3  }
0xa9: {  	[dreg:$0x3] =	wrdreg s5  }
0xaa: {  	[dreg:$0x4] =	wrdreg $0xC0  }
0xab: {  	_ =	task [dreg:s7], $0x5FFFF  }
0xac: {  	[dreg:$0x1] =	wrdreg $0xFFFFFFFF  }
0xad: {  	[dreg:$0x0] =	wrdreg $0x60  }
0xae: {  	[dreg:$0x2] =	wrdreg s24  }
0xaf: {  	[dreg:$0x3] =	wrdreg s2  }
0xb0: {  	[dreg:$0x4] =	wrdreg $0xB8000  }
0xb1: {  	[dreg:$0x5] =	wrdreg $0x9  }
0xb2: {  	_ =	task.clear_ibuf [dreg:s7], $0x6FFFF;
	_ =	strace $0x90000049  }
0xb3: {  	s29 =	simm.s32 $0x9;
	_ =	strace $0x8000004B  }
0xb4: {  	_ =	swait.ge [sflag:s29], $0x1  }
0xb5: {  	[sflag:s29] =	ssyncadd.s32 $0xFFFFFFFF  }
0xb6: {  	_ =	strace $0x9000004B  }
0xb7: {  	_ =	sfence  }
0xb8: {  	s30 =	sld [smem:$0x0];
	_ =	sdelay $0x2  }
0xb9: {  	s31 =	sshll.u32 s1, $0xD;
	s1 =	sshrl.u32 s1, $0x2  }
0xba: {  	s3 =	sand.u32 $0x4000, s31;
	s1 =	sadd.s32 s1, s30  }
0xbb: {  	s0 =	sor.u32 s3, s0;
	s1 =	sshll.u32 s1, $0x11  }
0xbc: {  	s0 =	sor.u32 s1, s0  }
0xbd: {  	s0 =	sadd.s32 $0x8F2B, s0  }
0xbe: {  	[sflag:s0] =	ssyncadd.remote.s32 $0x1  }
0xbf: {  	_ =	sfence.sel $0xFFFF  }
0xc0: {  	[dreg:$0x0] =	wrdreg $0xFFFFFFFF;
	(pc) =	sbr.abs _section_cstart, $3  }
0xc1: {  	[dreg:$0x1] =	wrdreg $0xFFFFFFFF  }
0xc2: {  	_ =	task.clear_ibuf [dreg:s7], $0x2FFFF;
	_ =	strace $0x9FFFFFFF  }
0xc3: {  	(tm) =	ssettm $0x7FFFFFFF  }
tec
execute0_lowered:
.L_overlay_start_1:
0x0: {  	(tag) =	ssettag $0x1  }
0x1: {  	s0 =	srdreg.scid  }
0x2: {  	s1 =	rddreg [dreg:$0x0];
	s10 =	stileid.u32  }
0x3: {  	s6 =	rddreg [dreg:$0x1];
	s19 =	simm.s32 $0x5;
	s21 =	simm.s32 $0x6800  }
0x4: {  	s22 =	simm.s32 $0x28;
	s23 =	simm.s32 $0x7C00;
	s28 =	simm.s32 $0xA400  }
0x5: {  	s29 =	simm.s32 $0x1;
	s30 =	simm.s32 $0x2;
	s31 =	simm.s32 $0x3  }
0x6: {  	s18 =	simm.s32 $0x0;
	s0 =	sand.u32 $0x1, s0;
	s9 =	smul.u32 $0x13C00, s10  }
0x7: {  	s7 =	sshll.u32 s10, $0x7;
	s24 =	smul.u32 $0x4F000, s10;
	s2 =	sshll.u32 s0, $0x4  }
0x8: {  	s8 =	smul.u32 $0x13C000, s0;
	s7 =	sand.u32 $0x380, s7;
	s0 =	ssub.s32 $0x2, s0  }
0x9: {  	s5 =	sor.u32 s10, s2;
	s2 =	rddreg [dreg:$0x2];
	s25 =	sshrl.u32 s0, $0x1  }
0xa: {  	s3 =	sshrl.u32 s5, $0x3;
	s8 =	sadd.s32 s9, s8;
	s0 =	ssub.s32 s0, s25  }
0xb: {  	s26 =	sshll.u32 s5, $0xB;
	s9 =	sshrl.u32 s24, $0x2;
	s4 =	smul.u32 $0x14000, s3  }
0xc: {  	s24 =	simm.s32 $0x50;
	s25 =	simm.s32 $0x9000;
	s3 =	simm.s32 $0x0  }
0xd: {  	s8 =	sshrl.u32 s8, $0x3;
	s6 =	sadd.s32 s6, s26;
	s7 =	sor.u32 s7, s4  }
0xe: {  	s16 =	smax.u32 s0, $0x1;
	[smem:$0x7FF] =	sst s3;
	s7 =	sshrl.u32 s7, $0x3  }
0xf: {  	_ =	strace $0x8000004A;
	s4 =	sadd.s32 $0x5CA00, s1;
	s7 =	sadd.s32 s7, s1  }
0x10: {  	s1 =	sadd.s32 s8, s1;
	s5 =	sadd.s32 $0x3A00, s7;
	s7 =	sadd.s32 s9, s2  }
0x11: {  	s15 =	sadd.s32 $0x84200, s1;
	s1 =	simm.s32 $0x4;
	s8 =	sadd.s32 $0x2800, s7  }
0x12: {  	s9 =	sadd.s32 $0x5000, s7;
	s10 =	sadd.s32 $0x7800, s7;
	s11 =	sadd.s32 $0xA000, s7  }
0x13: {  	v0 =	vimm.f32 $0.0e+00;
	s12 =	sadd.s32 $0xC800, s7;
	s13 =	sadd.s32 $0xF000, s7;
	s14 =	sadd.s32 $0x11800, s7  }
.LBB2_1:
0x14: {  	s0 =	simm.s32 $0x80;
	s17 =	simm.s32 $0x400  }
0x15: {  	[tilespmem:s3], [sflag:$0x5] =	stream.strided.gather [hbm4b:s5+s0], $0x2800, s17, s0, $0x38;
	[tilespmem:$0x1F400] =	vst v63  }
0x16: {  	_ =	swait.ge [sflag:s19], $0x2800  }
0x17: {  	[sflag:s19] =	ssyncset.done $0x0  }
0x18: {  	s17 =	simm.s32 $0x2800;
	[sflag:s19] =	ssyncadd.s32 $0xFFFFD800  }
0x19: {  	[tilespmem:s17], [sflag:$0x5] =	stream.linear.gather [hbm4b:s6+s3], $0x4000, $0x38;
	[tilespmem:$0x1F400] =	vst v63  }
0x1a: {  	s20 =	sand.u32 $0xFE00, s3;
	s26 =	sand.u32 $0x70, s3;
	_ =	swait.ge [sflag:s19], $0x4000  }
0x1b: {  	s0 =	sshrl.u32 s20, $0x2;
	s20 =	simm.s32 $0x40;
	[sflag:s19] =	ssyncset.done $0x0  }
0x1c: {  	s0 =	sor.u32 s26, s0;
	s26 =	simm.s32 $0x0;
	[sflag:s19] =	ssyncadd.s32 $0xFFFFC000  }
.LBB2_2:
0x1d: {  	p0 =	sne.s32 s20, $0x9FC0  }
0x1e: {  	[tilespmem:s0+$0x6800] =	vst v0;
	s26 =	sadd.s32 $0x10, s26;
	s0 =	smov.u32 s20;
	s20 =	sadd.s32 $0x40, s20  }
.Ltmp0:
0x1f: {  	(pc) =	sbr.rel @p0 .LBB2_2-.Ltmp0, $4  }
0x20: {  	_ = 	snop  }
0x21: {  	s0 =	sand.u32 $0xFE00, s0  }
0x22: {  	s17 =	sand.u32 $0x70, s26;
	s0 =	sshrl.u32 s0, $0x2  }
0x23: {  	s0 =	sor.u32 s17, s0  }
0x24: {  	[tilespmem:s0+$0x6800] =	vst v0  }
0x25: {  	[spmem:s7] =	stream.linear.scatter [tilespmem:s21], [sflag:$0x5], $0x2800, $0x38;
	[tilespmem:$0x1F400] =	vst v63  }
0x26: {  	_ =	swait.ge [sflag:s19], $0x2800  }
0x27: {  	[sflag:s19] =	ssyncset.done $0x0  }
0x28: {  	[sflag:s19] =	ssyncadd.s32 $0xFFFFD800  }
0x29: {  	[spmem:s8] =	stream.linear.scatter [tilespmem:s21], [sflag:$0x5], $0x2800, $0x38;
	[tilespmem:$0x1F400] =	vst v63  }
0x2a: {  	_ =	swait.ge [sflag:s19], $0x2800  }
0x2b: {  	[sflag:s19] =	ssyncset.done $0x0  }
0x2c: {  	[sflag:s19] =	ssyncadd.s32 $0xFFFFD800  }
0x2d: {  	[spmem:s9] =	stream.linear.scatter [tilespmem:s21], [sflag:$0x5], $0x2800, $0x38;
	[tilespmem:$0x1F400] =	vst v63  }
0x2e: {  	_ =	swait.ge [sflag:s19], $0x2800  }
0x2f: {  	[sflag:s19] =	ssyncset.done $0x0  }
0x30: {  	[sflag:s19] =	ssyncadd.s32 $0xFFFFD800  }
0x31: {  	[spmem:s10] =	stream.linear.scatter [tilespmem:s21], [sflag:$0x5], $0x2800, $0x38;
	[tilespmem:$0x1F400] =	vst v63  }
0x32: {  	_ =	swait.ge [sflag:s19], $0x2800  }
0x33: {  	[sflag:s19] =	ssyncset.done $0x0  }
0x34: {  	[sflag:s19] =	ssyncadd.s32 $0xFFFFD800  }
0x35: {  	[spmem:s11] =	stream.linear.scatter [tilespmem:s21], [sflag:$0x5], $0x2800, $0x38;
	[tilespmem:$0x1F400] =	vst v63  }
0x36: {  	_ =	swait.ge [sflag:s19], $0x2800  }
0x37: {  	[sflag:s19] =	ssyncset.done $0x0  }
0x38: {  	[sflag:s19] =	ssyncadd.s32 $0xFFFFD800  }
0x39: {  	[spmem:s12] =	stream.linear.scatter [tilespmem:s21], [sflag:$0x5], $0x2800, $0x38;
	[tilespmem:$0x1F400] =	vst v63  }
0x3a: {  	_ =	swait.ge [sflag:s19], $0x2800  }
0x3b: {  	[sflag:s19] =	ssyncset.done $0x0  }
0x3c: {  	[sflag:s19] =	ssyncadd.s32 $0xFFFFD800  }
0x3d: {  	[spmem:s13] =	stream.linear.scatter [tilespmem:s21], [sflag:$0x5], $0x2800, $0x38;
	[tilespmem:$0x1F400] =	vst v63  }
0x3e: {  	_ =	swait.ge [sflag:s19], $0x2800  }
0x3f: {  	[sflag:s19] =	ssyncset.done $0x0  }
0x40: {  	[sflag:s19] =	ssyncadd.s32 $0xFFFFD800  }
0x41: {  	[spmem:s14] =	stream.linear.scatter [tilespmem:s21], [sflag:$0x5], $0x2400, $0x38;
	[tilespmem:$0x1F400] =	vst v63  }
0x42: {  	_ =	swait.ge [sflag:s19], $0x2400  }
0x43: {  	[sflag:s19] =	ssyncset.done $0x0  }
0x44: {  	s26 =	simm.s32 $0x0;
	[sflag:s19] =	ssyncadd.s32 $0xFFFFDC00  }
0x45: {  	[tilespmem:s21], [sflag:$0x1] =	stream.indirect.gather [hbm4b:s4+s22], $0x80, s26, s22, $0xb8;
	[tilespmem:$0x1F400] =	vst v63  }
0x46: {  	_ = 	snop  }
0x47: {  	[tilespmem:s23], [sflag:$0x1] =	stream.indirect.gather [hbm4b:s4+s22], $0x80, s22, s22, $0xb8;
	[tilespmem:$0x1F400] =	vst v63  }
0x48: {  	_ = 	snop  }
0x49: {  	[tilespmem:s25], [sflag:$0x2] =	stream.indirect.gather [hbm4b:s4+s22], $0x80, s24, s22, $0xb8;
	[tilespmem:$0x1F400] =	vst v63  }
0x4a: {  	s17 =	simm.s32 $0x78  }
0x4b: {  	[tilespmem:s28], [sflag:$0x2] =	stream.indirect.gather [hbm4b:s4+s22], $0x80, s17, s22, $0xb8;
	[tilespmem:$0x1F400] =	vst v63  }
0x4c: {  	[bflag:$0x0] =	sbarrier.arrive $0xFFFF  }
0x4d: {  	_ =	swait.ge [sflag:s29], $0x2800  }
0x4e: {  	[sflag:s29] =	ssyncset.done $0x0  }
0x4f: {  	s20 =	simm.s32 $0x2800;
	[sflag:s29] =	ssyncadd.s32 $0xFFFFD800  }
0x50: {  	[spmem:s2] =	stream.indirect.scatter.add.f32 [tilespmem:s21], [sflag:$0x3], $0x80, s20, s24, $0xb8;
	[tilespmem:$0x1F400] =	vst v63  }
0x51: {  	_ =	swait.ge [sflag:s30], $0x2800  }
0x52: {  	[sflag:s30] =	ssyncset.done $0x0  }
0x53: {  	s26 =	simm.s32 $0x2880;
	[sflag:s30] =	ssyncadd.s32 $0xFFFFD800  }
0x54: {  	[spmem:s2] =	stream.indirect.scatter.add.f32 [tilespmem:s25], [sflag:$0x4], $0x80, s26, s24, $0xb8;
	[tilespmem:$0x1F400] =	vst v63  }
0x55: {  	_ =	swait.ge [sflag:s31], $0x2800  }
0x56: {  	[sflag:s31] =	ssyncset.done $0x0  }
0x57: {  	s17 =	simm.s32 $0xA0;
	[sflag:s31] =	ssyncadd.s32 $0xFFFFD800  }
0x58: {  	[tilespmem:s21], [sflag:$0x1] =	stream.indirect.gather [hbm4b:s4+s22], $0x80, s17, s22, $0xb8;
	[tilespmem:$0x1F400] =	vst v63  }
0x59: {  	s20 =	simm.s32 $0xC8  }
0x5a: {  	[tilespmem:s23], [sflag:$0x1] =	stream.indirect.gather [hbm4b:s4+s22], $0x80, s20, s22, $0xb8;
	[tilespmem:$0x1F400] =	vst v63  }
0x5b: {  	_ =	swait.ge [sflag:s1], $0x2800  }
0x5c: {  	[sflag:s1] =	ssyncset.done $0x0  }
0x5d: {  	s26 =	simm.s32 $0xF0;
	[sflag:s1] =	ssyncadd.s32 $0xFFFFD800  }
0x5e: {  	[tilespmem:s25], [sflag:$0x2] =	stream.indirect.gather [hbm4b:s4+s22], $0x80, s26, s22, $0xb8;
	[tilespmem:$0x1F400] =	vst v63  }
0x5f: {  	s0 =	simm.s32 $0x118;
	s20 =	simm.s32 $0x280;
	s26 =	simm.s32 $0x2980  }
.LBB2_4:
0x60: {  	[tilespmem:s28], [sflag:$0x2] =	stream.indirect.gather [hbm4b:s4+s22], $0x80, s0, s22, $0xb8;
	[tilespmem:$0x1F400] =	vst v63  }
0x61: {  	s0 =	smov.u32 s20  }
0x62: {  	p0 =	sne.s32 s20, $0x9B00;
	s20 =	sadd.s32 $0x280, s20;
	_ =	swait.ge [sflag:s29], $0x2800  }
0x63: {  	[sflag:s29] =	ssyncset.done $0x0  }
0x64: {  	s17 =	sadd.s32 $0xFFFFFF80, s26;
	[sflag:s29] =	ssyncadd.s32 $0xFFFFD800  }
0x65: {  	[spmem:s2] =	stream.indirect.scatter.add.f32 [tilespmem:s21], [sflag:$0x3], $0x80, s17, s24, $0xb8;
	[tilespmem:$0x1F400] =	vst v63  }
0x66: {  	_ =	swait.ge [sflag:s30], $0x2800  }
0x67: {  	[sflag:s30] =	ssyncset.done $0x0  }
0x68: {  	[sflag:s30] =	ssyncadd.s32 $0xFFFFD800  }
0x69: {  	[spmem:s2] =	stream.indirect.scatter.add.f32 [tilespmem:s25], [sflag:$0x4], $0x80, s26, s24, $0xb8;
	[tilespmem:$0x1F400] =	vst v63  }
0x6a: {  	_ =	swait.ge [sflag:s31], $0x2800  }
0x6b: {  	s0 =	sshra.s32 s0, $0x2;
	[sflag:s31] =	ssyncset.done $0x0  }
0x6c: {  	s17 =	sadd.s32 $0xA0, s0;
	[sflag:s31] =	ssyncadd.s32 $0xFFFFD800  }
0x6d: {  	[tilespmem:s21], [sflag:$0x1] =	stream.indirect.gather [hbm4b:s4+s22], $0x80, s17, s22, $0xb8;
	[tilespmem:$0x1F400] =	vst v63  }
0x6e: {  	s17 =	sadd.s32 $0xC8, s0  }
0x6f: {  	[tilespmem:s23], [sflag:$0x1] =	stream.indirect.gather [hbm4b:s4+s22], $0x80, s17, s22, $0xb8;
	[tilespmem:$0x1F400] =	vst v63  }
.Ltmp1:
0x70: {  	_ =	swait.ge [sflag:s1], $0x2800;
	(pc) =	sbr.rel @p0 .LBB2_4-.Ltmp1, $4  }
0x71: {  	[sflag:s1] =	ssyncset.done $0x0  }
0x72: {  	s17 =	sadd.s32 $0xF0, s0;
	[sflag:s1] =	ssyncadd.s32 $0xFFFFD800  }
0x73: {  	[tilespmem:s25], [sflag:$0x2] =	stream.indirect.gather [hbm4b:s4+s22], $0x80, s17, s22, $0xb8;
	[tilespmem:$0x1F400] =	vst v63  }
0x74: {  	s26 =	sadd.s32 $0x100, s26;
	s0 =	sadd.s32 $0x118, s0  }
0x75: {  	[tilespmem:s28], [sflag:$0x2] =	stream.indirect.gather [hbm4b:s4+s22], $0x80, s0, s22, $0xb8;
	[tilespmem:$0x1F400] =	vst v63  }
0x76: {  	_ =	swait.ge [sflag:s29], $0x2800  }
0x77: {  	[sflag:s29] =	ssyncset.done $0x0  }
0x78: {  	s17 =	simm.s32 $0x6700;
	[sflag:s29] =	ssyncadd.s32 $0xFFFFD800  }
0x79: {  	[spmem:s2] =	stream.indirect.scatter.add.f32 [tilespmem:s21], [sflag:$0x3], $0x80, s17, s24, $0xb8;
	[tilespmem:$0x1F400] =	vst v63  }
0x7a: {  	_ =	swait.ge [sflag:s30], $0x2800  }
0x7b: {  	[sflag:s30] =	ssyncset.done $0x0  }
0x7c: {  	s20 =	simm.s32 $0x6780;
	[sflag:s30] =	ssyncadd.s32 $0xFFFFD800  }
0x7d: {  	[spmem:s2] =	stream.indirect.scatter.add.f32 [tilespmem:s25], [sflag:$0x4], $0x80, s20, s24, $0xb8;
	[tilespmem:$0x1F400] =	vst v63  }
0x7e: {  	_ =	swait.ge [sflag:s31], $0x2800  }
0x7f: {  	[sflag:s31] =	ssyncset.done $0x0  }
0x80: {  	[sflag:s31] =	ssyncadd.s32 $0xFFFFD800  }
0x81: {  	s26 =	stileid.u32;
	_ =	swait.ge [sflag:s1], $0x2800  }
0x82: {  	s18 =	sadd.s32 $0x1, s18;
	s0 =	sshll.u32 s26, $0x6;
	[sflag:s1] =	ssyncset.done $0x0  }
0x83: {  	p0 =	sne.s32 s18, s16;
	s0 =	sor.u32 $0x1C05, s0;
	[sflag:s1] =	ssyncadd.s32 $0xFFFFD800  }
.Ltmp2:
0x84: {  	s17 =	sshrl.u32 s7, $0x3;
	[bflag:$0x0] =	sbarrier.arrive $0xFFFF;
	(pc) =	sbr.rel @p0 .LBB2_1-.Ltmp2, $4  }
0x85: {  	[hbm:s15], [sflag:s0] =	dma.local [spmem:s17], $0x2780  }
0x86: {  	_ =	swait.ge [sflag:s19], $0x2780  }
0x87: {  	[sflag:s19] =	ssyncset.done $0x0  }
0x88: {  	[sflag:s19] =	ssyncadd.s32 $0xFFFFD880  }
0x89: {  	_ =	sfence.sel $0x180000  }
0x8a: {  	[bflag:$0x0] =	sbarrier.arrive $0xFFFF  }
0x8b: {  	_ =	strace $0x9000004A  }
0x8c: {  	s0 =	stileid.u32;
	[bflag:$0x2] =	sbarrier.arrive $0xFFFF  }
0x8d: {  	p0 =	sne.s32 s0, $0x0;
	s0 =	rddreg [dreg:$0x3]  }
0x8e: {  	s0 =	sadd.s32 @!p0 $0x100000, s0  }
0x8f: {  	[sflag:s0] =	ssyncadd.tile.s32 @!p0 $0x1;
	_ =	shalt  }
.Lfunc_end2:
_tile_overlayer_lowered:
.L_overlay_start_2:
0x90: {  	(tag) =	ssettag $0x2  }
0x91: {  	s0 =	rddreg [dreg:$0x0];
	s2 =	stileid.u32  }
0x92: {  	s1 =	rddreg [dreg:$0x1];
	p0 =	sne.s32 s2, $0x0  }
0x93: {  	s3 =	rddreg [dreg:$0x2];
	[bflag:$0x3] =	sbarrier.arrive $0xFFFF;
	s2 =	simm.s32 @!p0 $0x1C05  }
0x94: {  	[timem:s3], [sflag:s2] =	dma.local @!p0 [hbm:s0], s1  }
0x95: {  	s0 =	simm.s32 @!p0 $0x5  }
0x96: {  	_ =	swait.ge @!p0 [sflag:s0], s1  }
0x97: {  	s1 =	ssub.s32 @!p0 $0x0, s1;
	[sflag:s0] =	ssyncset.done @!p0 $0x0  }
0x98: {  	[sflag:s0] =	ssyncadd.s32 @!p0 s1  }
0x99: {  	[bflag:$0x3] =	sbarrier.arrive $0xFFFF  }
0x9a: {  	_ =	shalt  }

// kernel: kernel.15.cloned.1.call-start
scs
__scs_entry_jumppad:
0x0: {  	(pc) =	sbr.rel $0x88, $3  }
0x1: {  	(tag) =	ssettag $0x0;
	lr =	simm.s32 $0x1  }
0x2: {  	[smem:$0x3F9B] =	sst lr;
	_ =	strace $0xD0000000  }
0x3: {  	_ = 	snop  }
0x4: {  	_ = 	snop  }
0x5: {  	_ = 	snop  }
0x6: {  	_ = 	snop  }
0x7: {  	_ = 	snop  }
__scs_overlays_trampoline_lowered:
0x8: {  	[smem:$0x3FAA] =	sst s0  }
0x9: {  	[smem:$0x3FAB] =	sst s1  }
0xa: {  	[smem:$0x3FAC] =	sst s2  }
0xb: {  	[smem:$0x3FAD] =	sst s3  }
0xc: {  	[smem:$0x3FAE] =	sst s4  }
0xd: {  	[smem:$0x3FAF] =	sst s5  }
0xe: {  	[smem:$0x3FB0] =	sst s6  }
0xf: {  	[smem:$0x3FB1] =	sst s7  }
0x10: {  	[smem:$0x3FB2] =	sst s8  }
0x11: {  	[smem:$0x3FB3] =	sst s9;
	s0 =	simm.s32 @!p0 $0x0  }
0x12: {  	s1 =	sld [smem:$0x3F99];
	s0 =	simm.s32 @p0 $0x1  }
0x13: {  	[smem:$0x3FB4] =	sst s0;
	s0 =	simm.s32 @!p1 $0x0  }
0x14: {  	s2 =	sld [smem:$0x3F98];
	s0 =	simm.s32 @p1 $0x1  }
0x15: {  	[smem:$0x3FB5] =	sst s0;
	s0 =	simm.s32 @!p2 $0x0  }
0x16: {  	s3 =	sld [smem:$0x3FDB];
	s0 =	simm.s32 @p2 $0x1  }
0x17: {  	s4 =	simm.s32 $0x1BF5;
	[smem:$0x3FB7] =	sst s0  }
0x18: {  	s0 =	sld [smem:$0x3F9A];
	_ =	swait.ge [sflag:s4], $0x0  }
0x19: {  	s7 =	sld [smem:$0x3F9B]  }
0x1a: {  	s8 =	sadd.s32 $0xFFFFE003, lr  }
0x1b: {  	s9 =	sadd.s32 $0xFFFFFEF7, lr;
	s5 =	simm.s32 $0xFFFFFFFF;
	p2 =	slt.u32 s8, $0xFFFFF086  }
0x1c: {  	p1 =	slt.u32 s9, $0xF7A;
	s5 =	simm.s32 @!p2 $0x0  }
0x1d: {  	s5 =	simm.s32 @p1 $0x1;
	p0 =	seq.s32 s7, s2  }
0x1e: {  	s7 =	smul.u32 @!p0 $0xF7A, s2;
	p2 =	seq.s32 @!p0 s5, $0x0  }
0x1f: {  	s9 =	smul.u32 $0xF7A, s1;
	s8 =	simm.s32 @!p0 $0x1BF5;
	p2 =	por !p2, p0  }
0x20: {  	[sflag:s8] =	ssyncset.s32 @!p0 $0xFFFFF086;
	s6 =	sadd.s32 @!p0 s3, s7;
	s7 =	simm.s32 @!p0 $0x108  }
0x21: {  	s3 =	sadd.s32 s3, s9;
	s6 =	sadd.s32 @!p0 $0x88, s6;
	s7 =	simm.s32 @p2 $0x1082  }
0x22: {  	[simem:s7], [sflag:s8] =	dma.local @!p0 [hbm:s6], $0xF7A  }
0x23: {  	s9 =	sor.u32 $0xD0000000, s2;
	s6 =	simm.s32 $0x108;
	_ =	swait.ge @!p0 [sflag:s8], $0x0  }
0x24: {  	s3 =	sadd.s32 $0x88, s3;
	s6 =	simm.s32 @!p1 $0x1082;
	[sflag:s4] =	ssyncset.s32 $0xFFFFF086  }
0x25: {  	[simem:s6], [sflag:s4] =	dma.local [hbm:s3], $0xF7A  }
0x26: {  	[smem:$0x3F9B] =	sst s1;
	(tag) =	ssettag s2;
	_ =	strace s9  }
0x27: {  	s1 =	sld [smem:$0x3FAB]  }
0x28: {  	s2 =	sld [smem:$0x3FAC]  }
0x29: {  	s4 =	sld [smem:$0x3FAE]  }
0x2a: {  	p0 =	seq.s32 s5, $0x0;
	s5 =	sld [smem:$0x3FAF]  }
0x2b: {  	s6 =	sld [smem:$0x3FB0]  }
0x2c: {  	s7 =	sld [smem:$0x3FB1]  }
0x2d: {  	s3 =	simm.s32 $0x108;
	s8 =	sld [smem:$0x3FB2]  }
0x2e: {  	s3 =	simm.s32 @!p0 $0x1082;
	s9 =	sld [smem:$0x3FB3]  }
0x2f: {  	lr =	sadd.s32 s0, s3;
	s0 =	sld [smem:$0x3FAA]  }
0x30: {  	s3 =	sld [smem:$0x3FAD]  }
0x31: {  	[smem:$0x3FB6] =	sst s10  }
0x32: {  	s10 =	sld [smem:$0x3FB4];
	_ =	sdelay $0x3  }
0x33: {  	p0 =	seq.s32 s10, $0x1;
	s10 =	sld [smem:$0x3FB6];
	_ =	sdelay $0x3  }
0x34: {  	[smem:$0x3FB6] =	sst s10  }
0x35: {  	s10 =	sld [smem:$0x3FB5];
	_ =	sdelay $0x3  }
0x36: {  	p1 =	seq.s32 s10, $0x1;
	s10 =	sld [smem:$0x3FB6];
	_ =	sdelay $0x3  }
0x37: {  	[smem:$0x3FB6] =	sst s10  }
0x38: {  	s10 =	sld [smem:$0x3FB7]  }
0x39: {  	_ = 	snop;
	(pc) =	sbr.ind lr, $3  }
0x3a: {  	_ = 	snop  }
0x3b: {  	_ = 	snop  }
0x3c: {  	p2 =	seq.s32 s10, $0x1;
	s10 =	sld [smem:$0x3FB6]  }
0x3d: {  	_ =	shalt  }
0x3e: {  	_ =	shalt  }
0x3f: {  	_ =	shalt  }
0x40: {  	_ =	shalt  }
0x41: {  	_ =	shalt  }
0x42: {  	_ =	shalt  }
0x43: {  	_ =	shalt  }
0x44: {  	_ =	shalt  }
0x45: {  	_ =	shalt  }
0x46: {  	_ =	shalt  }
0x47: {  	_ =	shalt  }
0x48: {  	_ =	shalt  }
0x49: {  	_ =	shalt  }
0x4a: {  	_ =	shalt  }
0x4b: {  	_ =	shalt  }
0x4c: {  	_ =	shalt  }
0x4d: {  	_ =	shalt  }
0x4e: {  	_ =	shalt  }
0x4f: {  	_ =	shalt  }
0x50: {  	_ =	shalt  }
0x51: {  	_ =	shalt  }
0x52: {  	_ =	shalt  }
0x53: {  	_ =	shalt  }
0x54: {  	_ =	shalt  }
0x55: {  	_ =	shalt  }
0x56: {  	_ =	shalt  }
0x57: {  	_ =	shalt  }
0x58: {  	_ =	shalt  }
0x59: {  	_ =	shalt  }
0x5a: {  	_ =	shalt  }
0x5b: {  	_ =	shalt  }
0x5c: {  	_ =	shalt  }
0x5d: {  	_ =	shalt  }
0x5e: {  	_ =	shalt  }
0x5f: {  	_ =	shalt  }
0x60: {  	_ =	shalt  }
0x61: {  	_ =	shalt  }
0x62: {  	_ =	shalt  }
0x63: {  	_ =	shalt  }
0x64: {  	_ =	shalt  }
0x65: {  	_ =	shalt  }
0x66: {  	_ =	shalt  }
0x67: {  	_ =	shalt  }
0x68: {  	_ =	shalt  }
0x69: {  	_ =	shalt  }
0x6a: {  	_ =	shalt  }
0x6b: {  	_ =	shalt  }
0x6c: {  	_ =	shalt  }
0x6d: {  	_ =	shalt  }
0x6e: {  	_ =	shalt  }
0x6f: {  	_ =	shalt  }
0x70: {  	_ =	shalt  }
0x71: {  	_ =	shalt  }
0x72: {  	_ =	shalt  }
0x73: {  	_ =	shalt  }
0x74: {  	_ =	shalt  }
0x75: {  	_ =	shalt  }
0x76: {  	_ =	shalt  }
0x77: {  	_ =	shalt  }
0x78: {  	_ =	shalt  }
0x79: {  	_ =	shalt  }
0x7a: {  	_ =	shalt  }
0x7b: {  	_ =	shalt  }
0x7c: {  	_ =	shalt  }
0x7d: {  	_ =	shalt  }
0x7e: {  	_ =	shalt  }
0x7f: {  	_ =	shalt  }
0x80: {  	_ =	shalt  }
0x81: {  	_ =	shalt  }
0x82: {  	_ =	shalt  }
0x83: {  	_ =	shalt  }
0x84: {  	_ =	shalt  }
0x85: {  	_ =	shalt  }
0x86: {  	_ =	shalt  }
0x87: {  	_ =	shalt  }
.Lfunc_end0:
.L_simem_size_0:
called_computation.2_lowered:
.L_overlay_start_0:
0x88: {  	s2 =	sld [smem:$0x3FD9]  }
0x89: {  	s3 =	sld [smem:$0x3FFE];
	_ =	sdelay $0x1  }
0x8a: {  	s1 =	srdreg.scid  }
0x8b: {  	s0 =	sand.u32 $0x1, s1  }
0x8c: {  	s17 =	sshll.u32 s0, $0xA;
	s2 =	sadd.s32 s3, s2  }
0x8d: {  	s2 =	sadd.s32 s2, s17  }
0x8e: {  	[smem:$0x3FC2] =	sst s2  }
0x8f: {  	_ = 	snop  }
0x90: {  	s2 =	sld [smem:$0x3FD0];
	(tm) =	ssettm $0x1  }
0x91: {  	s18 =	sld [smem:$0x3FFB];
	_ =	sdelay $0x3  }
0x92: {  	_ =	strace s18  }
0x93: {  	s3 =	sld [smem:$0x3FFC];
	_ =	sdelay $0x3  }
0x94: {  	_ =	strace s3  }
0x95: {  	s3 =	sld [smem:$0x3FFD];
	_ =	sdelay $0x3  }
0x96: {  	_ =	strace s3  }
0x97: {  	_ =	strace $0x8FFFFFFF  }
0x98: {  	s19 =	sld [smem:$0x3FDB];
	_ =	sdelay $0x1  }
0x99: {  	s4 =	simm.s32 $_scs_section_size  }
0x9a: {  	s5 =	simm.s32 $_size__tile_overlayer_lowered;
	s6 =	simm.s32 $_tile_overlayer_lowered  }
0x9b: {  	s22 =	simm.s32 $0x1BFF;
	s21 =	sshll.u32 s6, $0x1;
	s3 =	sadd.s32 s4, s19  }
0x9c: {  	s7 =	simm.s32 $0x0;
	s20 =	sshll.u32 s5, $0x1;
	s5 =	sadd.s32 s21, s3  }
0x9d: {  	[timem:s7], [sflag:s22] =	dma.local [hbm:s5], s20  }
0x9e: {  	_ =	swait.ge [sflag:s22], s20  }
0x9f: {  	s4 =	ssub.s32 $0x0, s20;
	[sflag:s22] =	ssyncset.done $0x0  }
0xa0: {  	[sflag:s22] =	ssyncadd.s32 s4;
	_ =	sdelay $0x1  }
0xa1: {  	s23 =	simm.s32 $0x1B8B  }
0xa2: {  	_ =	swait.ge [sflag:s23], $0x1  }
0xa3: {  	[sflag:s23] =	ssyncset.done $0x0  }
0xa4: {  	s25 =	simm.s32 $0x1B8E;
	s24 =	sld [smem:$0x3FFE];
	[sflag:s23] =	ssyncadd.s32 $0xFFFFFFFF  }
0xa5: {  	s26 =	simm.s32 $execute0_lowered;
	[smem:$0x3FD2] =	sst s25  }
0xa6: {  	s5 =	sshll.u32 s26, $0x1;
	_ =	strace $0x8000004C;
	[dreg:$0x1] =	wrdreg $0xFFFFFFFF  }
0xa7: {  	s28 =	simm.s32 $_size_execute0_lowered;
	s3 =	sadd.s32 s3, s5;
	[dreg:$0x0] =	wrdreg $0x0  }
0xa8: {  	s5 =	sshll.u32 s28, $0x1;
	[dreg:$0x2] =	wrdreg s3  }
0xa9: {  	[dreg:$0x3] =	wrdreg s5  }
0xaa: {  	[dreg:$0x4] =	wrdreg $0xC0  }
0xab: {  	_ =	task [dreg:s7], $0x5FFFF  }
0xac: {  	[dreg:$0x1] =	wrdreg $0xFFFFFFFF  }
0xad: {  	[dreg:$0x0] =	wrdreg $0x60  }
0xae: {  	[dreg:$0x2] =	wrdreg s24  }
0xaf: {  	[dreg:$0x3] =	wrdreg s2  }
0xb0: {  	[dreg:$0x4] =	wrdreg $0xB8000  }
0xb1: {  	[dreg:$0x5] =	wrdreg $0x9  }
0xb2: {  	_ =	task.clear_ibuf [dreg:s7], $0x6FFFF;
	_ =	strace $0x9000004C  }
0xb3: {  	s29 =	simm.s32 $0x9;
	_ =	strace $0x8000004E  }
0xb4: {  	_ =	swait.ge [sflag:s29], $0x1  }
0xb5: {  	[sflag:s29] =	ssyncadd.s32 $0xFFFFFFFF  }
0xb6: {  	_ =	strace $0x9000004E  }
0xb7: {  	_ =	sfence  }
0xb8: {  	s30 =	sld [smem:$0x0];
	_ =	sdelay $0x2  }
0xb9: {  	s31 =	sshll.u32 s1, $0xD;
	s1 =	sshrl.u32 s1, $0x2  }
0xba: {  	s3 =	sand.u32 $0x4000, s31;
	s1 =	sadd.s32 s1, s30  }
0xbb: {  	s0 =	sor.u32 s3, s0;
	s1 =	sshll.u32 s1, $0x11  }
0xbc: {  	s0 =	sor.u32 s1, s0  }
0xbd: {  	s0 =	sadd.s32 $0x8F2B, s0  }
0xbe: {  	[sflag:s0] =	ssyncadd.remote.s32 $0x1  }
0xbf: {  	_ =	sfence.sel $0xFFFF  }
0xc0: {  	[dreg:$0x0] =	wrdreg $0xFFFFFFFF;
	(pc) =	sbr.abs _section_cstart, $3  }
0xc1: {  	[dreg:$0x1] =	wrdreg $0xFFFFFFFF  }
0xc2: {  	_ =	task.clear_ibuf [dreg:s7], $0x2FFFF;
	_ =	strace $0x9FFFFFFF  }
0xc3: {  	(tm) =	ssettm $0x7FFFFFFF  }
tec
execute0_lowered:
.L_overlay_start_1:
0x0: {  	(tag) =	ssettag $0x1  }
0x1: {  	s0 =	srdreg.scid  }
0x2: {  	s1 =	rddreg [dreg:$0x0];
	s10 =	stileid.u32  }
0x3: {  	s6 =	rddreg [dreg:$0x1];
	s19 =	simm.s32 $0x5;
	s21 =	simm.s32 $0x6800  }
0x4: {  	s22 =	simm.s32 $0x28;
	s23 =	simm.s32 $0x7C00;
	s28 =	simm.s32 $0xA400  }
0x5: {  	s29 =	simm.s32 $0x1;
	s30 =	simm.s32 $0x2;
	s31 =	simm.s32 $0x3  }
0x6: {  	s18 =	simm.s32 $0x0;
	s0 =	sand.u32 $0x1, s0;
	s9 =	smul.u32 $0x13C00, s10  }
0x7: {  	s7 =	sshll.u32 s10, $0x7;
	s24 =	smul.u32 $0x4F000, s10;
	s2 =	sshll.u32 s0, $0x4  }
0x8: {  	s8 =	smul.u32 $0x13C000, s0;
	s7 =	sand.u32 $0x380, s7;
	s0 =	ssub.s32 $0x2, s0  }
0x9: {  	s5 =	sor.u32 s10, s2;
	s2 =	rddreg [dreg:$0x2];
	s25 =	sshrl.u32 s0, $0x1  }
0xa: {  	s3 =	sshrl.u32 s5, $0x3;
	s8 =	sadd.s32 s9, s8;
	s0 =	ssub.s32 s0, s25  }
0xb: {  	s26 =	sshll.u32 s5, $0xB;
	s9 =	sshrl.u32 s24, $0x2;
	s4 =	smul.u32 $0x14000, s3  }
0xc: {  	s24 =	simm.s32 $0x50;
	s25 =	simm.s32 $0x9000;
	s3 =	simm.s32 $0x0  }
0xd: {  	s8 =	sshrl.u32 s8, $0x3;
	s6 =	sadd.s32 s6, s26;
	s7 =	sor.u32 s7, s4  }
0xe: {  	s16 =	smax.u32 s0, $0x1;
	[smem:$0x7FF] =	sst s3;
	s7 =	sshrl.u32 s7, $0x3  }
0xf: {  	_ =	strace $0x8000004D;
	s4 =	sadd.s32 $0xDA00, s1;
	s7 =	sadd.s32 s7, s1  }
0x10: {  	s1 =	sadd.s32 s8, s1;
	s5 =	sadd.s32 $0x3A00, s7;
	s7 =	sadd.s32 s9, s2  }
0x11: {  	s15 =	sadd.s32 $0x35200, s1;
	s1 =	simm.s32 $0x4;
	s8 =	sadd.s32 $0x2800, s7  }
0x12: {  	s9 =	sadd.s32 $0x5000, s7;
	s10 =	sadd.s32 $0x7800, s7;
	s11 =	sadd.s32 $0xA000, s7  }
0x13: {  	v0 =	vimm.f32 $0.0e+00;
	s12 =	sadd.s32 $0xC800, s7;
	s13 =	sadd.s32 $0xF000, s7;
	s14 =	sadd.s32 $0x11800, s7  }
.LBB2_1:
0x14: {  	s0 =	simm.s32 $0x80;
	s17 =	simm.s32 $0x400  }
0x15: {  	[tilespmem:s3], [sflag:$0x5] =	stream.strided.gather [hbm4b:s5+s0], $0x2800, s17, s0, $0x38;
	[tilespmem:$0x1F400] =	vst v63  }
0x16: {  	_ =	swait.ge [sflag:s19], $0x2800  }
0x17: {  	[sflag:s19] =	ssyncset.done $0x0  }
0x18: {  	s17 =	simm.s32 $0x2800;
	[sflag:s19] =	ssyncadd.s32 $0xFFFFD800  }
0x19: {  	[tilespmem:s17], [sflag:$0x5] =	stream.linear.gather [hbm4b:s6+s3], $0x4000, $0x38;
	[tilespmem:$0x1F400] =	vst v63  }
0x1a: {  	s20 =	sand.u32 $0xFE00, s3;
	s26 =	sand.u32 $0x70, s3;
	_ =	swait.ge [sflag:s19], $0x4000  }
0x1b: {  	s0 =	sshrl.u32 s20, $0x2;
	s20 =	simm.s32 $0x40;
	[sflag:s19] =	ssyncset.done $0x0  }
0x1c: {  	s0 =	sor.u32 s26, s0;
	s26 =	simm.s32 $0x0;
	[sflag:s19] =	ssyncadd.s32 $0xFFFFC000  }
.LBB2_2:
0x1d: {  	p0 =	sne.s32 s20, $0x9FC0  }
0x1e: {  	[tilespmem:s0+$0x6800] =	vst v0;
	s26 =	sadd.s32 $0x10, s26;
	s0 =	smov.u32 s20;
	s20 =	sadd.s32 $0x40, s20  }
.Ltmp0:
0x1f: {  	(pc) =	sbr.rel @p0 .LBB2_2-.Ltmp0, $4  }
0x20: {  	_ = 	snop  }
0x21: {  	s0 =	sand.u32 $0xFE00, s0  }
0x22: {  	s17 =	sand.u32 $0x70, s26;
	s0 =	sshrl.u32 s0, $0x2  }
0x23: {  	s0 =	sor.u32 s17, s0  }
0x24: {  	[tilespmem:s0+$0x6800] =	vst v0  }
0x25: {  	[spmem:s7] =	stream.linear.scatter [tilespmem:s21], [sflag:$0x5], $0x2800, $0x38;
	[tilespmem:$0x1F400] =	vst v63  }
0x26: {  	_ =	swait.ge [sflag:s19], $0x2800  }
0x27: {  	[sflag:s19] =	ssyncset.done $0x0  }
0x28: {  	[sflag:s19] =	ssyncadd.s32 $0xFFFFD800  }
0x29: {  	[spmem:s8] =	stream.linear.scatter [tilespmem:s21], [sflag:$0x5], $0x2800, $0x38;
	[tilespmem:$0x1F400] =	vst v63  }
0x2a: {  	_ =	swait.ge [sflag:s19], $0x2800  }
0x2b: {  	[sflag:s19] =	ssyncset.done $0x0  }
0x2c: {  	[sflag:s19] =	ssyncadd.s32 $0xFFFFD800  }
0x2d: {  	[spmem:s9] =	stream.linear.scatter [tilespmem:s21], [sflag:$0x5], $0x2800, $0x38;
	[tilespmem:$0x1F400] =	vst v63  }
0x2e: {  	_ =	swait.ge [sflag:s19], $0x2800  }
0x2f: {  	[sflag:s19] =	ssyncset.done $0x0  }
0x30: {  	[sflag:s19] =	ssyncadd.s32 $0xFFFFD800  }
0x31: {  	[spmem:s10] =	stream.linear.scatter [tilespmem:s21], [sflag:$0x5], $0x2800, $0x38;
	[tilespmem:$0x1F400] =	vst v63  }
0x32: {  	_ =	swait.ge [sflag:s19], $0x2800  }
0x33: {  	[sflag:s19] =	ssyncset.done $0x0  }
0x34: {  	[sflag:s19] =	ssyncadd.s32 $0xFFFFD800  }
0x35: {  	[spmem:s11] =	stream.linear.scatter [tilespmem:s21], [sflag:$0x5], $0x2800, $0x38;
	[tilespmem:$0x1F400] =	vst v63  }
0x36: {  	_ =	swait.ge [sflag:s19], $0x2800  }
0x37: {  	[sflag:s19] =	ssyncset.done $0x0  }
0x38: {  	[sflag:s19] =	ssyncadd.s32 $0xFFFFD800  }
0x39: {  	[spmem:s12] =	stream.linear.scatter [tilespmem:s21], [sflag:$0x5], $0x2800, $0x38;
	[tilespmem:$0x1F400] =	vst v63  }
0x3a: {  	_ =	swait.ge [sflag:s19], $0x2800  }
0x3b: {  	[sflag:s19] =	ssyncset.done $0x0  }
0x3c: {  	[sflag:s19] =	ssyncadd.s32 $0xFFFFD800  }
0x3d: {  	[spmem:s13] =	stream.linear.scatter [tilespmem:s21], [sflag:$0x5], $0x2800, $0x38;
	[tilespmem:$0x1F400] =	vst v63  }
0x3e: {  	_ =	swait.ge [sflag:s19], $0x2800  }
0x3f: {  	[sflag:s19] =	ssyncset.done $0x0  }
0x40: {  	[sflag:s19] =	ssyncadd.s32 $0xFFFFD800  }
0x41: {  	[spmem:s14] =	stream.linear.scatter [tilespmem:s21], [sflag:$0x5], $0x2400, $0x38;
	[tilespmem:$0x1F400] =	vst v63  }
0x42: {  	_ =	swait.ge [sflag:s19], $0x2400  }
0x43: {  	[sflag:s19] =	ssyncset.done $0x0  }
0x44: {  	s26 =	simm.s32 $0x0;
	[sflag:s19] =	ssyncadd.s32 $0xFFFFDC00  }
0x45: {  	[tilespmem:s21], [sflag:$0x1] =	stream.indirect.gather [hbm4b:s4+s22], $0x80, s26, s22, $0xb8;
	[tilespmem:$0x1F400] =	vst v63  }
0x46: {  	_ = 	snop  }
0x47: {  	[tilespmem:s23], [sflag:$0x1] =	stream.indirect.gather [hbm4b:s4+s22], $0x80, s22, s22, $0xb8;
	[tilespmem:$0x1F400] =	vst v63  }
0x48: {  	_ = 	snop  }
0x49: {  	[tilespmem:s25], [sflag:$0x2] =	stream.indirect.gather [hbm4b:s4+s22], $0x80, s24, s22, $0xb8;
	[tilespmem:$0x1F400] =	vst v63  }
0x4a: {  	s17 =	simm.s32 $0x78  }
0x4b: {  	[tilespmem:s28], [sflag:$0x2] =	stream.indirect.gather [hbm4b:s4+s22], $0x80, s17, s22, $0xb8;
	[tilespmem:$0x1F400] =	vst v63  }
0x4c: {  	[bflag:$0x0] =	sbarrier.arrive $0xFFFF  }
0x4d: {  	_ =	swait.ge [sflag:s29], $0x2800  }
0x4e: {  	[sflag:s29] =	ssyncset.done $0x0  }
0x4f: {  	s20 =	simm.s32 $0x2800;
	[sflag:s29] =	ssyncadd.s32 $0xFFFFD800  }
0x50: {  	[spmem:s2] =	stream.indirect.scatter.add.f32 [tilespmem:s21], [sflag:$0x3], $0x80, s20, s24, $0xb8;
	[tilespmem:$0x1F400] =	vst v63  }
0x51: {  	_ =	swait.ge [sflag:s30], $0x2800  }
0x52: {  	[sflag:s30] =	ssyncset.done $0x0  }
0x53: {  	s26 =	simm.s32 $0x2880;
	[sflag:s30] =	ssyncadd.s32 $0xFFFFD800  }
0x54: {  	[spmem:s2] =	stream.indirect.scatter.add.f32 [tilespmem:s25], [sflag:$0x4], $0x80, s26, s24, $0xb8;
	[tilespmem:$0x1F400] =	vst v63  }
0x55: {  	_ =	swait.ge [sflag:s31], $0x2800  }
0x56: {  	[sflag:s31] =	ssyncset.done $0x0  }
0x57: {  	s17 =	simm.s32 $0xA0;
	[sflag:s31] =	ssyncadd.s32 $0xFFFFD800  }
0x58: {  	[tilespmem:s21], [sflag:$0x1] =	stream.indirect.gather [hbm4b:s4+s22], $0x80, s17, s22, $0xb8;
	[tilespmem:$0x1F400] =	vst v63  }
0x59: {  	s20 =	simm.s32 $0xC8  }
0x5a: {  	[tilespmem:s23], [sflag:$0x1] =	stream.indirect.gather [hbm4b:s4+s22], $0x80, s20, s22, $0xb8;
	[tilespmem:$0x1F400] =	vst v63  }
0x5b: {  	_ =	swait.ge [sflag:s1], $0x2800  }
0x5c: {  	[sflag:s1] =	ssyncset.done $0x0  }
0x5d: {  	s26 =	simm.s32 $0xF0;
	[sflag:s1] =	ssyncadd.s32 $0xFFFFD800  }
0x5e: {  	[tilespmem:s25], [sflag:$0x2] =	stream.indirect.gather [hbm4b:s4+s22], $0x80, s26, s22, $0xb8;
	[tilespmem:$0x1F400] =	vst v63  }
0x5f: {  	s0 =	simm.s32 $0x118;
	s20 =	simm.s32 $0x280;
	s26 =	simm.s32 $0x2980  }
.LBB2_4:
0x60: {  	[tilespmem:s28], [sflag:$0x2] =	stream.indirect.gather [hbm4b:s4+s22], $0x80, s0, s22, $0xb8;
	[tilespmem:$0x1F400] =	vst v63  }
0x61: {  	s0 =	smov.u32 s20  }
0x62: {  	p0 =	sne.s32 s20, $0x9B00;
	s20 =	sadd.s32 $0x280, s20;
	_ =	swait.ge [sflag:s29], $0x2800  }
0x63: {  	[sflag:s29] =	ssyncset.done $0x0  }
0x64: {  	s17 =	sadd.s32 $0xFFFFFF80, s26;
	[sflag:s29] =	ssyncadd.s32 $0xFFFFD800  }
0x65: {  	[spmem:s2] =	stream.indirect.scatter.add.f32 [tilespmem:s21], [sflag:$0x3], $0x80, s17, s24, $0xb8;
	[tilespmem:$0x1F400] =	vst v63  }
0x66: {  	_ =	swait.ge [sflag:s30], $0x2800  }
0x67: {  	[sflag:s30] =	ssyncset.done $0x0  }
0x68: {  	[sflag:s30] =	ssyncadd.s32 $0xFFFFD800  }
0x69: {  	[spmem:s2] =	stream.indirect.scatter.add.f32 [tilespmem:s25], [sflag:$0x4], $0x80, s26, s24, $0xb8;
	[tilespmem:$0x1F400] =	vst v63  }
0x6a: {  	_ =	swait.ge [sflag:s31], $0x2800  }
0x6b: {  	s0 =	sshra.s32 s0, $0x2;
	[sflag:s31] =	ssyncset.done $0x0  }
0x6c: {  	s17 =	sadd.s32 $0xA0, s0;
	[sflag:s31] =	ssyncadd.s32 $0xFFFFD800  }
0x6d: {  	[tilespmem:s21], [sflag:$0x1] =	stream.indirect.gather [hbm4b:s4+s22], $0x80, s17, s22, $0xb8;
	[tilespmem:$0x1F400] =	vst v63  }
0x6e: {  	s17 =	sadd.s32 $0xC8, s0  }
0x6f: {  	[tilespmem:s23], [sflag:$0x1] =	stream.indirect.gather [hbm4b:s4+s22], $0x80, s17, s22, $0xb8;
	[tilespmem:$0x1F400] =	vst v63  }
.Ltmp1:
0x70: {  	_ =	swait.ge [sflag:s1], $0x2800;
	(pc) =	sbr.rel @p0 .LBB2_4-.Ltmp1, $4  }
0x71: {  	[sflag:s1] =	ssyncset.done $0x0  }
0x72: {  	s17 =	sadd.s32 $0xF0, s0;
	[sflag:s1] =	ssyncadd.s32 $0xFFFFD800  }
0x73: {  	[tilespmem:s25], [sflag:$0x2] =	stream.indirect.gather [hbm4b:s4+s22], $0x80, s17, s22, $0xb8;
	[tilespmem:$0x1F400] =	vst v63  }
0x74: {  	s26 =	sadd.s32 $0x100, s26;
	s0 =	sadd.s32 $0x118, s0  }
0x75: {  	[tilespmem:s28], [sflag:$0x2] =	stream.indirect.gather [hbm4b:s4+s22], $0x80, s0, s22, $0xb8;
	[tilespmem:$0x1F400] =	vst v63  }
0x76: {  	_ =	swait.ge [sflag:s29], $0x2800  }
0x77: {  	[sflag:s29] =	ssyncset.done $0x0  }
0x78: {  	s17 =	simm.s32 $0x6700;
	[sflag:s29] =	ssyncadd.s32 $0xFFFFD800  }
0x79: {  	[spmem:s2] =	stream.indirect.scatter.add.f32 [tilespmem:s21], [sflag:$0x3], $0x80, s17, s24, $0xb8;
	[tilespmem:$0x1F400] =	vst v63  }
0x7a: {  	_ =	swait.ge [sflag:s30], $0x2800  }
0x7b: {  	[sflag:s30] =	ssyncset.done $0x0  }
0x7c: {  	s20 =	simm.s32 $0x6780;
	[sflag:s30] =	ssyncadd.s32 $0xFFFFD800  }
0x7d: {  	[spmem:s2] =	stream.indirect.scatter.add.f32 [tilespmem:s25], [sflag:$0x4], $0x80, s20, s24, $0xb8;
	[tilespmem:$0x1F400] =	vst v63  }
0x7e: {  	_ =	swait.ge [sflag:s31], $0x2800  }
0x7f: {  	[sflag:s31] =	ssyncset.done $0x0  }
0x80: {  	[sflag:s31] =	ssyncadd.s32 $0xFFFFD800  }
0x81: {  	s26 =	stileid.u32;
	_ =	swait.ge [sflag:s1], $0x2800  }
0x82: {  	s18 =	sadd.s32 $0x1, s18;
	s0 =	sshll.u32 s26, $0x6;
	[sflag:s1] =	ssyncset.done $0x0  }
0x83: {  	p0 =	sne.s32 s18, s16;
	s0 =	sor.u32 $0x1C05, s0;
	[sflag:s1] =	ssyncadd.s32 $0xFFFFD800  }
.Ltmp2:
0x84: {  	s17 =	sshrl.u32 s7, $0x3;
	[bflag:$0x0] =	sbarrier.arrive $0xFFFF;
	(pc) =	sbr.rel @p0 .LBB2_1-.Ltmp2, $4  }
0x85: {  	[hbm:s15], [sflag:s0] =	dma.local [spmem:s17], $0x2780  }
0x86: {  	_ =	swait.ge [sflag:s19], $0x2780  }
0x87: {  	[sflag:s19] =	ssyncset.done $0x0  }
0x88: {  	[sflag:s19] =	ssyncadd.s32 $0xFFFFD880  }
0x89: {  	_ =	sfence.sel $0x180000  }
0x8a: {  	[bflag:$0x0] =	sbarrier.arrive $0xFFFF  }
0x8b: {  	_ =	strace $0x9000004D  }
0x8c: {  	s0 =	stileid.u32;
	[bflag:$0x2] =	sbarrier.arrive $0xFFFF  }
0x8d: {  	p0 =	sne.s32 s0, $0x0;
	s0 =	rddreg [dreg:$0x3]  }
0x8e: {  	s0 =	sadd.s32 @!p0 $0x100000, s0  }
0x8f: {  	[sflag:s0] =	ssyncadd.tile.s32 @!p0 $0x1;
	_ =	shalt  }
.Lfunc_end2:
_tile_overlayer_lowered:
.L_overlay_start_2:
0x90: {  	(tag) =	ssettag $0x2  }
0x91: {  	s0 =	rddreg [dreg:$0x0];
	s2 =	stileid.u32  }
0x92: {  	s1 =	rddreg [dreg:$0x1];
	p0 =	sne.s32 s2, $0x0  }
0x93: {  	s3 =	rddreg [dreg:$0x2];
	[bflag:$0x3] =	sbarrier.arrive $0xFFFF;
	s2 =	simm.s32 @!p0 $0x1C05  }
0x94: {  	[timem:s3], [sflag:s2] =	dma.local @!p0 [hbm:s0], s1  }
0x95: {  	s0 =	simm.s32 @!p0 $0x5  }
0x96: {  	_ =	swait.ge @!p0 [sflag:s0], s1  }
0x97: {  	s1 =	ssub.s32 @!p0 $0x0, s1;
	[sflag:s0] =	ssyncset.done @!p0 $0x0  }
0x98: {  	[sflag:s0] =	ssyncadd.s32 @!p0 s1  }
0x99: {  	[bflag:$0x3] =	sbarrier.arrive $0xFFFF  }
0x9a: {  	_ =	shalt  }

// kernel: kernel.9.cloned.1.call-start
scs
__scs_entry_jumppad:
0x0: {  	(pc) =	sbr.rel $0x88, $3  }
0x1: {  	(tag) =	ssettag $0x0;
	lr =	simm.s32 $0x1  }
0x2: {  	[smem:$0x3F9B] =	sst lr;
	_ =	strace $0xD0000000  }
0x3: {  	_ = 	snop  }
0x4: {  	_ = 	snop  }
0x5: {  	_ = 	snop  }
0x6: {  	_ = 	snop  }
0x7: {  	_ = 	snop  }
__scs_overlays_trampoline_lowered:
0x8: {  	[smem:$0x3FAA] =	sst s0  }
0x9: {  	[smem:$0x3FAB] =	sst s1  }
0xa: {  	[smem:$0x3FAC] =	sst s2  }
0xb: {  	[smem:$0x3FAD] =	sst s3  }
0xc: {  	[smem:$0x3FAE] =	sst s4  }
0xd: {  	[smem:$0x3FAF] =	sst s5  }
0xe: {  	[smem:$0x3FB0] =	sst s6  }
0xf: {  	[smem:$0x3FB1] =	sst s7  }
0x10: {  	[smem:$0x3FB2] =	sst s8  }
0x11: {  	[smem:$0x3FB3] =	sst s9;
	s0 =	simm.s32 @!p0 $0x0  }
0x12: {  	s1 =	sld [smem:$0x3F99];
	s0 =	simm.s32 @p0 $0x1  }
0x13: {  	[smem:$0x3FB4] =	sst s0;
	s0 =	simm.s32 @!p1 $0x0  }
0x14: {  	s2 =	sld [smem:$0x3F98];
	s0 =	simm.s32 @p1 $0x1  }
0x15: {  	[smem:$0x3FB5] =	sst s0;
	s0 =	simm.s32 @!p2 $0x0  }
0x16: {  	s3 =	sld [smem:$0x3FDB];
	s0 =	simm.s32 @p2 $0x1  }
0x17: {  	s4 =	simm.s32 $0x1BF5;
	[smem:$0x3FB7] =	sst s0  }
0x18: {  	s0 =	sld [smem:$0x3F9A];
	_ =	swait.ge [sflag:s4], $0x0  }
0x19: {  	s7 =	sld [smem:$0x3F9B]  }
0x1a: {  	s8 =	sadd.s32 $0xFFFFE003, lr  }
0x1b: {  	s9 =	sadd.s32 $0xFFFFFEF7, lr;
	s5 =	simm.s32 $0xFFFFFFFF;
	p2 =	slt.u32 s8, $0xFFFFF086  }
0x1c: {  	p1 =	slt.u32 s9, $0xF7A;
	s5 =	simm.s32 @!p2 $0x0  }
0x1d: {  	s5 =	simm.s32 @p1 $0x1;
	p0 =	seq.s32 s7, s2  }
0x1e: {  	s7 =	smul.u32 @!p0 $0xF7A, s2;
	p2 =	seq.s32 @!p0 s5, $0x0  }
0x1f: {  	s9 =	smul.u32 $0xF7A, s1;
	s8 =	simm.s32 @!p0 $0x1BF5;
	p2 =	por !p2, p0  }
0x20: {  	[sflag:s8] =	ssyncset.s32 @!p0 $0xFFFFF086;
	s6 =	sadd.s32 @!p0 s3, s7;
	s7 =	simm.s32 @!p0 $0x108  }
0x21: {  	s3 =	sadd.s32 s3, s9;
	s6 =	sadd.s32 @!p0 $0x88, s6;
	s7 =	simm.s32 @p2 $0x1082  }
0x22: {  	[simem:s7], [sflag:s8] =	dma.local @!p0 [hbm:s6], $0xF7A  }
0x23: {  	s9 =	sor.u32 $0xD0000000, s2;
	s6 =	simm.s32 $0x108;
	_ =	swait.ge @!p0 [sflag:s8], $0x0  }
0x24: {  	s3 =	sadd.s32 $0x88, s3;
	s6 =	simm.s32 @!p1 $0x1082;
	[sflag:s4] =	ssyncset.s32 $0xFFFFF086  }
0x25: {  	[simem:s6], [sflag:s4] =	dma.local [hbm:s3], $0xF7A  }
0x26: {  	[smem:$0x3F9B] =	sst s1;
	(tag) =	ssettag s2;
	_ =	strace s9  }
0x27: {  	s1 =	sld [smem:$0x3FAB]  }
0x28: {  	s2 =	sld [smem:$0x3FAC]  }
0x29: {  	s4 =	sld [smem:$0x3FAE]  }
0x2a: {  	p0 =	seq.s32 s5, $0x0;
	s5 =	sld [smem:$0x3FAF]  }
0x2b: {  	s6 =	sld [smem:$0x3FB0]  }
0x2c: {  	s7 =	sld [smem:$0x3FB1]  }
0x2d: {  	s3 =	simm.s32 $0x108;
	s8 =	sld [smem:$0x3FB2]  }
0x2e: {  	s3 =	simm.s32 @!p0 $0x1082;
	s9 =	sld [smem:$0x3FB3]  }
0x2f: {  	lr =	sadd.s32 s0, s3;
	s0 =	sld [smem:$0x3FAA]  }
0x30: {  	s3 =	sld [smem:$0x3FAD]  }
0x31: {  	[smem:$0x3FB6] =	sst s10  }
0x32: {  	s10 =	sld [smem:$0x3FB4];
	_ =	sdelay $0x3  }
0x33: {  	p0 =	seq.s32 s10, $0x1;
	s10 =	sld [smem:$0x3FB6];
	_ =	sdelay $0x3  }
0x34: {  	[smem:$0x3FB6] =	sst s10  }
0x35: {  	s10 =	sld [smem:$0x3FB5];
	_ =	sdelay $0x3  }
0x36: {  	p1 =	seq.s32 s10, $0x1;
	s10 =	sld [smem:$0x3FB6];
	_ =	sdelay $0x3  }
0x37: {  	[smem:$0x3FB6] =	sst s10  }
0x38: {  	s10 =	sld [smem:$0x3FB7]  }
0x39: {  	_ = 	snop;
	(pc) =	sbr.ind lr, $3  }
0x3a: {  	_ = 	snop  }
0x3b: {  	_ = 	snop  }
0x3c: {  	p2 =	seq.s32 s10, $0x1;
	s10 =	sld [smem:$0x3FB6]  }
0x3d: {  	_ =	shalt  }
0x3e: {  	_ =	shalt  }
0x3f: {  	_ =	shalt  }
0x40: {  	_ =	shalt  }
0x41: {  	_ =	shalt  }
0x42: {  	_ =	shalt  }
0x43: {  	_ =	shalt  }
0x44: {  	_ =	shalt  }
0x45: {  	_ =	shalt  }
0x46: {  	_ =	shalt  }
0x47: {  	_ =	shalt  }
0x48: {  	_ =	shalt  }
0x49: {  	_ =	shalt  }
0x4a: {  	_ =	shalt  }
0x4b: {  	_ =	shalt  }
0x4c: {  	_ =	shalt  }
0x4d: {  	_ =	shalt  }
0x4e: {  	_ =	shalt  }
0x4f: {  	_ =	shalt  }
0x50: {  	_ =	shalt  }
0x51: {  	_ =	shalt  }
0x52: {  	_ =	shalt  }
0x53: {  	_ =	shalt  }
0x54: {  	_ =	shalt  }
0x55: {  	_ =	shalt  }
0x56: {  	_ =	shalt  }
0x57: {  	_ =	shalt  }
0x58: {  	_ =	shalt  }
0x59: {  	_ =	shalt  }
0x5a: {  	_ =	shalt  }
0x5b: {  	_ =	shalt  }
0x5c: {  	_ =	shalt  }
0x5d: {  	_ =	shalt  }
0x5e: {  	_ =	shalt  }
0x5f: {  	_ =	shalt  }
0x60: {  	_ =	shalt  }
0x61: {  	_ =	shalt  }
0x62: {  	_ =	shalt  }
0x63: {  	_ =	shalt  }
0x64: {  	_ =	shalt  }
0x65: {  	_ =	shalt  }
0x66: {  	_ =	shalt  }
0x67: {  	_ =	shalt  }
0x68: {  	_ =	shalt  }
0x69: {  	_ =	shalt  }
0x6a: {  	_ =	shalt  }
0x6b: {  	_ =	shalt  }
0x6c: {  	_ =	shalt  }
0x6d: {  	_ =	shalt  }
0x6e: {  	_ =	shalt  }
0x6f: {  	_ =	shalt  }
0x70: {  	_ =	shalt  }
0x71: {  	_ =	shalt  }
0x72: {  	_ =	shalt  }
0x73: {  	_ =	shalt  }
0x74: {  	_ =	shalt  }
0x75: {  	_ =	shalt  }
0x76: {  	_ =	shalt  }
0x77: {  	_ =	shalt  }
0x78: {  	_ =	shalt  }
0x79: {  	_ =	shalt  }
0x7a: {  	_ =	shalt  }
0x7b: {  	_ =	shalt  }
0x7c: {  	_ =	shalt  }
0x7d: {  	_ =	shalt  }
0x7e: {  	_ =	shalt  }
0x7f: {  	_ =	shalt  }
0x80: {  	_ =	shalt  }
0x81: {  	_ =	shalt  }
0x82: {  	_ =	shalt  }
0x83: {  	_ =	shalt  }
0x84: {  	_ =	shalt  }
0x85: {  	_ =	shalt  }
0x86: {  	_ =	shalt  }
0x87: {  	_ =	shalt  }
.Lfunc_end0:
.L_simem_size_0:
called_computation_lowered:
.L_overlay_start_0:
0x88: {  	s2 =	sld [smem:$0x3FD9]  }
0x89: {  	s3 =	sld [smem:$0x3FFE];
	_ =	sdelay $0x1  }
0x8a: {  	s1 =	srdreg.scid  }
0x8b: {  	s0 =	sand.u32 $0x1, s1  }
0x8c: {  	s17 =	sshll.u32 s0, $0xA;
	s2 =	sadd.s32 s3, s2  }
0x8d: {  	s2 =	sadd.s32 s2, s17  }
0x8e: {  	[smem:$0x3FC2] =	sst s2  }
0x8f: {  	_ = 	snop  }
0x90: {  	s2 =	sld [smem:$0x3FD0];
	(tm) =	ssettm $0x1  }
0x91: {  	s18 =	sld [smem:$0x3FFB];
	_ =	sdelay $0x3  }
0x92: {  	_ =	strace s18  }
0x93: {  	s3 =	sld [smem:$0x3FFC];
	_ =	sdelay $0x3  }
0x94: {  	_ =	strace s3  }
0x95: {  	s3 =	sld [smem:$0x3FFD];
	_ =	sdelay $0x3  }
0x96: {  	_ =	strace s3  }
0x97: {  	_ =	strace $0x8FFFFFFF  }
0x98: {  	s19 =	sld [smem:$0x3FDB];
	_ =	sdelay $0x1  }
0x99: {  	s4 =	simm.s32 $_scs_section_size  }
0x9a: {  	s5 =	simm.s32 $_size__tile_overlayer_lowered;
	s6 =	simm.s32 $_tile_overlayer_lowered  }
0x9b: {  	s22 =	simm.s32 $0x1BFF;
	s21 =	sshll.u32 s6, $0x1;
	s3 =	sadd.s32 s4, s19  }
0x9c: {  	s7 =	simm.s32 $0x0;
	s20 =	sshll.u32 s5, $0x1;
	s5 =	sadd.s32 s21, s3  }
0x9d: {  	[timem:s7], [sflag:s22] =	dma.local [hbm:s5], s20  }
0x9e: {  	_ =	swait.ge [sflag:s22], s20  }
0x9f: {  	s4 =	ssub.s32 $0x0, s20;
	[sflag:s22] =	ssyncset.done $0x0  }
0xa0: {  	[sflag:s22] =	ssyncadd.s32 s4;
	_ =	sdelay $0x1  }
0xa1: {  	s23 =	simm.s32 $0x1B8B  }
0xa2: {  	_ =	swait.ge [sflag:s23], $0x1  }
0xa3: {  	[sflag:s23] =	ssyncset.done $0x0  }
0xa4: {  	s25 =	simm.s32 $0x1B8E;
	s24 =	sld [smem:$0x3FFE];
	[sflag:s23] =	ssyncadd.s32 $0xFFFFFFFF  }
0xa5: {  	s26 =	simm.s32 $execute0_lowered;
	[smem:$0x3FD2] =	sst s25  }
0xa6: {  	s5 =	sshll.u32 s26, $0x1;
	_ =	strace $0x80000046;
	[dreg:$0x1] =	wrdreg $0xFFFFFFFF  }
0xa7: {  	s28 =	simm.s32 $_size_execute0_lowered;
	s3 =	sadd.s32 s3, s5;
	[dreg:$0x0] =	wrdreg $0x0  }
0xa8: {  	s5 =	sshll.u32 s28, $0x1;
	[dreg:$0x2] =	wrdreg s3  }
0xa9: {  	[dreg:$0x3] =	wrdreg s5  }
0xaa: {  	[dreg:$0x4] =	wrdreg $0xC0  }
0xab: {  	_ =	task [dreg:s7], $0x5FFFF  }
0xac: {  	[dreg:$0x1] =	wrdreg $0xFFFFFFFF  }
0xad: {  	[dreg:$0x0] =	wrdreg $0x60  }
0xae: {  	[dreg:$0x2] =	wrdreg s2  }
0xaf: {  	[dreg:$0x3] =	wrdreg s24  }
0xb0: {  	[dreg:$0x4] =	wrdreg $0x5000  }
0xb1: {  	[dreg:$0x5] =	wrdreg $0x9  }
0xb2: {  	_ =	task.clear_ibuf [dreg:s7], $0x6FFFF;
	_ =	strace $0x90000046  }
0xb3: {  	s29 =	simm.s32 $0x9;
	_ =	strace $0x80000048  }
0xb4: {  	_ =	swait.ge [sflag:s29], $0x1  }
0xb5: {  	[sflag:s29] =	ssyncadd.s32 $0xFFFFFFFF  }
0xb6: {  	_ =	strace $0x90000048  }
0xb7: {  	_ =	sfence  }
0xb8: {  	s30 =	sld [smem:$0x0];
	_ =	sdelay $0x2  }
0xb9: {  	s31 =	sshll.u32 s1, $0xD;
	s1 =	sshrl.u32 s1, $0x2  }
0xba: {  	s3 =	sand.u32 $0x4000, s31;
	s1 =	sadd.s32 s1, s30  }
0xbb: {  	s0 =	sor.u32 s3, s0;
	s1 =	sshll.u32 s1, $0x11  }
0xbc: {  	s0 =	sor.u32 s1, s0  }
0xbd: {  	s0 =	sadd.s32 $0x8F2B, s0  }
0xbe: {  	[sflag:s0] =	ssyncadd.remote.s32 $0x1  }
0xbf: {  	_ =	sfence.sel $0xFFFF  }
0xc0: {  	[dreg:$0x0] =	wrdreg $0xFFFFFFFF;
	(pc) =	sbr.abs _section_cstart, $3  }
0xc1: {  	[dreg:$0x1] =	wrdreg $0xFFFFFFFF  }
0xc2: {  	_ =	task.clear_ibuf [dreg:s7], $0x2FFFF;
	_ =	strace $0x9FFFFFFF  }
0xc3: {  	(tm) =	ssettm $0x7FFFFFFF  }
tec
execute0_lowered:
.L_overlay_start_1:
0x0: {  	(tag) =	ssettag $0x1  }
0x1: {  	s0 =	rddreg [dreg:$0x0]  }
0x2: {  	s1 =	rddreg [dreg:$0x1]  }
0x3: {  	s2 =	rddreg [dreg:$0x2]  }
0x4: {  	s4 =	srdreg.scid;
	s25 =	stileid.u32;
	s3 =	simm.s32 $0x0  }
0x5: {  	s16 =	simm.s32 $0x1;
	s17 =	simm.s32 $0x50;
	s18 =	simm.s32 $0x400  }
0x6: {  	s19 =	simm.s32 $0x80;
	s20 =	simm.s32 $0x100;
	s21 =	simm.s32 $0x180  }
0x7: {  	s22 =	simm.s32 $0x200;
	s23 =	simm.s32 $0x280;
	s24 =	simm.s32 $0x300  }
0x8: {  	s31 =	simm.s32 $0x0;
	s12 =	sand.u32 $0x1, s4;
	s26 =	smul.u32 $0x500, s25  }
0x9: {  	[smem:$0x7FF] =	sst s3;
	s6 =	smul.u32 $0xA00, s25;
	s15 =	sshll.u32 s25, $0xB  }
0xa: {  	s30 =	sshll.u32 s25, $0x6;
	s5 =	sshll.u32 s12, $0x7;
	_ =	strace $0x80000047  }
0xb: {  	s29 =	ssub.s32 $0x2, s12;
	s14 =	sshll.u32 s12, $0xF;
	s25 =	sor.u32 $0x1C01, s30  }
0xc: {  	s4 =	sor.u32 s5, s26;
	s7 =	sshrl.u32 s29, $0x1;
	s6 =	sshrl.u32 s6, $0x2  }
0xd: {  	s0 =	sadd.s32 s14, s0;
	s26 =	simm.s32 $0x380;
	s4 =	sshrl.u32 s4, $0x3  }
0xe: {  	s13 =	ssub.s32 s29, s7;
	s14 =	sadd.s32 s15, s0;
	s15 =	simm.s32 $0x480  }
0xf: {  	s1 =	sadd.s32 s4, s1;
	s4 =	sadd.s32 s6, s2;
	s13 =	smax.u32 s13, $0x1  }
0x10: {  	s5 =	sadd.s32 $0x50, s4;
	s6 =	sadd.s32 $0xA0, s4;
	s7 =	sadd.s32 $0xF0, s4  }
0x11: {  	s8 =	sadd.s32 $0x140, s4;
	s9 =	sadd.s32 $0x190, s4;
	s10 =	sadd.s32 $0x1E0, s4  }
0x12: {  	v0 =	vimm.f32 $1.000000000e+00;
	v1 =	vimm.f32 $0.0e+00;
	s11 =	sadd.s32 $0x230, s4;
	s12 =	sadd.s32 $0x3000, s1;
	s28 =	sshrl.u32 s4, $0x3  }
.LBB2_1:
0x13: {  	[tilespmem:$0x400] =	vst v0  }
0x14: {  	[tilespmem:$0x480] =	vst v1  }
0x15: {  	[tilespmem:$0x410] =	vst v0  }
0x16: {  	[tilespmem:$0x490] =	vst v1  }
0x17: {  	[tilespmem:$0x420] =	vst v0  }
0x18: {  	[tilespmem:$0x4A0] =	vst v1  }
0x19: {  	[tilespmem:$0x430] =	vst v0  }
0x1a: {  	[tilespmem:$0x4B0] =	vst v1  }
0x1b: {  	[tilespmem:$0x440] =	vst v0  }
0x1c: {  	[tilespmem:$0x4C0] =	vst v1  }
0x1d: {  	[spmem:s4] =	stream.linear.scatter [tilespmem:s15], [sflag:$0x1], $0x50, $0x38;
	[tilespmem:$0x780] =	vst v63  }
0x1e: {  	_ =	swait.ge [sflag:s16], $0x50  }
0x1f: {  	[sflag:s16] =	ssyncset.done $0x0  }
0x20: {  	[sflag:s16] =	ssyncadd.s32 $0xFFFFFFB0  }
0x21: {  	[spmem:s5] =	stream.linear.scatter [tilespmem:s15], [sflag:$0x1], $0x50, $0x38;
	[tilespmem:$0x780] =	vst v63  }
0x22: {  	_ =	swait.ge [sflag:s16], $0x50  }
0x23: {  	[sflag:s16] =	ssyncset.done $0x0  }
0x24: {  	[sflag:s16] =	ssyncadd.s32 $0xFFFFFFB0  }
0x25: {  	[spmem:s6] =	stream.linear.scatter [tilespmem:s15], [sflag:$0x1], $0x50, $0x38;
	[tilespmem:$0x780] =	vst v63  }
0x26: {  	_ =	swait.ge [sflag:s16], $0x50  }
0x27: {  	[sflag:s16] =	ssyncset.done $0x0  }
0x28: {  	[sflag:s16] =	ssyncadd.s32 $0xFFFFFFB0  }
0x29: {  	[spmem:s7] =	stream.linear.scatter [tilespmem:s15], [sflag:$0x1], $0x50, $0x38;
	[tilespmem:$0x780] =	vst v63  }
0x2a: {  	_ =	swait.ge [sflag:s16], $0x50  }
0x2b: {  	[sflag:s16] =	ssyncset.done $0x0  }
0x2c: {  	[sflag:s16] =	ssyncadd.s32 $0xFFFFFFB0  }
0x2d: {  	[spmem:s8] =	stream.linear.scatter [tilespmem:s15], [sflag:$0x1], $0x50, $0x38;
	[tilespmem:$0x780] =	vst v63  }
0x2e: {  	_ =	swait.ge [sflag:s16], $0x50  }
0x2f: {  	[sflag:s16] =	ssyncset.done $0x0  }
0x30: {  	[sflag:s16] =	ssyncadd.s32 $0xFFFFFFB0  }
0x31: {  	[spmem:s9] =	stream.linear.scatter [tilespmem:s15], [sflag:$0x1], $0x50, $0x38;
	[tilespmem:$0x780] =	vst v63  }
0x32: {  	_ =	swait.ge [sflag:s16], $0x50  }
0x33: {  	[sflag:s16] =	ssyncset.done $0x0  }
0x34: {  	[sflag:s16] =	ssyncadd.s32 $0xFFFFFFB0  }
0x35: {  	[spmem:s10] =	stream.linear.scatter [tilespmem:s15], [sflag:$0x1], $0x50, $0x38;
	[tilespmem:$0x780] =	vst v63  }
0x36: {  	_ =	swait.ge [sflag:s16], $0x50  }
0x37: {  	[sflag:s16] =	ssyncset.done $0x0  }
0x38: {  	[sflag:s16] =	ssyncadd.s32 $0xFFFFFFB0  }
0x39: {  	[spmem:s11] =	stream.linear.scatter [tilespmem:s15], [sflag:$0x1], $0x50, $0x38;
	[tilespmem:$0x780] =	vst v63  }
0x3a: {  	_ =	swait.ge [sflag:s16], $0x50  }
0x3b: {  	[sflag:s16] =	ssyncset.done $0x0  }
0x3c: {  	[sflag:s16] =	ssyncadd.s32 $0xFFFFFFB0  }
0x3d: {  	s0 =	sadd.s32 $0x0, s14;
	[bflag:$0x0] =	sbarrier.arrive $0xFFFF  }
0x3e: {  	[tilespmem:s3], [sflag:$0x1] =	stream.linear.gather [hbm4b:s0+s3], $0x400, $0x38;
	[tilespmem:$0x780] =	vst v63  }
0x3f: {  	_ =	swait.ge [sflag:s16], $0x400  }
0x40: {  	[sflag:s16] =	ssyncset.done $0x0  }
0x41: {  	[sflag:s16] =	ssyncadd.s32 $0xFFFFFC00  }
0x42: {  	[spmem:s2] =	stream.indirect.scatter.add.f32 [tilespmem:s18], [sflag:$0x1], $0x1, s3, s17, $0xb8;
	[tilespmem:$0x780] =	vst v63  }
0x43: {  	_ =	swait.ge [sflag:s16], $0x50  }
0x44: {  	[sflag:s16] =	ssyncset.done $0x0  }
0x45: {  	[sflag:s16] =	ssyncadd.s32 $0xFFFFFFB0  }
0x46: {  	[spmem:s2] =	stream.indirect.scatter.add.f32 [tilespmem:s18], [sflag:$0x1], $0x1, s19, s17, $0xb8;
	[tilespmem:$0x780] =	vst v63  }
0x47: {  	_ =	swait.ge [sflag:s16], $0x50  }
0x48: {  	[sflag:s16] =	ssyncset.done $0x0  }
0x49: {  	[sflag:s16] =	ssyncadd.s32 $0xFFFFFFB0  }
0x4a: {  	[spmem:s2] =	stream.indirect.scatter.add.f32 [tilespmem:s18], [sflag:$0x1], $0x1, s20, s17, $0xb8;
	[tilespmem:$0x780] =	vst v63  }
0x4b: {  	_ =	swait.ge [sflag:s16], $0x50  }
0x4c: {  	[sflag:s16] =	ssyncset.done $0x0  }
0x4d: {  	[sflag:s16] =	ssyncadd.s32 $0xFFFFFFB0  }
0x4e: {  	[spmem:s2] =	stream.indirect.scatter.add.f32 [tilespmem:s18], [sflag:$0x1], $0x1, s21, s17, $0xb8;
	[tilespmem:$0x780] =	vst v63  }
0x4f: {  	_ =	swait.ge [sflag:s16], $0x50  }
0x50: {  	[sflag:s16] =	ssyncset.done $0x0  }
0x51: {  	[sflag:s16] =	ssyncadd.s32 $0xFFFFFFB0  }
0x52: {  	[spmem:s2] =	stream.indirect.scatter.add.f32 [tilespmem:s18], [sflag:$0x1], $0x1, s22, s17, $0xb8;
	[tilespmem:$0x780] =	vst v63  }
0x53: {  	_ =	swait.ge [sflag:s16], $0x50  }
0x54: {  	[sflag:s16] =	ssyncset.done $0x0  }
0x55: {  	[sflag:s16] =	ssyncadd.s32 $0xFFFFFFB0  }
0x56: {  	[spmem:s2] =	stream.indirect.scatter.add.f32 [tilespmem:s18], [sflag:$0x1], $0x1, s23, s17, $0xb8;
	[tilespmem:$0x780] =	vst v63  }
0x57: {  	_ =	swait.ge [sflag:s16], $0x50  }
0x58: {  	[sflag:s16] =	ssyncset.done $0x0  }
0x59: {  	[sflag:s16] =	ssyncadd.s32 $0xFFFFFFB0  }
0x5a: {  	[spmem:s2] =	stream.indirect.scatter.add.f32 [tilespmem:s18], [sflag:$0x1], $0x1, s24, s17, $0xb8;
	[tilespmem:$0x780] =	vst v63  }
0x5b: {  	_ =	swait.ge [sflag:s16], $0x50  }
0x5c: {  	[sflag:s16] =	ssyncset.done $0x0  }
0x5d: {  	[sflag:s16] =	ssyncadd.s32 $0xFFFFFFB0  }
0x5e: {  	[spmem:s2] =	stream.indirect.scatter.add.f32 [tilespmem:s18], [sflag:$0x1], $0x1, s26, s17, $0xb8;
	[tilespmem:$0x780] =	vst v63  }
0x5f: {  	_ =	swait.ge [sflag:s16], $0x50  }
0x60: {  	s1 =	simm.s32 $0x100;
	s0 =	simm.s32 $0x80;
	[sflag:s16] =	ssyncset.done $0x0  }
.LBB2_2:
0x61: {  	s30 =	sadd.s32 s0, s14  }
0x62: {  	[sflag:s16] =	ssyncadd.s32 $0xFFFFFFB0;
	s0 =	smov.u32 s1;
	s29 =	sadd.s32 $0x80, s1  }
0x63: {  	[tilespmem:s3], [sflag:$0x1] =	stream.linear.gather [hbm4b:s30+s3], $0x400, $0x38;
	[tilespmem:$0x780] =	vst v63  }
0x64: {  	p0 =	sne.s32 s1, $0x780;
	_ =	swait.ge [sflag:s16], $0x400  }
0x65: {  	[sflag:s16] =	ssyncset.done $0x0  }
0x66: {  	[sflag:s16] =	ssyncadd.s32 $0xFFFFFC00  }
0x67: {  	[spmem:s2] =	stream.indirect.scatter.add.f32 [tilespmem:s18], [sflag:$0x1], $0x1, s3, s17, $0xb8;
	[tilespmem:$0x780] =	vst v63  }
0x68: {  	_ =	swait.ge [sflag:s16], $0x50  }
0x69: {  	[sflag:s16] =	ssyncset.done $0x0  }
0x6a: {  	[sflag:s16] =	ssyncadd.s32 $0xFFFFFFB0  }
0x6b: {  	[spmem:s2] =	stream.indirect.scatter.add.f32 [tilespmem:s18], [sflag:$0x1], $0x1, s19, s17, $0xb8;
	[tilespmem:$0x780] =	vst v63  }
0x6c: {  	_ =	swait.ge [sflag:s16], $0x50  }
0x6d: {  	[sflag:s16] =	ssyncset.done $0x0  }
0x6e: {  	[sflag:s16] =	ssyncadd.s32 $0xFFFFFFB0  }
0x6f: {  	[spmem:s2] =	stream.indirect.scatter.add.f32 [tilespmem:s18], [sflag:$0x1], $0x1, s20, s17, $0xb8;
	[tilespmem:$0x780] =	vst v63  }
0x70: {  	_ =	swait.ge [sflag:s16], $0x50  }
0x71: {  	[sflag:s16] =	ssyncset.done $0x0  }
0x72: {  	[sflag:s16] =	ssyncadd.s32 $0xFFFFFFB0  }
0x73: {  	[spmem:s2] =	stream.indirect.scatter.add.f32 [tilespmem:s18], [sflag:$0x1], $0x1, s21, s17, $0xb8;
	[tilespmem:$0x780] =	vst v63  }
0x74: {  	_ =	swait.ge [sflag:s16], $0x50  }
0x75: {  	[sflag:s16] =	ssyncset.done $0x0  }
0x76: {  	[sflag:s16] =	ssyncadd.s32 $0xFFFFFFB0  }
0x77: {  	[spmem:s2] =	stream.indirect.scatter.add.f32 [tilespmem:s18], [sflag:$0x1], $0x1, s22, s17, $0xb8;
	[tilespmem:$0x780] =	vst v63  }
0x78: {  	_ =	swait.ge [sflag:s16], $0x50  }
0x79: {  	[sflag:s16] =	ssyncset.done $0x0  }
0x7a: {  	[sflag:s16] =	ssyncadd.s32 $0xFFFFFFB0  }
0x7b: {  	[spmem:s2] =	stream.indirect.scatter.add.f32 [tilespmem:s18], [sflag:$0x1], $0x1, s23, s17, $0xb8;
	[tilespmem:$0x780] =	vst v63  }
0x7c: {  	_ =	swait.ge [sflag:s16], $0x50  }
0x7d: {  	[sflag:s16] =	ssyncset.done $0x0  }
0x7e: {  	[sflag:s16] =	ssyncadd.s32 $0xFFFFFFB0  }
0x7f: {  	[spmem:s2] =	stream.indirect.scatter.add.f32 [tilespmem:s18], [sflag:$0x1], $0x1, s24, s17, $0xb8;
	[tilespmem:$0x780] =	vst v63  }
0x80: {  	_ =	swait.ge [sflag:s16], $0x50  }
.Ltmp0:
0x81: {  	[sflag:s16] =	ssyncset.done $0x0;
	(pc) =	sbr.rel @p0 .LBB2_2-.Ltmp0, $4  }
0x82: {  	[sflag:s16] =	ssyncadd.s32 $0xFFFFFFB0  }
0x83: {  	[spmem:s2] =	stream.indirect.scatter.add.f32 [tilespmem:s18], [sflag:$0x1], $0x1, s26, s17, $0xb8;
	[tilespmem:$0x780] =	vst v63  }
0x84: {  	_ =	swait.ge [sflag:s16], $0x50  }
0x85: {  	s1 =	smov.u32 s29;
	[sflag:s16] =	ssyncset.done $0x0  }
0x86: {  	s0 =	sadd.s32 s0, s14;
	[sflag:s16] =	ssyncadd.s32 $0xFFFFFFB0  }
0x87: {  	[tilespmem:s3], [sflag:$0x1] =	stream.linear.gather [hbm4b:s0+s3], $0x400, $0x38;
	[tilespmem:$0x780] =	vst v63  }
0x88: {  	_ =	swait.ge [sflag:s16], $0x400  }
0x89: {  	[sflag:s16] =	ssyncset.done $0x0  }
0x8a: {  	[sflag:s16] =	ssyncadd.s32 $0xFFFFFC00  }
0x8b: {  	[spmem:s2] =	stream.indirect.scatter.add.f32 [tilespmem:s18], [sflag:$0x1], $0x1, s3, s17, $0xb8;
	[tilespmem:$0x780] =	vst v63  }
0x8c: {  	_ =	swait.ge [sflag:s16], $0x50  }
0x8d: {  	[sflag:s16] =	ssyncset.done $0x0  }
0x8e: {  	[sflag:s16] =	ssyncadd.s32 $0xFFFFFFB0  }
0x8f: {  	[spmem:s2] =	stream.indirect.scatter.add.f32 [tilespmem:s18], [sflag:$0x1], $0x1, s19, s17, $0xb8;
	[tilespmem:$0x780] =	vst v63  }
0x90: {  	_ =	swait.ge [sflag:s16], $0x50  }
0x91: {  	[sflag:s16] =	ssyncset.done $0x0  }
0x92: {  	[sflag:s16] =	ssyncadd.s32 $0xFFFFFFB0  }
0x93: {  	[spmem:s2] =	stream.indirect.scatter.add.f32 [tilespmem:s18], [sflag:$0x1], $0x1, s20, s17, $0xb8;
	[tilespmem:$0x780] =	vst v63  }
0x94: {  	_ =	swait.ge [sflag:s16], $0x50  }
0x95: {  	[sflag:s16] =	ssyncset.done $0x0  }
0x96: {  	[sflag:s16] =	ssyncadd.s32 $0xFFFFFFB0  }
0x97: {  	[spmem:s2] =	stream.indirect.scatter.add.f32 [tilespmem:s18], [sflag:$0x1], $0x1, s21, s17, $0xb8;
	[tilespmem:$0x780] =	vst v63  }
0x98: {  	_ =	swait.ge [sflag:s16], $0x50  }
0x99: {  	[sflag:s16] =	ssyncset.done $0x0  }
0x9a: {  	[sflag:s16] =	ssyncadd.s32 $0xFFFFFFB0  }
0x9b: {  	[spmem:s2] =	stream.indirect.scatter.add.f32 [tilespmem:s18], [sflag:$0x1], $0x1, s22, s17, $0xb8;
	[tilespmem:$0x780] =	vst v63  }
0x9c: {  	_ =	swait.ge [sflag:s16], $0x50  }
0x9d: {  	[sflag:s16] =	ssyncset.done $0x0  }
0x9e: {  	[sflag:s16] =	ssyncadd.s32 $0xFFFFFFB0  }
0x9f: {  	[spmem:s2] =	stream.indirect.scatter.add.f32 [tilespmem:s18], [sflag:$0x1], $0x1, s23, s17, $0xb8;
	[tilespmem:$0x780] =	vst v63  }
0xa0: {  	_ =	swait.ge [sflag:s16], $0x50  }
0xa1: {  	[sflag:s16] =	ssyncset.done $0x0  }
0xa2: {  	[sflag:s16] =	ssyncadd.s32 $0xFFFFFFB0  }
0xa3: {  	[spmem:s2] =	stream.indirect.scatter.add.f32 [tilespmem:s18], [sflag:$0x1], $0x1, s24, s17, $0xb8;
	[tilespmem:$0x780] =	vst v63  }
0xa4: {  	_ =	swait.ge [sflag:s16], $0x50  }
0xa5: {  	[sflag:s16] =	ssyncset.done $0x0  }
0xa6: {  	[sflag:s16] =	ssyncadd.s32 $0xFFFFFFB0  }
0xa7: {  	[spmem:s2] =	stream.indirect.scatter.add.f32 [tilespmem:s18], [sflag:$0x1], $0x1, s26, s17, $0xb8;
	[tilespmem:$0x780] =	vst v63  }
0xa8: {  	_ =	swait.ge [sflag:s16], $0x50  }
0xa9: {  	s31 =	sadd.s32 $0x1, s31;
	[sflag:s16] =	ssyncset.done $0x0  }
0xaa: {  	s30 =	simm.s32 $0x20;
	p0 =	sne.s32 s31, s13;
	[sflag:s16] =	ssyncadd.s32 $0xFFFFFFB0  }
.Ltmp1:
0xab: {  	s1 =	simm.s32 $0x10;
	[bflag:$0x0] =	sbarrier.arrive $0xFFFF;
	(pc) =	sbr.rel @p0 .LBB2_1-.Ltmp1, $4  }
0xac: {  	[hbm:s12@s30], [sflag:s25] =	dma.strided [spmem:s28@s1], $0x50, s16, $0x10   }
0xad: {  	_ =	swait.ge [sflag:s16], $0x50  }
0xae: {  	[sflag:s16] =	ssyncset.done $0x0  }
0xaf: {  	[sflag:s16] =	ssyncadd.s32 $0xFFFFFFB0  }
0xb0: {  	_ =	sfence.sel $0x180000  }
0xb1: {  	[bflag:$0x0] =	sbarrier.arrive $0xFFFF  }
0xb2: {  	_ =	strace $0x90000047  }
0xb3: {  	s0 =	stileid.u32;
	[bflag:$0x2] =	sbarrier.arrive $0xFFFF  }
0xb4: {  	p0 =	sne.s32 s0, $0x0;
	s0 =	rddreg [dreg:$0x3]  }
0xb5: {  	s0 =	sadd.s32 @!p0 $0x100000, s0  }
0xb6: {  	[sflag:s0] =	ssyncadd.tile.s32 @!p0 $0x1;
	_ =	shalt  }
.Lfunc_end2:
_tile_overlayer_lowered:
.L_overlay_start_2:
0xb7: {  	(tag) =	ssettag $0x2  }
0xb8: {  	s0 =	rddreg [dreg:$0x0];
	s2 =	stileid.u32  }
0xb9: {  	s1 =	rddreg [dreg:$0x1];
	p0 =	sne.s32 s2, $0x0  }
0xba: {  	s3 =	rddreg [dreg:$0x2];
	[bflag:$0x3] =	sbarrier.arrive $0xFFFF;
	s2 =	simm.s32 @!p0 $0x1C01  }
0xbb: {  	[timem:s3], [sflag:s2] =	dma.local @!p0 [hbm:s0], s1  }
0xbc: {  	s0 =	simm.s32 @!p0 $0x1  }
0xbd: {  	_ =	swait.ge @!p0 [sflag:s0], s1  }
0xbe: {  	s1 =	ssub.s32 @!p0 $0x0, s1;
	[sflag:s0] =	ssyncset.done @!p0 $0x0  }
0xbf: {  	[sflag:s0] =	ssyncadd.s32 @!p0 s1  }
0xc0: {  	[bflag:$0x3] =	sbarrier.arrive $0xFFFF  }
0xc1: {  	_ =	shalt  }

</sc_bundles>
